<compile_context>
chip_gen: v7x
topology: tpu7x:2x2x1
jax: 0.10.2.dev20260603
libtpu: 0.0.44.dev20260713+nightly
codegen_flags: <defaults>
</compile_context>

<pallas_src>
import dataclasses
import functools

import jax
import jax.numpy as jnp
from jax import lax
from jax.experimental import pallas as pl
from jax.experimental.pallas import tpu as pltpu
from jax.experimental.pallas import tpu_sc as plsc

N = 10000
E = 160000
D = 256
DH = 128
NPAD = 10240
NC = 2
NS = 16
CH = 128
NROW = E // CH
NSLAB = 10
XSUB = 156 - (NSLAB - 1) * NS
ZR = 128
RPS = NPAD // NS


_RB = 2000
_NRB = N // _RB


def _proj_body(h_ref, w2_ref, out_ref):
    h_blk = h_ref[...]
    w2 = w2_ref[...]
    for half in range(NC):
        out_ref[half] = lax.dot_general(
            h_blk, w2[half * DH:(half + 1) * DH, :],
            (((1,), (1,)), ((), ())),
            preferred_element_type=jnp.float32,
        )


def _proj(h, W2):
    return pl.pallas_call(
        _proj_body,
        grid=(_NRB,),
        in_specs=[
            pl.BlockSpec((_RB, D), lambda i: (i, 0)),
            pl.BlockSpec((D, D), lambda i: (0, 0)),
        ],
        out_specs=pl.BlockSpec((NC, _RB, DH), lambda i: (0, i, 0)),
        out_shape=jax.ShapeDtypeStruct((NC, NPAD, DH), jnp.float32),
    )(h, W2)




def _sc_agg(p2, ei3):
    mesh = plsc.VectorSubcoreMesh(core_axis_name="c", subcore_axis_name="s")
    cp = pltpu.CompilerParams()
    if "needs_layout_passes" in pltpu.CompilerParams.__dataclass_fields__:
        cp = dataclasses.replace(cp, needs_layout_passes=False)

    @functools.partial(
        pl.kernel,
        compiler_params=cp,
        out_type=(
            jax.ShapeDtypeStruct((NC * NPAD, DH), jnp.float32),
            jax.ShapeDtypeStruct((NS, NPAD), jnp.float32),
        ),
        mesh=mesh,
        scratch_types=[
            pltpu.VMEM((8, CH), jnp.int32),
            pltpu.VMEM((8, CH), jnp.int32),
            pltpu.VMEM((2, CH, DH), jnp.float32),
            pltpu.VMEM((NPAD,), jnp.float32),
            pltpu.VMEM_SHARED((NPAD, DH), jnp.float32),
            pltpu.SemaphoreType.DMA,
            pltpu.SemaphoreType.DMA,
            pltpu.SemaphoreType.DMA,
            pltpu.SemaphoreType.DMA,
        ],
    )
    def k(p2_h, ei_h, acc_h, deg_h,
          isrc, idst, rows, hist,
          acc_sh, sg0, sg1, ss0, ss1):
        src_h = ei_h.at[0]
        dst_h = ei_h.at[1]
        c = lax.axis_index("c")
        s = lax.axis_index("s")
        core0 = c == 0
        off = c * NPAD

        zv = jnp.zeros((16,), jnp.float32)
        ov = jnp.ones((16,), jnp.float32)

        @pl.loop(0, ZR)
        def _(i):
            @pl.loop(0, DH, step=16)
            def _(j):
                rows[0, i, pl.ds(j, 16)] = zv

        @pl.loop(0, NPAD, step=16)
        def _(i):
            hist[pl.ds(i, 16)] = zv

        rbase = s * RPS

        @pl.loop(0, RPS, step=ZR)
        def _(r):
            pltpu.sync_copy(rows.at[0], acc_sh.at[pl.ds(rbase + r, ZR)])

        plsc.subcore_barrier()

        sgs = (sg0, sg1)
        ssem = (ss0, ss1)

        def load_slab(r_, n):
            pltpu.sync_copy(src_h.at[pl.ds(r_, n)], isrc.at[pl.ds(0, n)])
            pltpu.sync_copy(dst_h.at[pl.ds(r_, n)], idst.at[pl.ds(0, n)])
            for b in range(n):
                @pl.loop(0, CH, step=16)
                def _(j, b=b):
                    isrc[b, pl.ds(j, 16)] = isrc[b, pl.ds(j, 16)] + off

        def gather(b, rb):
            return pltpu.async_copy(p2_h.at[isrc.at[b]], rows.at[rb], sgs[rb])

        def scatter(b, rb):
            d = pltpu.async_copy(rows.at[rb], acc_sh.at[idst.at[b]],
                                 ssem[rb], add=True)

            @pl.when(core0)
            def _():
                @pl.loop(0, CH, step=16)
                def _(j):
                    plsc.addupdate_scatter(hist, [idst[b, pl.ds(j, 16)]], ov)

            return d

        def quad(b0):
            d0 = gather(b0, 0)
            d1 = gather(b0 + 1, 1)
            d0.wait()
            s0 = scatter(b0, 0)
            d1.wait()
            s1 = scatter(b0 + 1, 1)
            s0.wait()
            d0 = gather(b0 + 2, 0)
            s1.wait()
            d1 = gather(b0 + 3, 1)
            d0.wait()
            s0 = scatter(b0 + 2, 0)
            d1.wait()
            s1 = scatter(b0 + 3, 1)
            s0.wait()
            s1.wait()

        def slab8(r_):
            load_slab(r_, 8)
            quad(0)
            quad(4)

        @pl.loop(0, NSLAB - 1)
        def _(i):
            slab8(i * NS * 8 + s * 8)

        @pl.when(s < XSUB)
        def _():
            slab8((NSLAB - 1) * NS * 8 + s * 8)

        @pl.when(s == 0)
        def _():
            load_slab(NROW - 2, 2)
            d0 = gather(0, 0)
            d1 = gather(1, 1)
            d0.wait()
            s0 = scatter(0, 0)
            d1.wait()
            s1 = scatter(1, 1)
            s0.wait()
            s1.wait()

        plsc.subcore_barrier()

        pltpu.sync_copy(acc_sh.at[pl.ds(rbase, RPS)],
                        acc_h.at[pl.ds(off + rbase, RPS)])

        @pl.when(core0)
        def _():
            pltpu.sync_copy(hist, deg_h.at[s])

    return k(p2, ei3)




def _lin_body(h_ref, w1_ref, b2_ref, out_ref):
    out_ref[...] = lax.dot_general(
        h_ref[...], w1_ref[...],
        (((1,), (1,)), ((), ())),
        preferred_element_type=jnp.float32,
    ) + b2_ref[...]


def _linear(h, W1, b2):
    return pl.pallas_call(
        _lin_body,
        grid=(_NRB,),
        in_specs=[
            pl.BlockSpec((_RB, D), lambda i: (i, 0)),
            pl.BlockSpec((D, D), lambda i: (0, 0)),
            pl.BlockSpec((1, D), lambda i: (0, 0)),
        ],
        out_specs=pl.BlockSpec((_RB, D), lambda i: (i, 0)),
        out_shape=jax.ShapeDtypeStruct((N, D), jnp.float32),
    )(h, W1, b2)


def _combine_body(q_ref, acc0_ref, acc1_ref, deg_ref, out_ref):
    q = q_ref[...]
    deg = jnp.sum(deg_ref[0], axis=0)[:, None]
    inv = 1.0 / jnp.maximum(deg, 1.0)
    hn = jnp.concatenate([acc0_ref[0], acc1_ref[0]], axis=1) * inv
    t = q + hn
    ss = jnp.sum(t * t, axis=1, keepdims=True)
    out_ref[...] = t / jnp.maximum(jnp.sqrt(ss), 1e-12)


def _combine(q, acc, deg):
    return pl.pallas_call(
        _combine_body,
        grid=(_NRB,),
        in_specs=[
            pl.BlockSpec((_RB, D), lambda i: (i, 0)),
            pl.BlockSpec((1, _RB, DH), lambda i: (0, i, 0)),
            pl.BlockSpec((1, _RB, DH), lambda i: (1, i, 0)),
            pl.BlockSpec((1, NS, _RB), lambda i: (i, 0, 0)),
        ],
        out_specs=pl.BlockSpec((_RB, D), lambda i: (i, 0)),
        out_shape=jax.ShapeDtypeStruct((N, D), jnp.float32),
    )(q, acc, acc, deg)


def kernel(h, edge_index, W1, W2, b2):
    p2 = _proj(h, W2)
    acc, deg = _sc_agg(p2.reshape(NC * NPAD, DH),
                       edge_index.reshape(2, NROW, CH))
    q = _linear(h, W1, b2.reshape(1, D))
    deg3 = deg[:, :N].reshape(NS, _NRB, _RB).transpose(1, 0, 2)
    out = _combine(q, acc.reshape(NC, NPAD, DH), deg3)
    return out

# --- scband reference (transcript-rebuilt; emitter-appended) ---
"""Pipeline reference for scband-sage-conv-51084341018873 (READ-ONLY COPY).

The authoritative reference and input builder live on the scoring server;
editing this copy changes nothing except your own understanding.
"""

import jax, jax.numpy as jnp
import numpy as np

N_NODES = 10000
N_EDGES = 160000
D_IN = 256
D_OUT = 256


def setup_inputs(seed: int = 0) -> dict:
    key = jax.random.key(seed)
    k1, k2, k3, k4 = jax.random.split(key, 4)
    h = jax.random.normal(k1, (N_NODES, D_IN), dtype=jnp.float32)
    edge_index = jax.random.randint(k2, (2, N_EDGES), 0, N_NODES, dtype=jnp.int32)
    # Learned parameters (PyTorch nn.Linear stores weight as [out, in])
    W1 = jax.random.normal(k3, (D_OUT, D_IN), dtype=jnp.float32) * (1.0 / np.sqrt(D_IN))
    W2 = jax.random.normal(k4, (D_OUT, D_IN), dtype=jnp.float32) * (1.0 / np.sqrt(D_IN))
    b2 = jnp.zeros((D_OUT,), dtype=jnp.float32)
    return {"h": h, "edge_index": edge_index, "W1": W1, "W2": W2, "b2": b2}


def reference(h, edge_index, W1, W2, b2):
    # torch_sparse.matmul(adj_t, h, reduce='mean'):
    # adj_t row i aggregates features of neighbors j -> mean over incoming edges.
    src = edge_index[0]
    dst = edge_index[1]
    msg = jnp.take(h, src, axis=0)                                  # gather [E, D]
    agg = jax.ops.segment_sum(msg, dst, num_segments=N_NODES)        # scatter-add [N, D]
    deg = jax.ops.segment_sum(jnp.ones((N_EDGES,), dtype=jnp.float32), dst, num_segments=N_NODES)
    h_n = agg / jnp.clip(deg, 1.0, None)[:, None]                    # mean reduce
    # h = linear_1(h) + linear_2(h_n)
    out = h @ W1.T + h_n @ W2.T + b2
    # F.normalize(h, p=2, dim=1)
    norm = jnp.sqrt(jnp.sum(out * out, axis=1, keepdims=True))
    out = out / jnp.maximum(norm, 1e-12)
    return out

if __name__ == "__main__":
    import jax
    _d = setup_inputs()
    print(jax.jit(kernel)(*tuple(_d.values())))

</pallas_src>

<mosaic_0001>
#map = affine_map<(d0, d1) -> (0, 0)>
#map1 = affine_map<(d0, d1) -> (0, 0, 0)>
module attributes {stable_mosaic.version = 14 : i64} {
  func.func @k(%arg0: i32, %arg1: i32, %arg2: memref<20480x128xf32, #tpu.memory_space<hbm>>, %arg3: memref<2x1250x128xi32, #tpu.memory_space<hbm>>, %arg4: memref<20480x128xf32, #tpu.memory_space<hbm>>, %arg5: memref<16x10240xf32, #tpu.memory_space<hbm>>, %arg6: memref<8x128xi32, #tpu.memory_space<vmem>>, %arg7: memref<8x128xi32, #tpu.memory_space<vmem>>, %arg8: memref<2x128x128xf32, #tpu.memory_space<vmem>>, %arg9: memref<10240xf32, #tpu.memory_space<vmem>>, %arg10: memref<10240x128xf32, #tpu.memory_space<vmem_shared>>, %arg11: memref<!tpu.dma_semaphore, #tpu.memory_space<semaphore_mem>>, %arg12: memref<!tpu.dma_semaphore, #tpu.memory_space<semaphore_mem>>, %arg13: memref<!tpu.dma_semaphore, #tpu.memory_space<semaphore_mem>>, %arg14: memref<!tpu.dma_semaphore, #tpu.memory_space<semaphore_mem>>) attributes {dimension_semantics = [#tpu.dimension_semantics<core_parallel>, #tpu.dimension_semantics<subcore_parallel>], iteration_bounds = array<i64: 2, 16>, scalar_prefetch = 0 : i64, scratch_operands = 9 : i64, tpu.core_type = #tpu.core_type<sc_vector_subcore>, window_params = [{transform_indices = #map}, {transform_indices = #map1}, {transform_indices = #map}, {transform_indices = #map}]} {
    %eq3A = arith.constant 0 : i32
    %eq3A_0 = arith.cmpi eq, %arg0, %eq3A : i32
    %mul3A = arith.constant 10240 : i32
    %mul3A_1 = arith.muli %arg0, %mul3A : i32
    %broadcast_in_dim3A = arith.constant 0.000000e+00 : f32
    %broadcast_in_dim3A_2 = vector.broadcast %broadcast_in_dim3A : f32 to vector<16xf32>
    %broadcast_in_dim3A_3 = arith.constant 1.000000e+00 : f32
    %broadcast_in_dim3A_4 = vector.broadcast %broadcast_in_dim3A_3 : f32 to vector<16xf32>
    %scan3A = arith.constant 0 : i32
    %scan3A_5 = arith.constant 128 : i32
    %scan3A_6 = arith.addi %scan3A, %scan3A_5 : i32
    %scan3A_7 = arith.constant 1 : i32
    scf.for %scan3A_43 = %scan3A to %scan3A_6 step %scan3A_7  : i32 {
      %mul3A_44 = arith.constant 1 : i32
      %mul3A_45 = arith.muli %scan3A_43, %mul3A_44 : i32
      %add3A_46 = arith.constant 0 : i32
      %add3A_47 = arith.addi %add3A_46, %mul3A_45 : i32
      %scan3A_48 = arith.constant 0 : i32
      %scan3A_49 = arith.constant 8 : i32
      %scan3A_50 = arith.addi %scan3A_48, %scan3A_49 : i32
      %scan3A_51 = arith.constant 1 : i32
      scf.for %scan3A_53 = %scan3A_48 to %scan3A_50 step %scan3A_51  : i32 {
        %mul3A_54 = arith.constant 16 : i32
        %mul3A_55 = arith.muli %scan3A_53, %mul3A_54 : i32
        %add3A_56 = arith.constant 0 : i32
        %add3A_57 = arith.addi %add3A_56, %mul3A_55 : i32
        %swap3A = arith.constant 0 : i32
        %swap3A_58 = arith.index_cast %swap3A : i32 to index
        %swap3A_59 = arith.index_cast %add3A_47 : i32 to index
        %swap3A_60 = arith.index_cast %add3A_57 : i32 to index
        %swap3A_61 = tpu.vector_load %arg8[%swap3A_58, %swap3A_59, %swap3A_60] {strides = array<i32>} : memref<2x128x128xf32, #tpu.memory_space<vmem>>, vector<16xf32>,
        tpu.vector_store %arg8[%swap3A_58, %swap3A_59, %swap3A_60], %broadcast_in_dim3A_2 {strides = array<i32>} : memref<2x128x128xf32, #tpu.memory_space<vmem>>, vector<16xf32>,
      }
      %scan3A_52 = arith.constant 8 : i32
    }
    %scan3A_8 = arith.constant 128 : i32
    %scan3A_9 = arith.constant 0 : i32
    %scan3A_10 = arith.constant 640 : i32
    %scan3A_11 = arith.addi %scan3A_9, %scan3A_10 : i32
    %scan3A_12 = arith.constant 1 : i32
    scf.for %scan3A_43 = %scan3A_9 to %scan3A_11 step %scan3A_12  : i32 {
      %mul3A_44 = arith.constant 16 : i32
      %mul3A_45 = arith.muli %scan3A_43, %mul3A_44 : i32
      %add3A_46 = arith.constant 0 : i32
      %add3A_47 = arith.addi %add3A_46, %mul3A_45 : i32
      %swap3A = arith.index_cast %add3A_47 : i32 to index
      %swap3A_48 = tpu.vector_load %arg9[%swap3A] {strides = array<i32>} : memref<10240xf32, #tpu.memory_space<vmem>>, vector<16xf32>,
      tpu.vector_store %arg9[%swap3A], %broadcast_in_dim3A_2 {strides = array<i32>} : memref<10240xf32, #tpu.memory_space<vmem>>, vector<16xf32>,
    }
    %scan3A_13 = arith.constant 640 : i32
    %mul3A_14 = arith.constant 640 : i32
    %mul3A_15 = arith.muli %arg1, %mul3A_14 : i32
    %scan3A_16 = arith.constant 0 : i32
    %scan3A_17 = arith.constant 5 : i32
    %scan3A_18 = arith.addi %scan3A_16, %scan3A_17 : i32
    %scan3A_19 = arith.constant 1 : i32
    scf.for %scan3A_43 = %scan3A_16 to %scan3A_18 step %scan3A_19  : i32 {
      %mul3A_44 = arith.constant 128 : i32
      %mul3A_45 = arith.muli %scan3A_43, %mul3A_44 : i32
      %add3A_46 = arith.constant 0 : i32
      %add3A_47 = arith.addi %add3A_46, %mul3A_45 : i32
      %add3A_48 = arith.addi %mul3A_15, %add3A_47 : i32
      %run_scoped3A = arith.constant 0 : i32
      "tpu.region"() ({
        %run_scoped3A_49 = tpu.sem_alloc : memref<!tpu.dma_semaphore, #tpu.memory_space<semaphore_mem>>
        %dma_start3A = arith.constant 0 : i32
        %dma_start3A_50 = arith.constant 0 : i32
        %dma_start3A_51 = tpu.memref_slice %arg8[%run_scoped3A, %dma_start3A, %dma_start3A_50] : memref<2x128x128xf32, #tpu.memory_space<vmem>> -> memref<1x128x128xf32, #tpu.memory_space<vmem>>
        %dma_start3A_52 = tpu.memref_squeeze %dma_start3A_51 : memref<1x128x128xf32, #tpu.memory_space<vmem>> -> memref<128x128xf32, #tpu.memory_space<vmem>>
        %dma_start3A_53 = arith.constant 0 : i32
        %dma_start3A_54 = tpu.memref_slice %arg10[%add3A_48, %dma_start3A_53] : memref<10240x128xf32, #tpu.memory_space<vmem_shared>> -> memref<128x128xf32, #tpu.memory_space<vmem_shared>>
        %dma_start3A_55 = arith.constant 0 : i32
        %dma_start3A_56 = tpu.memref_slice %arg10[%add3A_48, %dma_start3A_55] : memref<10240x128xf32, #tpu.memory_space<vmem_shared>> -> memref<128x128xf32, #tpu.memory_space<vmem_shared>>
        %dma_start3A_57 = arith.constant 0 : i32
        %dma_start3A_58 = arith.constant 0 : i32
        %dma_start3A_59 = tpu.memref_slice %arg8[%run_scoped3A, %dma_start3A_57, %dma_start3A_58] : memref<2x128x128xf32, #tpu.memory_space<vmem>> -> memref<1x128x128xf32, #tpu.memory_space<vmem>>
        %dma_start3A_60 = tpu.memref_squeeze %dma_start3A_59 : memref<1x128x128xf32, #tpu.memory_space<vmem>> -> memref<128x128xf32, #tpu.memory_space<vmem>>
        tpu.enqueue_dma source(%dma_start3A_60 : memref<128x128xf32, #tpu.memory_space<vmem>>) target(%dma_start3A_56 : memref<128x128xf32, #tpu.memory_space<vmem_shared>>) target_semaphore(%run_scoped3A_49 : memref<!tpu.dma_semaphore, #tpu.memory_space<semaphore_mem>>)
        %dma_wait3A = arith.constant 0 : i32
        %dma_wait3A_61 = arith.constant 0 : i32
        %dma_wait3A_62 = tpu.memref_slice %arg8[%run_scoped3A, %dma_wait3A, %dma_wait3A_61] : memref<2x128x128xf32, #tpu.memory_space<vmem>> -> memref<1x128x128xf32, #tpu.memory_space<vmem>>
        %dma_wait3A_63 = tpu.memref_squeeze %dma_wait3A_62 : memref<1x128x128xf32, #tpu.memory_space<vmem>> -> memref<128x128xf32, #tpu.memory_space<vmem>>
        %dma_wait3A_64 = arith.constant 0 : i32
        %dma_wait3A_65 = tpu.memref_slice %arg10[%add3A_48, %dma_wait3A_64] : memref<10240x128xf32, #tpu.memory_space<vmem_shared>> -> memref<128x128xf32, #tpu.memory_space<vmem_shared>>
        %dma_wait3A_66 = arith.constant 0 : i32
        %dma_wait3A_67 = tpu.memref_slice %arg10[%add3A_48, %dma_wait3A_66] : memref<10240x128xf32, #tpu.memory_space<vmem_shared>> -> memref<128x128xf32, #tpu.memory_space<vmem_shared>>
        %dma_wait3A_68 = arith.constant 0 : i32
        %dma_wait3A_69 = arith.constant 0 : i32
        %dma_wait3A_70 = tpu.memref_slice %arg8[%run_scoped3A, %dma_wait3A_68, %dma_wait3A_69] : memref<2x128x128xf32, #tpu.memory_space<vmem>> -> memref<1x128x128xf32, #tpu.memory_space<vmem>>
        %dma_wait3A_71 = tpu.memref_squeeze %dma_wait3A_70 : memref<1x128x128xf32, #tpu.memory_space<vmem>> -> memref<128x128xf32, #tpu.memory_space<vmem>>
        tpu.wait_dma2 semaphore(%run_scoped3A_49 : memref<!tpu.dma_semaphore, #tpu.memory_space<semaphore_mem>>) src(%dma_wait3A_71 : memref<128x128xf32, #tpu.memory_space<vmem>>) dst(%dma_wait3A_67 : memref<128x128xf32, #tpu.memory_space<vmem_shared>>)
        tpu.yield
      }) : () -> ()
    }
    %scan3A_20 = arith.constant 5 : i32
    %barrier3A = arith.constant 0 : index
    tpu.barrier barrier_id(%barrier3A)
    %scan3A_21 = arith.constant 0 : i32
    %scan3A_22 = arith.constant 1 : i32
    %scan3A_23 = arith.constant 0 : i32
    %scan3A_24 = arith.constant 9 : i32
    %scan3A_25 = arith.addi %scan3A_23, %scan3A_24 : i32
    %scan3A_26 = arith.constant 1 : i32
    scf.for %scan3A_43 = %scan3A_23 to %scan3A_25 step %scan3A_26  : i32 {
      %mul3A_44 = arith.constant 1 : i32
      %mul3A_45 = arith.muli %scan3A_43, %mul3A_44 : i32
      %add3A_46 = arith.constant 0 : i32
      %add3A_47 = arith.addi %add3A_46, %mul3A_45 : i32
      %mul3A_48 = arith.constant 16 : i32
      %mul3A_49 = arith.muli %add3A_47, %mul3A_48 : i32
      %mul3A_50 = arith.constant 8 : i32
      %mul3A_51 = arith.muli %mul3A_49, %mul3A_50 : i32
      %mul3A_52 = arith.constant 8 : i32
      %mul3A_53 = arith.muli %arg1, %mul3A_52 : i32
      %add3A_54 = arith.addi %mul3A_51, %mul3A_53 : i32
      "tpu.region"() ({
        %run_scoped3A = tpu.sem_alloc : memref<!tpu.dma_semaphore, #tpu.memory_space<semaphore_mem>>
        %dma_start3A_501 = arith.constant 0 : i32
        %dma_start3A_502 = arith.constant 0 : i32
        %dma_start3A_503 = tpu.memref_slice %arg6[%dma_start3A_501, %dma_start3A_502] : memref<8x128xi32, #tpu.memory_space<vmem>> -> memref<8x128xi32, #tpu.memory_space<vmem>>
        %dma_start3A_504 = arith.constant 0 : i32
        %dma_start3A_505 = arith.constant 0 : i32
        %dma_start3A_506 = tpu.memref_slice %arg3[%scan3A_21, %dma_start3A_504, %dma_start3A_505] : memref<2x1250x128xi32, #tpu.memory_space<hbm>> -> memref<1x1250x128xi32, #tpu.memory_space<hbm>>
        %dma_start3A_507 = tpu.memref_squeeze %dma_start3A_506 : memref<1x1250x128xi32, #tpu.memory_space<hbm>> -> memref<1250x128xi32, #tpu.memory_space<hbm>>
        %dma_start3A_508 = arith.constant 0 : i32
        %dma_start3A_509 = tpu.memref_slice %dma_start3A_507[%add3A_54, %dma_start3A_508] : memref<1250x128xi32, #tpu.memory_space<hbm>> -> memref<8x128xi32, #tpu.memory_space<hbm>>
        %dma_start3A_510 = arith.constant 0 : i32
        %dma_start3A_511 = arith.constant 0 : i32
        %dma_start3A_512 = tpu.memref_slice %arg6[%dma_start3A_510, %dma_start3A_511] : memref<8x128xi32, #tpu.memory_space<vmem>> -> memref<8x128xi32, #tpu.memory_space<vmem>>
        %dma_start3A_513 = arith.constant 0 : i32
        %dma_start3A_514 = arith.constant 0 : i32
        %dma_start3A_515 = tpu.memref_slice %arg3[%scan3A_21, %dma_start3A_513, %dma_start3A_514] : memref<2x1250x128xi32, #tpu.memory_space<hbm>> -> memref<1x1250x128xi32, #tpu.memory_space<hbm>>
        %dma_start3A_516 = tpu.memref_squeeze %dma_start3A_515 : memref<1x1250x128xi32, #tpu.memory_space<hbm>> -> memref<1250x128xi32, #tpu.memory_space<hbm>>
        %dma_start3A_517 = arith.constant 0 : i32
        %dma_start3A_518 = tpu.memref_slice %dma_start3A_516[%add3A_54, %dma_start3A_517] : memref<1250x128xi32, #tpu.memory_space<hbm>> -> memref<8x128xi32, #tpu.memory_space<hbm>>
        tpu.enqueue_dma source(%dma_start3A_518 : memref<8x128xi32, #tpu.memory_space<hbm>>) target(%dma_start3A_512 : memref<8x128xi32, #tpu.memory_space<vmem>>) target_semaphore(%run_scoped3A : memref<!tpu.dma_semaphore, #tpu.memory_space<semaphore_mem>>)
        %dma_wait3A_519 = arith.constant 0 : i32
        %dma_wait3A_520 = arith.constant 0 : i32
        %dma_wait3A_521 = tpu.memref_slice %arg6[%dma_wait3A_519, %dma_wait3A_520] : memref<8x128xi32, #tpu.memory_space<vmem>> -> memref<8x128xi32, #tpu.memory_space<vmem>>
        %dma_wait3A_522 = arith.constant 0 : i32
        %dma_wait3A_523 = arith.constant 0 : i32
        %dma_wait3A_524 = tpu.memref_slice %arg3[%scan3A_21, %dma_wait3A_522, %dma_wait3A_523] : memref<2x1250x128xi32, #tpu.memory_space<hbm>> -> memref<1x1250x128xi32, #tpu.memory_space<hbm>>
        %dma_wait3A_525 = tpu.memref_squeeze %dma_wait3A_524 : memref<1x1250x128xi32, #tpu.memory_space<hbm>> -> memref<1250x128xi32, #tpu.memory_space<hbm>>
        %dma_wait3A_526 = arith.constant 0 : i32
        %dma_wait3A_527 = tpu.memref_slice %dma_wait3A_525[%add3A_54, %dma_wait3A_526] : memref<1250x128xi32, #tpu.memory_space<hbm>> -> memref<8x128xi32, #tpu.memory_space<hbm>>
        %dma_wait3A_528 = arith.constant 0 : i32
        %dma_wait3A_529 = arith.constant 0 : i32
        %dma_wait3A_530 = tpu.memref_slice %arg6[%dma_wait3A_528, %dma_wait3A_529] : memref<8x128xi32, #tpu.memory_space<vmem>> -> memref<8x128xi32, #tpu.memory_space<vmem>>
        %dma_wait3A_531 = arith.constant 0 : i32
        %dma_wait3A_532 = arith.constant 0 : i32
        %dma_wait3A_533 = tpu.memref_slice %arg3[%scan3A_21, %dma_wait3A_531, %dma_wait3A_532] : memref<2x1250x128xi32, #tpu.memory_space<hbm>> -> memref<1x1250x128xi32, #tpu.memory_space<hbm>>
        %dma_wait3A_534 = tpu.memref_squeeze %dma_wait3A_533 : memref<1x1250x128xi32, #tpu.memory_space<hbm>> -> memref<1250x128xi32, #tpu.memory_space<hbm>>
        %dma_wait3A_535 = arith.constant 0 : i32
        %dma_wait3A_536 = tpu.memref_slice %dma_wait3A_534[%add3A_54, %dma_wait3A_535] : memref<1250x128xi32, #tpu.memory_space<hbm>> -> memref<8x128xi32, #tpu.memory_space<hbm>>
        tpu.wait_dma2 semaphore(%run_scoped3A : memref<!tpu.dma_semaphore, #tpu.memory_space<semaphore_mem>>) src(%dma_wait3A_536 : memref<8x128xi32, #tpu.memory_space<hbm>>) dst(%dma_wait3A_530 : memref<8x128xi32, #tpu.memory_space<vmem>>)
        tpu.yield
      }) : () -> ()
      "tpu.region"() ({
        %run_scoped3A = tpu.sem_alloc : memref<!tpu.dma_semaphore, #tpu.memory_space<semaphore_mem>>
        %dma_start3A_501 = arith.constant 0 : i32
        %dma_start3A_502 = arith.constant 0 : i32
        %dma_start3A_503 = tpu.memref_slice %arg7[%dma_start3A_501, %dma_start3A_502] : memref<8x128xi32, #tpu.memory_space<vmem>> -> memref<8x128xi32, #tpu.memory_space<vmem>>
        %dma_start3A_504 = arith.constant 0 : i32
        %dma_start3A_505 = arith.constant 0 : i32
        %dma_start3A_506 = tpu.memref_slice %arg3[%scan3A_22, %dma_start3A_504, %dma_start3A_505] : memref<2x1250x128xi32, #tpu.memory_space<hbm>> -> memref<1x1250x128xi32, #tpu.memory_space<hbm>>
        %dma_start3A_507 = tpu.memref_squeeze %dma_start3A_506 : memref<1x1250x128xi32, #tpu.memory_space<hbm>> -> memref<1250x128xi32, #tpu.memory_space<hbm>>
        %dma_start3A_508 = arith.constant 0 : i32
        %dma_start3A_509 = tpu.memref_slice %dma_start3A_507[%add3A_54, %dma_start3A_508] : memref<1250x128xi32, #tpu.memory_space<hbm>> -> memref<8x128xi32, #tpu.memory_space<hbm>>
        %dma_start3A_510 = arith.constant 0 : i32
        %dma_start3A_511 = arith.constant 0 : i32
        %dma_start3A_512 = tpu.memref_slice %arg7[%dma_start3A_510, %dma_start3A_511] : memref<8x128xi32, #tpu.memory_space<vmem>> -> memref<8x128xi32, #tpu.memory_space<vmem>>
        %dma_start3A_513 = arith.constant 0 : i32
        %dma_start3A_514 = arith.constant 0 : i32
        %dma_start3A_515 = tpu.memref_slice %arg3[%scan3A_22, %dma_start3A_513, %dma_start3A_514] : memref<2x1250x128xi32, #tpu.memory_space<hbm>> -> memref<1x1250x128xi32, #tpu.memory_space<hbm>>
        %dma_start3A_516 = tpu.memref_squeeze %dma_start3A_515 : memref<1x1250x128xi32, #tpu.memory_space<hbm>> -> memref<1250x128xi32, #tpu.memory_space<hbm>>
        %dma_start3A_517 = arith.constant 0 : i32
        %dma_start3A_518 = tpu.memref_slice %dma_start3A_516[%add3A_54, %dma_start3A_517] : memref<1250x128xi32, #tpu.memory_space<hbm>> -> memref<8x128xi32, #tpu.memory_space<hbm>>
        tpu.enqueue_dma source(%dma_start3A_518 : memref<8x128xi32, #tpu.memory_space<hbm>>) target(%dma_start3A_512 : memref<8x128xi32, #tpu.memory_space<vmem>>) target_semaphore(%run_scoped3A : memref<!tpu.dma_semaphore, #tpu.memory_space<semaphore_mem>>)
        %dma_wait3A_519 = arith.constant 0 : i32
        %dma_wait3A_520 = arith.constant 0 : i32
        %dma_wait3A_521 = tpu.memref_slice %arg7[%dma_wait3A_519, %dma_wait3A_520] : memref<8x128xi32, #tpu.memory_space<vmem>> -> memref<8x128xi32, #tpu.memory_space<vmem>>
        %dma_wait3A_522 = arith.constant 0 : i32
        %dma_wait3A_523 = arith.constant 0 : i32
        %dma_wait3A_524 = tpu.memref_slice %arg3[%scan3A_22, %dma_wait3A_522, %dma_wait3A_523] : memref<2x1250x128xi32, #tpu.memory_space<hbm>> -> memref<1x1250x128xi32, #tpu.memory_space<hbm>>
        %dma_wait3A_525 = tpu.memref_squeeze %dma_wait3A_524 : memref<1x1250x128xi32, #tpu.memory_space<hbm>> -> memref<1250x128xi32, #tpu.memory_space<hbm>>
        %dma_wait3A_526 = arith.constant 0 : i32
        %dma_wait3A_527 = tpu.memref_slice %dma_wait3A_525[%add3A_54, %dma_wait3A_526] : memref<1250x128xi32, #tpu.memory_space<hbm>> -> memref<8x128xi32, #tpu.memory_space<hbm>>
        %dma_wait3A_528 = arith.constant 0 : i32
        %dma_wait3A_529 = arith.constant 0 : i32
        %dma_wait3A_530 = tpu.memref_slice %arg7[%dma_wait3A_528, %dma_wait3A_529] : memref<8x128xi32, #tpu.memory_space<vmem>> -> memref<8x128xi32, #tpu.memory_space<vmem>>
        %dma_wait3A_531 = arith.constant 0 : i32
        %dma_wait3A_532 = arith.constant 0 : i32
        %dma_wait3A_533 = tpu.memref_slice %arg3[%scan3A_22, %dma_wait3A_531, %dma_wait3A_532] : memref<2x1250x128xi32, #tpu.memory_space<hbm>> -> memref<1x1250x128xi32, #tpu.memory_space<hbm>>
        %dma_wait3A_534 = tpu.memref_squeeze %dma_wait3A_533 : memref<1x1250x128xi32, #tpu.memory_space<hbm>> -> memref<1250x128xi32, #tpu.memory_space<hbm>>
        %dma_wait3A_535 = arith.constant 0 : i32
        %dma_wait3A_536 = tpu.memref_slice %dma_wait3A_534[%add3A_54, %dma_wait3A_535] : memref<1250x128xi32, #tpu.memory_space<hbm>> -> memref<8x128xi32, #tpu.memory_space<hbm>>
        tpu.wait_dma2 semaphore(%run_scoped3A : memref<!tpu.dma_semaphore, #tpu.memory_space<semaphore_mem>>) src(%dma_wait3A_536 : memref<8x128xi32, #tpu.memory_space<hbm>>) dst(%dma_wait3A_530 : memref<8x128xi32, #tpu.memory_space<vmem>>)
        tpu.yield
      }) : () -> ()
      %scan3A_55 = arith.constant 0 : i32
      %scan3A_56 = arith.constant 8 : i32
      %scan3A_57 = arith.addi %scan3A_55, %scan3A_56 : i32
      %scan3A_58 = arith.constant 1 : i32
      scf.for %scan3A_501 = %scan3A_55 to %scan3A_57 step %scan3A_58  : i32 {
        %mul3A_502 = arith.constant 16 : i32
        %mul3A_503 = arith.muli %scan3A_501, %mul3A_502 : i32
        %add3A_504 = arith.constant 0 : i32
        %add3A_505 = arith.addi %add3A_504, %mul3A_503 : i32
        %get3A = arith.constant 0 : i32
        %get3A_506 = arith.index_cast %get3A : i32 to index
        %get3A_507 = arith.index_cast %add3A_505 : i32 to index
        %get3A_508 = tpu.vector_load %arg6[%get3A_506, %get3A_507] {strides = array<i32>} : memref<8x128xi32, #tpu.memory_space<vmem>>, vector<16xi32>,
        %add3A_509 = vector.broadcast %mul3A_1 : i32 to vector<16xi32>
        %add3A_510 = arith.addi %get3A_508, %add3A_509 : vector<16xi32>
        %swap3A = arith.constant 0 : i32
        %swap3A_511 = arith.index_cast %swap3A : i32 to index
        %swap3A_512 = arith.index_cast %add3A_505 : i32 to index
        %swap3A_513 = tpu.vector_load %arg6[%swap3A_511, %swap3A_512] {strides = array<i32>} : memref<8x128xi32, #tpu.memory_space<vmem>>, vector<16xi32>,
        tpu.vector_store %arg6[%swap3A_511, %swap3A_512], %add3A_510 {strides = array<i32>} : memref<8x128xi32, #tpu.memory_space<vmem>>, vector<16xi32>,
      }
      %scan3A_59 = arith.constant 8 : i32
      %scan3A_60 = arith.constant 0 : i32
      %scan3A_61 = arith.constant 8 : i32
      %scan3A_62 = arith.addi %scan3A_60, %scan3A_61 : i32
      %scan3A_63 = arith.constant 1 : i32
      scf.for %scan3A_501 = %scan3A_60 to %scan3A_62 step %scan3A_63  : i32 {
        %mul3A_502 = arith.constant 16 : i32
        %mul3A_503 = arith.muli %scan3A_501, %mul3A_502 : i32
        %add3A_504 = arith.constant 0 : i32
        %add3A_505 = arith.addi %add3A_504, %mul3A_503 : i32
        %get3A = arith.constant 1 : i32
        %get3A_506 = arith.index_cast %get3A : i32 to index
        %get3A_507 = arith.index_cast %add3A_505 : i32 to index
        %get3A_508 = tpu.vector_load %arg6[%get3A_506, %get3A_507] {strides = array<i32>} : memref<8x128xi32, #tpu.memory_space<vmem>>, vector<16xi32>,
        %add3A_509 = vector.broadcast %mul3A_1 : i32 to vector<16xi32>
        %add3A_510 = arith.addi %get3A_508, %add3A_509 : vector<16xi32>
        %swap3A = arith.constant 1 : i32
        %swap3A_511 = arith.index_cast %swap3A : i32 to index
        %swap3A_512 = arith.index_cast %add3A_505 : i32 to index
        %swap3A_513 = tpu.vector_load %arg6[%swap3A_511, %swap3A_512] {strides = array<i32>} : memref<8x128xi32, #tpu.memory_space<vmem>>, vector<16xi32>,
        tpu.vector_store %arg6[%swap3A_511, %swap3A_512], %add3A_510 {strides = array<i32>} : memref<8x128xi32, #tpu.memory_space<vmem>>, vector<16xi32>,
      }
      %scan3A_64 = arith.constant 8 : i32
      %scan3A_65 = arith.constant 0 : i32
      %scan3A_66 = arith.constant 8 : i32
      %scan3A_67 = arith.addi %scan3A_65, %scan3A_66 : i32
      %scan3A_68 = arith.constant 1 : i32
      scf.for %scan3A_501 = %scan3A_65 to %scan3A_67 step %scan3A_68  : i32 {
        %mul3A_502 = arith.constant 16 : i32
        %mul3A_503 = arith.muli %scan3A_501, %mul3A_502 : i32
        %add3A_504 = arith.constant 0 : i32
        %add3A_505 = arith.addi %add3A_504, %mul3A_503 : i32
        %get3A = arith.constant 2 : i32
        %get3A_506 = arith.index_cast %get3A : i32 to index
        %get3A_507 = arith.index_cast %add3A_505 : i32 to index
        %get3A_508 = tpu.vector_load %arg6[%get3A_506, %get3A_507] {strides = array<i32>} : memref<8x128xi32, #tpu.memory_space<vmem>>, vector<16xi32>,
        %add3A_509 = vector.broadcast %mul3A_1 : i32 to vector<16xi32>
        %add3A_510 = arith.addi %get3A_508, %add3A_509 : vector<16xi32>
        %swap3A = arith.constant 2 : i32
        %swap3A_511 = arith.index_cast %swap3A : i32 to index
        %swap3A_512 = arith.index_cast %add3A_505 : i32 to index
        %swap3A_513 = tpu.vector_load %arg6[%swap3A_511, %swap3A_512] {strides = array<i32>} : memref<8x128xi32, #tpu.memory_space<vmem>>, vector<16xi32>,
        tpu.vector_store %arg6[%swap3A_511, %swap3A_512], %add3A_510 {strides = array<i32>} : memref<8x128xi32, #tpu.memory_space<vmem>>, vector<16xi32>,
      }
      %scan3A_69 = arith.constant 8 : i32
      %scan3A_70 = arith.constant 0 : i32
      %scan3A_71 = arith.constant 8 : i32
      %scan3A_72 = arith.addi %scan3A_70, %scan3A_71 : i32
      %scan3A_73 = arith.constant 1 : i32
      scf.for %scan3A_501 = %scan3A_70 to %scan3A_72 step %scan3A_73  : i32 {
        %mul3A_502 = arith.constant 16 : i32
        %mul3A_503 = arith.muli %scan3A_501, %mul3A_502 : i32
        %add3A_504 = arith.constant 0 : i32
        %add3A_505 = arith.addi %add3A_504, %mul3A_503 : i32
        %get3A = arith.constant 3 : i32
        %get3A_506 = arith.index_cast %get3A : i32 to index
        %get3A_507 = arith.index_cast %add3A_505 : i32 to index
        %get3A_508 = tpu.vector_load %arg6[%get3A_506, %get3A_507] {strides = array<i32>} : memref<8x128xi32, #tpu.memory_space<vmem>>, vector<16xi32>,
        %add3A_509 = vector.broadcast %mul3A_1 : i32 to vector<16xi32>
        %add3A_510 = arith.addi %get3A_508, %add3A_509 : vector<16xi32>
        %swap3A = arith.constant 3 : i32
        %swap3A_511 = arith.index_cast %swap3A : i32 to index
        %swap3A_512 = arith.index_cast %add3A_505 : i32 to index
        %swap3A_513 = tpu.vector_load %arg6[%swap3A_511, %swap3A_512] {strides = array<i32>} : memref<8x128xi32, #tpu.memory_space<vmem>>, vector<16xi32>,
        tpu.vector_store %arg6[%swap3A_511, %swap3A_512], %add3A_510 {strides = array<i32>} : memref<8x128xi32, #tpu.memory_space<vmem>>, vector<16xi32>,
      }
      %scan3A_74 = arith.constant 8 : i32
      %scan3A_75 = arith.constant 0 : i32
      %scan3A_76 = arith.constant 8 : i32
      %scan3A_77 = arith.addi %scan3A_75, %scan3A_76 : i32
      %scan3A_78 = arith.constant 1 : i32
      scf.for %scan3A_501 = %scan3A_75 to %scan3A_77 step %scan3A_78  : i32 {
        %mul3A_502 = arith.constant 16 : i32
        %mul3A_503 = arith.muli %scan3A_501, %mul3A_502 : i32
        %add3A_504 = arith.constant 0 : i32
        %add3A_505 = arith.addi %add3A_504, %mul3A_503 : i32
        %get3A = arith.constant 4 : i32
        %get3A_506 = arith.index_cast %get3A : i32 to index
        %get3A_507 = arith.index_cast %add3A_505 : i32 to index
        %get3A_508 = tpu.vector_load %arg6[%get3A_506, %get3A_507] {strides = array<i32>} : memref<8x128xi32, #tpu.memory_space<vmem>>, vector<16xi32>,
        %add3A_509 = vector.broadcast %mul3A_1 : i32 to vector<16xi32>
        %add3A_510 = arith.addi %get3A_508, %add3A_509 : vector<16xi32>
        %swap3A = arith.constant 4 : i32
        %swap3A_511 = arith.index_cast %swap3A : i32 to index
        %swap3A_512 = arith.index_cast %add3A_505 : i32 to index
        %swap3A_513 = tpu.vector_load %arg6[%swap3A_511, %swap3A_512] {strides = array<i32>} : memref<8x128xi32, #tpu.memory_space<vmem>>, vector<16xi32>,
        tpu.vector_store %arg6[%swap3A_511, %swap3A_512], %add3A_510 {strides = array<i32>} : memref<8x128xi32, #tpu.memory_space<vmem>>, vector<16xi32>,
      }
      %scan3A_79 = arith.constant 8 : i32
      %scan3A_80 = arith.constant 0 : i32
      %scan3A_81 = arith.constant 8 : i32
      %scan3A_82 = arith.addi %scan3A_80, %scan3A_81 : i32
      %scan3A_83 = arith.constant 1 : i32
      scf.for %scan3A_501 = %scan3A_80 to %scan3A_82 step %scan3A_83  : i32 {
        %mul3A_502 = arith.constant 16 : i32
        %mul3A_503 = arith.muli %scan3A_501, %mul3A_502 : i32
        %add3A_504 = arith.constant 0 : i32
        %add3A_505 = arith.addi %add3A_504, %mul3A_503 : i32
        %get3A = arith.constant 5 : i32
        %get3A_506 = arith.index_cast %get3A : i32 to index
        %get3A_507 = arith.index_cast %add3A_505 : i32 to index
        %get3A_508 = tpu.vector_load %arg6[%get3A_506, %get3A_507] {strides = array<i32>} : memref<8x128xi32, #tpu.memory_space<vmem>>, vector<16xi32>,
        %add3A_509 = vector.broadcast %mul3A_1 : i32 to vector<16xi32>
        %add3A_510 = arith.addi %get3A_508, %add3A_509 : vector<16xi32>
        %swap3A = arith.constant 5 : i32
        %swap3A_511 = arith.index_cast %swap3A : i32 to index
        %swap3A_512 = arith.index_cast %add3A_505 : i32 to index
        %swap3A_513 = tpu.vector_load %arg6[%swap3A_511, %swap3A_512] {strides = array<i32>} : memref<8x128xi32, #tpu.memory_space<vmem>>, vector<16xi32>,
        tpu.vector_store %arg6[%swap3A_511, %swap3A_512], %add3A_510 {strides = array<i32>} : memref<8x128xi32, #tpu.memory_space<vmem>>, vector<16xi32>,
      }
      %scan3A_84 = arith.constant 8 : i32
      %scan3A_85 = arith.constant 0 : i32
      %scan3A_86 = arith.constant 8 : i32
      %scan3A_87 = arith.addi %scan3A_85, %scan3A_86 : i32
      %scan3A_88 = arith.constant 1 : i32
      scf.for %scan3A_501 = %scan3A_85 to %scan3A_87 step %scan3A_88  : i32 {
        %mul3A_502 = arith.constant 16 : i32
        %mul3A_503 = arith.muli %scan3A_501, %mul3A_502 : i32
        %add3A_504 = arith.constant 0 : i32
        %add3A_505 = arith.addi %add3A_504, %mul3A_503 : i32
        %get3A = arith.constant 6 : i32
        %get3A_506 = arith.index_cast %get3A : i32 to index
        %get3A_507 = arith.index_cast %add3A_505 : i32 to index
        %get3A_508 = tpu.vector_load %arg6[%get3A_506, %get3A_507] {strides = array<i32>} : memref<8x128xi32, #tpu.memory_space<vmem>>, vector<16xi32>,
        %add3A_509 = vector.broadcast %mul3A_1 : i32 to vector<16xi32>
        %add3A_510 = arith.addi %get3A_508, %add3A_509 : vector<16xi32>
        %swap3A = arith.constant 6 : i32
        %swap3A_511 = arith.index_cast %swap3A : i32 to index
        %swap3A_512 = arith.index_cast %add3A_505 : i32 to index
        %swap3A_513 = tpu.vector_load %arg6[%swap3A_511, %swap3A_512] {strides = array<i32>} : memref<8x128xi32, #tpu.memory_space<vmem>>, vector<16xi32>,
        tpu.vector_store %arg6[%swap3A_511, %swap3A_512], %add3A_510 {strides = array<i32>} : memref<8x128xi32, #tpu.memory_space<vmem>>, vector<16xi32>,
      }
      %scan3A_89 = arith.constant 8 : i32
      %scan3A_90 = arith.constant 0 : i32
      %scan3A_91 = arith.constant 8 : i32
      %scan3A_92 = arith.addi %scan3A_90, %scan3A_91 : i32
      %scan3A_93 = arith.constant 1 : i32
      scf.for %scan3A_501 = %scan3A_90 to %scan3A_92 step %scan3A_93  : i32 {
        %mul3A_502 = arith.constant 16 : i32
        %mul3A_503 = arith.muli %scan3A_501, %mul3A_502 : i32
        %add3A_504 = arith.constant 0 : i32
        %add3A_505 = arith.addi %add3A_504, %mul3A_503 : i32
        %get3A = arith.constant 7 : i32
        %get3A_506 = arith.index_cast %get3A : i32 to index
        %get3A_507 = arith.index_cast %add3A_505 : i32 to index
        %get3A_508 = tpu.vector_load %arg6[%get3A_506, %get3A_507] {strides = array<i32>} : memref<8x128xi32, #tpu.memory_space<vmem>>, vector<16xi32>,
        %add3A_509 = vector.broadcast %mul3A_1 : i32 to vector<16xi32>
        %add3A_510 = arith.addi %get3A_508, %add3A_509 : vector<16xi32>
        %swap3A = arith.constant 7 : i32
        %swap3A_511 = arith.index_cast %swap3A : i32 to index
        %swap3A_512 = arith.index_cast %add3A_505 : i32 to index
        %swap3A_513 = tpu.vector_load %arg6[%swap3A_511, %swap3A_512] {strides = array<i32>} : memref<8x128xi32, #tpu.memory_space<vmem>>, vector<16xi32>,
        tpu.vector_store %arg6[%swap3A_511, %swap3A_512], %add3A_510 {strides = array<i32>} : memref<8x128xi32, #tpu.memory_space<vmem>>, vector<16xi32>,
      }
      %scan3A_94 = arith.constant 8 : i32
      %dma_start3A = arith.constant 0 : i32
      %dma_start3A_95 = arith.constant 0 : i32
      %dma_start3A_96 = arith.constant 0 : i32
      %dma_start3A_97 = arith.constant 0 : i32
      %dma_start3A_98 = tpu.memref_slice %arg8[%dma_start3A_95, %dma_start3A_96, %dma_start3A_97] : memref<2x128x128xf32, #tpu.memory_space<vmem>> -> memref<1x128x128xf32, #tpu.memory_space<vmem>>
      %dma_start3A_99 = tpu.memref_squeeze %dma_start3A_98 : memref<1x128x128xf32, #tpu.memory_space<vmem>> -> memref<128x128xf32, #tpu.memory_space<vmem>>
      %dma_start3A_100 = arith.constant 0 : i32
      %dma_start3A_101 = tpu.memref_slice %arg6[%dma_start3A, %dma_start3A_100] : memref<8x128xi32, #tpu.memory_space<vmem>> -> memref<1x128xi32, #tpu.memory_space<vmem>>
      %dma_start3A_102 = tpu.memref_squeeze %dma_start3A_101 : memref<1x128xi32, #tpu.memory_space<vmem>> -> memref<128xi32, #tpu.memory_space<vmem>>
      %dma_start3A_103 = arith.constant 0 : i32
      %dma_start3A_104 = arith.constant 0 : i32
      %dma_start3A_105 = tpu.memref_slice %arg2[%dma_start3A_103, %dma_start3A_104] : memref<20480x128xf32, #tpu.memory_space<hbm>> -> memref<20480x128xf32, #tpu.memory_space<hbm>>
      tpu.enqueue_indirect_dma source(%dma_start3A_105 : memref<20480x128xf32, #tpu.memory_space<hbm>>) target(%dma_start3A_99 : memref<128x128xf32, #tpu.memory_space<vmem>>) offsets(%dma_start3A_102 : memref<128xi32, #tpu.memory_space<vmem>>) semaphore(%arg11 : memref<!tpu.dma_semaphore, #tpu.memory_space<semaphore_mem>>)
      %dma_start3A_106 = arith.constant 1 : i32
      %dma_start3A_107 = arith.constant 1 : i32
      %dma_start3A_108 = arith.constant 0 : i32
      %dma_start3A_109 = arith.constant 0 : i32
      %dma_start3A_110 = tpu.memref_slice %arg8[%dma_start3A_107, %dma_start3A_108, %dma_start3A_109] : memref<2x128x128xf32, #tpu.memory_space<vmem>> -> memref<1x128x128xf32, #tpu.memory_space<vmem>>
      %dma_start3A_111 = tpu.memref_squeeze %dma_start3A_110 : memref<1x128x128xf32, #tpu.memory_space<vmem>> -> memref<128x128xf32, #tpu.memory_space<vmem>>
      %dma_start3A_112 = arith.constant 0 : i32
      %dma_start3A_113 = tpu.memref_slice %arg6[%dma_start3A_106, %dma_start3A_112] : memref<8x128xi32, #tpu.memory_space<vmem>> -> memref<1x128xi32, #tpu.memory_space<vmem>>
      %dma_start3A_114 = tpu.memref_squeeze %dma_start3A_113 : memref<1x128xi32, #tpu.memory_space<vmem>> -> memref<128xi32, #tpu.memory_space<vmem>>
      %dma_start3A_115 = arith.constant 0 : i32
      %dma_start3A_116 = arith.constant 0 : i32
      %dma_start3A_117 = tpu.memref_slice %arg2[%dma_start3A_115, %dma_start3A_116] : memref<20480x128xf32, #tpu.memory_space<hbm>> -> memref<20480x128xf32, #tpu.memory_space<hbm>>
      tpu.enqueue_indirect_dma source(%dma_start3A_117 : memref<20480x128xf32, #tpu.memory_space<hbm>>) target(%dma_start3A_111 : memref<128x128xf32, #tpu.memory_space<vmem>>) offsets(%dma_start3A_114 : memref<128xi32, #tpu.memory_space<vmem>>) semaphore(%arg12 : memref<!tpu.dma_semaphore, #tpu.memory_space<semaphore_mem>>)
      %dma_wait3A = arith.constant 0 : i32
      %dma_wait3A_118 = arith.constant 0 : i32
      %dma_wait3A_119 = arith.constant 0 : i32
      %dma_wait3A_120 = arith.constant 0 : i32
      %dma_wait3A_121 = tpu.memref_slice %arg8[%dma_wait3A_118, %dma_wait3A_119, %dma_wait3A_120] : memref<2x128x128xf32, #tpu.memory_space<vmem>> -> memref<1x128x128xf32, #tpu.memory_space<vmem>>
      %dma_wait3A_122 = tpu.memref_squeeze %dma_wait3A_121 : memref<1x128x128xf32, #tpu.memory_space<vmem>> -> memref<128x128xf32, #tpu.memory_space<vmem>>
      %dma_wait3A_123 = arith.constant 0 : i32
      %dma_wait3A_124 = tpu.memref_slice %arg6[%dma_wait3A, %dma_wait3A_123] : memref<8x128xi32, #tpu.memory_space<vmem>> -> memref<1x128xi32, #tpu.memory_space<vmem>>
      %dma_wait3A_125 = tpu.memref_squeeze %dma_wait3A_124 : memref<1x128xi32, #tpu.memory_space<vmem>> -> memref<128xi32, #tpu.memory_space<vmem>>
      %dma_wait3A_126 = arith.constant 0 : i32
      %dma_wait3A_127 = arith.constant 0 : i32
      %dma_wait3A_128 = tpu.memref_slice %arg2[%dma_wait3A_126, %dma_wait3A_127] : memref<20480x128xf32, #tpu.memory_space<hbm>> -> memref<20480x128xf32, #tpu.memory_space<hbm>>
      tpu.wait_indirect_dma semaphore(%arg11 : memref<!tpu.dma_semaphore, #tpu.memory_space<semaphore_mem>>) src(%dma_wait3A_128 : memref<20480x128xf32, #tpu.memory_space<hbm>>) dst(%dma_wait3A_122 : memref<128x128xf32, #tpu.memory_space<vmem>>)
      %dma_start3A_129 = arith.constant 0 : i32
      %dma_start3A_130 = arith.constant 0 : i32
      %dma_start3A_131 = arith.constant 0 : i32
      %dma_start3A_132 = arith.constant 0 : i32
      %dma_start3A_133 = tpu.memref_slice %arg8[%dma_start3A_129, %dma_start3A_131, %dma_start3A_132] : memref<2x128x128xf32, #tpu.memory_space<vmem>> -> memref<1x128x128xf32, #tpu.memory_space<vmem>>
      %dma_start3A_134 = tpu.memref_squeeze %dma_start3A_133 : memref<1x128x128xf32, #tpu.memory_space<vmem>> -> memref<128x128xf32, #tpu.memory_space<vmem>>
      %dma_start3A_135 = arith.constant 0 : i32
      %dma_start3A_136 = tpu.memref_slice %arg7[%dma_start3A_130, %dma_start3A_135] : memref<8x128xi32, #tpu.memory_space<vmem>> -> memref<1x128xi32, #tpu.memory_space<vmem>>
      %dma_start3A_137 = tpu.memref_squeeze %dma_start3A_136 : memref<1x128xi32, #tpu.memory_space<vmem>> -> memref<128xi32, #tpu.memory_space<vmem>>
      %dma_start3A_138 = arith.constant 0 : i32
      %dma_start3A_139 = arith.constant 0 : i32
      %dma_start3A_140 = tpu.memref_slice %arg10[%dma_start3A_138, %dma_start3A_139] : memref<10240x128xf32, #tpu.memory_space<vmem_shared>> -> memref<10240x128xf32, #tpu.memory_space<vmem_shared>>
      tpu.enqueue_indirect_dma source(%dma_start3A_134 : memref<128x128xf32, #tpu.memory_space<vmem>>) target(%dma_start3A_140 : memref<10240x128xf32, #tpu.memory_space<vmem_shared>>) offsets(%dma_start3A_137 : memref<128xi32, #tpu.memory_space<vmem>>) semaphore(%arg13 : memref<!tpu.dma_semaphore, #tpu.memory_space<semaphore_mem>>) {add = true}
      %convert_element_type3A_141 = arith.extui %eq3A_0 : i1 to i32
      %cond3A_142 = arith.constant 0 : i32
      %cond3A_143 = arith.cmpi ne, %convert_element_type3A_141, %cond3A_142 : i32
      scf.if %cond3A_143 {
        %scan3A_501 = arith.constant 0 : i32
        %scan3A_502 = arith.constant 8 : i32
        %scan3A_503 = arith.addi %scan3A_501, %scan3A_502 : i32
        %scan3A_504 = arith.constant 1 : i32
        scf.for %scan3A_506 = %scan3A_501 to %scan3A_503 step %scan3A_504  : i32 {
          %mul3A_507 = arith.constant 16 : i32
          %mul3A_508 = arith.muli %scan3A_506, %mul3A_507 : i32
          %add3A_509 = arith.constant 0 : i32
          %add3A_510 = arith.addi %add3A_509, %mul3A_508 : i32
          %get3A = arith.constant 0 : i32
          %get3A_511 = arith.index_cast %get3A : i32 to index
          %get3A_512 = arith.index_cast %add3A_510 : i32 to index
          %get3A_513 = tpu.vector_load %arg7[%get3A_511, %get3A_512] {strides = array<i32>} : memref<8x128xi32, #tpu.memory_space<vmem>>, vector<16xi32>,
          tpu.vector_store_idx %arg9[%get3A_513], %broadcast_in_dim3A_4 {add = true} : memref<10240xf32, #tpu.memory_space<vmem>>[vector<16xi32>], vector<16xf32>,
        }
        %scan3A_505 = arith.constant 8 : i32
      } else {
      }
      %dma_wait3A_144 = arith.constant 1 : i32
      %dma_wait3A_145 = arith.constant 1 : i32
      %dma_wait3A_146 = arith.constant 0 : i32
      %dma_wait3A_147 = arith.constant 0 : i32
      %dma_wait3A_148 = tpu.memref_slice %arg8[%dma_wait3A_145, %dma_wait3A_146, %dma_wait3A_147] : memref<2x128x128xf32, #tpu.memory_space<vmem>> -> memref<1x128x128xf32, #tpu.memory_space<vmem>>
      %dma_wait3A_149 = tpu.memref_squeeze %dma_wait3A_148 : memref<1x128x128xf32, #tpu.memory_space<vmem>> -> memref<128x128xf32, #tpu.memory_space<vmem>>
      %dma_wait3A_150 = arith.constant 0 : i32
      %dma_wait3A_151 = tpu.memref_slice %arg6[%dma_wait3A_144, %dma_wait3A_150] : memref<8x128xi32, #tpu.memory_space<vmem>> -> memref<1x128xi32, #tpu.memory_space<vmem>>
      %dma_wait3A_152 = tpu.memref_squeeze %dma_wait3A_151 : memref<1x128xi32, #tpu.memory_space<vmem>> -> memref<128xi32, #tpu.memory_space<vmem>>
      %dma_wait3A_153 = arith.constant 0 : i32
      %dma_wait3A_154 = arith.constant 0 : i32
      %dma_wait3A_155 = tpu.memref_slice %arg2[%dma_wait3A_153, %dma_wait3A_154] : memref<20480x128xf32, #tpu.memory_space<hbm>> -> memref<20480x128xf32, #tpu.memory_space<hbm>>
      tpu.wait_indirect_dma semaphore(%arg12 : memref<!tpu.dma_semaphore, #tpu.memory_space<semaphore_mem>>) src(%dma_wait3A_155 : memref<20480x128xf32, #tpu.memory_space<hbm>>) dst(%dma_wait3A_149 : memref<128x128xf32, #tpu.memory_space<vmem>>)
      %dma_start3A_156 = arith.constant 1 : i32
      %dma_start3A_157 = arith.constant 1 : i32
      %dma_start3A_158 = arith.constant 0 : i32
      %dma_start3A_159 = arith.constant 0 : i32
      %dma_start3A_160 = tpu.memref_slice %arg8[%dma_start3A_156, %dma_start3A_158, %dma_start3A_159] : memref<2x128x128xf32, #tpu.memory_space<vmem>> -> memref<1x128x128xf32, #tpu.memory_space<vmem>>
      %dma_start3A_161 = tpu.memref_squeeze %dma_start3A_160 : memref<1x128x128xf32, #tpu.memory_space<vmem>> -> memref<128x128xf32, #tpu.memory_space<vmem>>
      %dma_start3A_162 = arith.constant 0 : i32
      %dma_start3A_163 = tpu.memref_slice %arg7[%dma_start3A_157, %dma_start3A_162] : memref<8x128xi32, #tpu.memory_space<vmem>> -> memref<1x128xi32, #tpu.memory_space<vmem>>
      %dma_start3A_164 = tpu.memref_squeeze %dma_start3A_163 : memref<1x128xi32, #tpu.memory_space<vmem>> -> memref<128xi32, #tpu.memory_space<vmem>>
      %dma_start3A_165 = arith.constant 0 : i32
      %dma_start3A_166 = arith.constant 0 : i32
      %dma_start3A_167 = tpu.memref_slice %arg10[%dma_start3A_165, %dma_start3A_166] : memref<10240x128xf32, #tpu.memory_space<vmem_shared>> -> memref<10240x128xf32, #tpu.memory_space<vmem_shared>>
      tpu.enqueue_indirect_dma source(%dma_start3A_161 : memref<128x128xf32, #tpu.memory_space<vmem>>) target(%dma_start3A_167 : memref<10240x128xf32, #tpu.memory_space<vmem_shared>>) offsets(%dma_start3A_164 : memref<128xi32, #tpu.memory_space<vmem>>) semaphore(%arg14 : memref<!tpu.dma_semaphore, #tpu.memory_space<semaphore_mem>>) {add = true}
      %convert_element_type3A_168 = arith.extui %eq3A_0 : i1 to i32
      %cond3A_169 = arith.constant 0 : i32
      %cond3A_170 = arith.cmpi ne, %convert_element_type3A_168, %cond3A_169 : i32
      scf.if %cond3A_170 {
        %scan3A_501 = arith.constant 0 : i32
        %scan3A_502 = arith.constant 8 : i32
        %scan3A_503 = arith.addi %scan3A_501, %scan3A_502 : i32
        %scan3A_504 = arith.constant 1 : i32
        scf.for %scan3A_506 = %scan3A_501 to %scan3A_503 step %scan3A_504  : i32 {
          %mul3A_507 = arith.constant 16 : i32
          %mul3A_508 = arith.muli %scan3A_506, %mul3A_507 : i32
          %add3A_509 = arith.constant 0 : i32
          %add3A_510 = arith.addi %add3A_509, %mul3A_508 : i32
          %get3A = arith.constant 1 : i32
          %get3A_511 = arith.index_cast %get3A : i32 to index
          %get3A_512 = arith.index_cast %add3A_510 : i32 to index
          %get3A_513 = tpu.vector_load %arg7[%get3A_511, %get3A_512] {strides = array<i32>} : memref<8x128xi32, #tpu.memory_space<vmem>>, vector<16xi32>,
          tpu.vector_store_idx %arg9[%get3A_513], %broadcast_in_dim3A_4 {add = true} : memref<10240xf32, #tpu.memory_space<vmem>>[vector<16xi32>], vector<16xf32>,
        }
        %scan3A_505 = arith.constant 8 : i32
      } else {
      }
      %dma_wait3A_171 = arith.constant 0 : i32
      %dma_wait3A_172 = arith.constant 0 : i32
      %dma_wait3A_173 = arith.constant 0 : i32
      %dma_wait3A_174 = arith.constant 0 : i32
      %dma_wait3A_175 = tpu.memref_slice %arg8[%dma_wait3A_171, %dma_wait3A_173, %dma_wait3A_174] : memref<2x128x128xf32, #tpu.memory_space<vmem>> -> memref<1x128x128xf32, #tpu.memory_space<vmem>>
      %dma_wait3A_176 = tpu.memref_squeeze %dma_wait3A_175 : memref<1x128x128xf32, #tpu.memory_space<vmem>> -> memref<128x128xf32, #tpu.memory_space<vmem>>
      %dma_wait3A_177 = arith.constant 0 : i32
      %dma_wait3A_178 = tpu.memref_slice %arg7[%dma_wait3A_172, %dma_wait3A_177] : memref<8x128xi32, #tpu.memory_space<vmem>> -> memref<1x128xi32, #tpu.memory_space<vmem>>
      %dma_wait3A_179 = tpu.memref_squeeze %dma_wait3A_178 : memref<1x128xi32, #tpu.memory_space<vmem>> -> memref<128xi32, #tpu.memory_space<vmem>>
      %dma_wait3A_180 = arith.constant 0 : i32
      %dma_wait3A_181 = arith.constant 0 : i32
      %dma_wait3A_182 = tpu.memref_slice %arg10[%dma_wait3A_180, %dma_wait3A_181] : memref<10240x128xf32, #tpu.memory_space<vmem_shared>> -> memref<10240x128xf32, #tpu.memory_space<vmem_shared>>
      tpu.wait_indirect_dma semaphore(%arg13 : memref<!tpu.dma_semaphore, #tpu.memory_space<semaphore_mem>>) src(%dma_wait3A_176 : memref<128x128xf32, #tpu.memory_space<vmem>>) dst(%dma_wait3A_182 : memref<10240x128xf32, #tpu.memory_space<vmem_shared>>)
      %dma_start3A_183 = arith.constant 2 : i32
      %dma_start3A_184 = arith.constant 0 : i32
      %dma_start3A_185 = arith.constant 0 : i32
      %dma_start3A_186 = arith.constant 0 : i32
      %dma_start3A_187 = tpu.memref_slice %arg8[%dma_start3A_184, %dma_start3A_185, %dma_start3A_186] : memref<2x128x128xf32, #tpu.memory_space<vmem>> -> memref<1x128x128xf32, #tpu.memory_space<vmem>>
      %dma_start3A_188 = tpu.memref_squeeze %dma_start3A_187 : memref<1x128x128xf32, #tpu.memory_space<vmem>> -> memref<128x128xf32, #tpu.memory_space<vmem>>
      %dma_start3A_189 = arith.constant 0 : i32
      %dma_start3A_190 = tpu.memref_slice %arg6[%dma_start3A_183, %dma_start3A_189] : memref<8x128xi32, #tpu.memory_space<vmem>> -> memref<1x128xi32, #tpu.memory_space<vmem>>
      %dma_start3A_191 = tpu.memref_squeeze %dma_start3A_190 : memref<1x128xi32, #tpu.memory_space<vmem>> -> memref<128xi32, #tpu.memory_space<vmem>>
      %dma_start3A_192 = arith.constant 0 : i32
      %dma_start3A_193 = arith.constant 0 : i32
      %dma_start3A_194 = tpu.memref_slice %arg2[%dma_start3A_192, %dma_start3A_193] : memref<20480x128xf32, #tpu.memory_space<hbm>> -> memref<20480x128xf32, #tpu.memory_space<hbm>>
      tpu.enqueue_indirect_dma source(%dma_start3A_194 : memref<20480x128xf32, #tpu.memory_space<hbm>>) target(%dma_start3A_188 : memref<128x128xf32, #tpu.memory_space<vmem>>) offsets(%dma_start3A_191 : memref<128xi32, #tpu.memory_space<vmem>>) semaphore(%arg11 : memref<!tpu.dma_semaphore, #tpu.memory_space<semaphore_mem>>)
      %dma_wait3A_195 = arith.constant 1 : i32
      %dma_wait3A_196 = arith.constant 1 : i32
      %dma_wait3A_197 = arith.constant 0 : i32
      %dma_wait3A_198 = arith.constant 0 : i32
      %dma_wait3A_199 = tpu.memref_slice %arg8[%dma_wait3A_195, %dma_wait3A_197, %dma_wait3A_198] : memref<2x128x128xf32, #tpu.memory_space<vmem>> -> memref<1x128x128xf32, #tpu.memory_space<vmem>>
      %dma_wait3A_200 = tpu.memref_squeeze %dma_wait3A_199 : memref<1x128x128xf32, #tpu.memory_space<vmem>> -> memref<128x128xf32, #tpu.memory_space<vmem>>
      %dma_wait3A_201 = arith.constant 0 : i32
      %dma_wait3A_202 = tpu.memref_slice %arg7[%dma_wait3A_196, %dma_wait3A_201] : memref<8x128xi32, #tpu.memory_space<vmem>> -> memref<1x128xi32, #tpu.memory_space<vmem>>
      %dma_wait3A_203 = tpu.memref_squeeze %dma_wait3A_202 : memref<1x128xi32, #tpu.memory_space<vmem>> -> memref<128xi32, #tpu.memory_space<vmem>>
      %dma_wait3A_204 = arith.constant 0 : i32
      %dma_wait3A_205 = arith.constant 0 : i32
      %dma_wait3A_206 = tpu.memref_slice %arg10[%dma_wait3A_204, %dma_wait3A_205] : memref<10240x128xf32, #tpu.memory_space<vmem_shared>> -> memref<10240x128xf32, #tpu.memory_space<vmem_shared>>
      tpu.wait_indirect_dma semaphore(%arg14 : memref<!tpu.dma_semaphore, #tpu.memory_space<semaphore_mem>>) src(%dma_wait3A_200 : memref<128x128xf32, #tpu.memory_space<vmem>>) dst(%dma_wait3A_206 : memref<10240x128xf32, #tpu.memory_space<vmem_shared>>)
      %dma_start3A_207 = arith.constant 3 : i32
      %dma_start3A_208 = arith.constant 1 : i32
      %dma_start3A_209 = arith.constant 0 : i32
      %dma_start3A_210 = arith.constant 0 : i32
      %dma_start3A_211 = tpu.memref_slice %arg8[%dma_start3A_208, %dma_start3A_209, %dma_start3A_210] : memref<2x128x128xf32, #tpu.memory_space<vmem>> -> memref<1x128x128xf32, #tpu.memory_space<vmem>>
      %dma_start3A_212 = tpu.memref_squeeze %dma_start3A_211 : memref<1x128x128xf32, #tpu.memory_space<vmem>> -> memref<128x128xf32, #tpu.memory_space<vmem>>
      %dma_start3A_213 = arith.constant 0 : i32
      %dma_start3A_214 = tpu.memref_slice %arg6[%dma_start3A_207, %dma_start3A_213] : memref<8x128xi32, #tpu.memory_space<vmem>> -> memref<1x128xi32, #tpu.memory_space<vmem>>
      %dma_start3A_215 = tpu.memref_squeeze %dma_start3A_214 : memref<1x128xi32, #tpu.memory_space<vmem>> -> memref<128xi32, #tpu.memory_space<vmem>>
      %dma_start3A_216 = arith.constant 0 : i32
      %dma_start3A_217 = arith.constant 0 : i32
      %dma_start3A_218 = tpu.memref_slice %arg2[%dma_start3A_216, %dma_start3A_217] : memref<20480x128xf32, #tpu.memory_space<hbm>> -> memref<20480x128xf32, #tpu.memory_space<hbm>>
      tpu.enqueue_indirect_dma source(%dma_start3A_218 : memref<20480x128xf32, #tpu.memory_space<hbm>>) target(%dma_start3A_212 : memref<128x128xf32, #tpu.memory_space<vmem>>) offsets(%dma_start3A_215 : memref<128xi32, #tpu.memory_space<vmem>>) semaphore(%arg12 : memref<!tpu.dma_semaphore, #tpu.memory_space<semaphore_mem>>)
      %dma_wait3A_219 = arith.constant 2 : i32
      %dma_wait3A_220 = arith.constant 0 : i32
      %dma_wait3A_221 = arith.constant 0 : i32
      %dma_wait3A_222 = arith.constant 0 : i32
      %dma_wait3A_223 = tpu.memref_slice %arg8[%dma_wait3A_220, %dma_wait3A_221, %dma_wait3A_222] : memref<2x128x128xf32, #tpu.memory_space<vmem>> -> memref<1x128x128xf32, #tpu.memory_space<vmem>>
      %dma_wait3A_224 = tpu.memref_squeeze %dma_wait3A_223 : memref<1x128x128xf32, #tpu.memory_space<vmem>> -> memref<128x128xf32, #tpu.memory_space<vmem>>
      %dma_wait3A_225 = arith.constant 0 : i32
      %dma_wait3A_226 = tpu.memref_slice %arg6[%dma_wait3A_219, %dma_wait3A_225] : memref<8x128xi32, #tpu.memory_space<vmem>> -> memref<1x128xi32, #tpu.memory_space<vmem>>
      %dma_wait3A_227 = tpu.memref_squeeze %dma_wait3A_226 : memref<1x128xi32, #tpu.memory_space<vmem>> -> memref<128xi32, #tpu.memory_space<vmem>>
      %dma_wait3A_228 = arith.constant 0 : i32
      %dma_wait3A_229 = arith.constant 0 : i32
      %dma_wait3A_230 = tpu.memref_slice %arg2[%dma_wait3A_228, %dma_wait3A_229] : memref<20480x128xf32, #tpu.memory_space<hbm>> -> memref<20480x128xf32, #tpu.memory_space<hbm>>
      tpu.wait_indirect_dma semaphore(%arg11 : memref<!tpu.dma_semaphore, #tpu.memory_space<semaphore_mem>>) src(%dma_wait3A_230 : memref<20480x128xf32, #tpu.memory_space<hbm>>) dst(%dma_wait3A_224 : memref<128x128xf32, #tpu.memory_space<vmem>>)
      %dma_start3A_231 = arith.constant 0 : i32
      %dma_start3A_232 = arith.constant 2 : i32
      %dma_start3A_233 = arith.constant 0 : i32
      %dma_start3A_234 = arith.constant 0 : i32
      %dma_start3A_235 = tpu.memref_slice %arg8[%dma_start3A_231, %dma_start3A_233, %dma_start3A_234] : memref<2x128x128xf32, #tpu.memory_space<vmem>> -> memref<1x128x128xf32, #tpu.memory_space<vmem>>
      %dma_start3A_236 = tpu.memref_squeeze %dma_start3A_235 : memref<1x128x128xf32, #tpu.memory_space<vmem>> -> memref<128x128xf32, #tpu.memory_space<vmem>>
      %dma_start3A_237 = arith.constant 0 : i32
      %dma_start3A_238 = tpu.memref_slice %arg7[%dma_start3A_232, %dma_start3A_237] : memref<8x128xi32, #tpu.memory_space<vmem>> -> memref<1x128xi32, #tpu.memory_space<vmem>>
      %dma_start3A_239 = tpu.memref_squeeze %dma_start3A_238 : memref<1x128xi32, #tpu.memory_space<vmem>> -> memref<128xi32, #tpu.memory_space<vmem>>
      %dma_start3A_240 = arith.constant 0 : i32
      %dma_start3A_241 = arith.constant 0 : i32
      %dma_start3A_242 = tpu.memref_slice %arg10[%dma_start3A_240, %dma_start3A_241] : memref<10240x128xf32, #tpu.memory_space<vmem_shared>> -> memref<10240x128xf32, #tpu.memory_space<vmem_shared>>
      tpu.enqueue_indirect_dma source(%dma_start3A_236 : memref<128x128xf32, #tpu.memory_space<vmem>>) target(%dma_start3A_242 : memref<10240x128xf32, #tpu.memory_space<vmem_shared>>) offsets(%dma_start3A_239 : memref<128xi32, #tpu.memory_space<vmem>>) semaphore(%arg13 : memref<!tpu.dma_semaphore, #tpu.memory_space<semaphore_mem>>) {add = true}
      %convert_element_type3A_243 = arith.extui %eq3A_0 : i1 to i32
      %cond3A_244 = arith.constant 0 : i32
      %cond3A_245 = arith.cmpi ne, %convert_element_type3A_243, %cond3A_244 : i32
      scf.if %cond3A_245 {
        %scan3A_501 = arith.constant 0 : i32
        %scan3A_502 = arith.constant 8 : i32
        %scan3A_503 = arith.addi %scan3A_501, %scan3A_502 : i32
        %scan3A_504 = arith.constant 1 : i32
        scf.for %scan3A_506 = %scan3A_501 to %scan3A_503 step %scan3A_504  : i32 {
          %mul3A_507 = arith.constant 16 : i32
          %mul3A_508 = arith.muli %scan3A_506, %mul3A_507 : i32
          %add3A_509 = arith.constant 0 : i32
          %add3A_510 = arith.addi %add3A_509, %mul3A_508 : i32
          %get3A = arith.constant 2 : i32
          %get3A_511 = arith.index_cast %get3A : i32 to index
          %get3A_512 = arith.index_cast %add3A_510 : i32 to index
          %get3A_513 = tpu.vector_load %arg7[%get3A_511, %get3A_512] {strides = array<i32>} : memref<8x128xi32, #tpu.memory_space<vmem>>, vector<16xi32>,
          tpu.vector_store_idx %arg9[%get3A_513], %broadcast_in_dim3A_4 {add = true} : memref<10240xf32, #tpu.memory_space<vmem>>[vector<16xi32>], vector<16xf32>,
        }
        %scan3A_505 = arith.constant 8 : i32
      } else {
      }
      %dma_wait3A_246 = arith.constant 3 : i32
      %dma_wait3A_247 = arith.constant 1 : i32
      %dma_wait3A_248 = arith.constant 0 : i32
      %dma_wait3A_249 = arith.constant 0 : i32
      %dma_wait3A_250 = tpu.memref_slice %arg8[%dma_wait3A_247, %dma_wait3A_248, %dma_wait3A_249] : memref<2x128x128xf32, #tpu.memory_space<vmem>> -> memref<1x128x128xf32, #tpu.memory_space<vmem>>
      %dma_wait3A_251 = tpu.memref_squeeze %dma_wait3A_250 : memref<1x128x128xf32, #tpu.memory_space<vmem>> -> memref<128x128xf32, #tpu.memory_space<vmem>>
      %dma_wait3A_252 = arith.constant 0 : i32
      %dma_wait3A_253 = tpu.memref_slice %arg6[%dma_wait3A_246, %dma_wait3A_252] : memref<8x128xi32, #tpu.memory_space<vmem>> -> memref<1x128xi32, #tpu.memory_space<vmem>>
      %dma_wait3A_254 = tpu.memref_squeeze %dma_wait3A_253 : memref<1x128xi32, #tpu.memory_space<vmem>> -> memref<128xi32, #tpu.memory_space<vmem>>
      %dma_wait3A_255 = arith.constant 0 : i32
      %dma_wait3A_256 = arith.constant 0 : i32
      %dma_wait3A_257 = tpu.memref_slice %arg2[%dma_wait3A_255, %dma_wait3A_256] : memref<20480x128xf32, #tpu.memory_space<hbm>> -> memref<20480x128xf32, #tpu.memory_space<hbm>>
      tpu.wait_indirect_dma semaphore(%arg12 : memref<!tpu.dma_semaphore, #tpu.memory_space<semaphore_mem>>) src(%dma_wait3A_257 : memref<20480x128xf32, #tpu.memory_space<hbm>>) dst(%dma_wait3A_251 : memref<128x128xf32, #tpu.memory_space<vmem>>)
      %dma_start3A_258 = arith.constant 1 : i32
      %dma_start3A_259 = arith.constant 3 : i32
      %dma_start3A_260 = arith.constant 0 : i32
      %dma_start3A_261 = arith.constant 0 : i32
      %dma_start3A_262 = tpu.memref_slice %arg8[%dma_start3A_258, %dma_start3A_260, %dma_start3A_261] : memref<2x128x128xf32, #tpu.memory_space<vmem>> -> memref<1x128x128xf32, #tpu.memory_space<vmem>>
      %dma_start3A_263 = tpu.memref_squeeze %dma_start3A_262 : memref<1x128x128xf32, #tpu.memory_space<vmem>> -> memref<128x128xf32, #tpu.memory_space<vmem>>
      %dma_start3A_264 = arith.constant 0 : i32
      %dma_start3A_265 = tpu.memref_slice %arg7[%dma_start3A_259, %dma_start3A_264] : memref<8x128xi32, #tpu.memory_space<vmem>> -> memref<1x128xi32, #tpu.memory_space<vmem>>
      %dma_start3A_266 = tpu.memref_squeeze %dma_start3A_265 : memref<1x128xi32, #tpu.memory_space<vmem>> -> memref<128xi32, #tpu.memory_space<vmem>>
      %dma_start3A_267 = arith.constant 0 : i32
      %dma_start3A_268 = arith.constant 0 : i32
      %dma_start3A_269 = tpu.memref_slice %arg10[%dma_start3A_267, %dma_start3A_268] : memref<10240x128xf32, #tpu.memory_space<vmem_shared>> -> memref<10240x128xf32, #tpu.memory_space<vmem_shared>>
      tpu.enqueue_indirect_dma source(%dma_start3A_263 : memref<128x128xf32, #tpu.memory_space<vmem>>) target(%dma_start3A_269 : memref<10240x128xf32, #tpu.memory_space<vmem_shared>>) offsets(%dma_start3A_266 : memref<128xi32, #tpu.memory_space<vmem>>) semaphore(%arg14 : memref<!tpu.dma_semaphore, #tpu.memory_space<semaphore_mem>>) {add = true}
      %convert_element_type3A_270 = arith.extui %eq3A_0 : i1 to i32
      %cond3A_271 = arith.constant 0 : i32
      %cond3A_272 = arith.cmpi ne, %convert_element_type3A_270, %cond3A_271 : i32
      scf.if %cond3A_272 {
        %scan3A_501 = arith.constant 0 : i32
        %scan3A_502 = arith.constant 8 : i32
        %scan3A_503 = arith.addi %scan3A_501, %scan3A_502 : i32
        %scan3A_504 = arith.constant 1 : i32
        scf.for %scan3A_506 = %scan3A_501 to %scan3A_503 step %scan3A_504  : i32 {
          %mul3A_507 = arith.constant 16 : i32
          %mul3A_508 = arith.muli %scan3A_506, %mul3A_507 : i32
          %add3A_509 = arith.constant 0 : i32
          %add3A_510 = arith.addi %add3A_509, %mul3A_508 : i32
          %get3A = arith.constant 3 : i32
          %get3A_511 = arith.index_cast %get3A : i32 to index
          %get3A_512 = arith.index_cast %add3A_510 : i32 to index
          %get3A_513 = tpu.vector_load %arg7[%get3A_511, %get3A_512] {strides = array<i32>} : memref<8x128xi32, #tpu.memory_space<vmem>>, vector<16xi32>,
          tpu.vector_store_idx %arg9[%get3A_513], %broadcast_in_dim3A_4 {add = true} : memref<10240xf32, #tpu.memory_space<vmem>>[vector<16xi32>], vector<16xf32>,
        }
        %scan3A_505 = arith.constant 8 : i32
      } else {
      }
      %dma_wait3A_273 = arith.constant 0 : i32
      %dma_wait3A_274 = arith.constant 2 : i32
      %dma_wait3A_275 = arith.constant 0 : i32
      %dma_wait3A_276 = arith.constant 0 : i32
      %dma_wait3A_277 = tpu.memref_slice %arg8[%dma_wait3A_273, %dma_wait3A_275, %dma_wait3A_276] : memref<2x128x128xf32, #tpu.memory_space<vmem>> -> memref<1x128x128xf32, #tpu.memory_space<vmem>>
      %dma_wait3A_278 = tpu.memref_squeeze %dma_wait3A_277 : memref<1x128x128xf32, #tpu.memory_space<vmem>> -> memref<128x128xf32, #tpu.memory_space<vmem>>
      %dma_wait3A_279 = arith.constant 0 : i32
      %dma_wait3A_280 = tpu.memref_slice %arg7[%dma_wait3A_274, %dma_wait3A_279] : memref<8x128xi32, #tpu.memory_space<vmem>> -> memref<1x128xi32, #tpu.memory_space<vmem>>
      %dma_wait3A_281 = tpu.memref_squeeze %dma_wait3A_280 : memref<1x128xi32, #tpu.memory_space<vmem>> -> memref<128xi32, #tpu.memory_space<vmem>>
      %dma_wait3A_282 = arith.constant 0 : i32
      %dma_wait3A_283 = arith.constant 0 : i32
      %dma_wait3A_284 = tpu.memref_slice %arg10[%dma_wait3A_282, %dma_wait3A_283] : memref<10240x128xf32, #tpu.memory_space<vmem_shared>> -> memref<10240x128xf32, #tpu.memory_space<vmem_shared>>
      tpu.wait_indirect_dma semaphore(%arg13 : memref<!tpu.dma_semaphore, #tpu.memory_space<semaphore_mem>>) src(%dma_wait3A_278 : memref<128x128xf32, #tpu.memory_space<vmem>>) dst(%dma_wait3A_284 : memref<10240x128xf32, #tpu.memory_space<vmem_shared>>)
      %dma_wait3A_285 = arith.constant 1 : i32
      %dma_wait3A_286 = arith.constant 3 : i32
      %dma_wait3A_287 = arith.constant 0 : i32
      %dma_wait3A_288 = arith.constant 0 : i32
      %dma_wait3A_289 = tpu.memref_slice %arg8[%dma_wait3A_285, %dma_wait3A_287, %dma_wait3A_288] : memref<2x128x128xf32, #tpu.memory_space<vmem>> -> memref<1x128x128xf32, #tpu.memory_space<vmem>>
      %dma_wait3A_290 = tpu.memref_squeeze %dma_wait3A_289 : memref<1x128x128xf32, #tpu.memory_space<vmem>> -> memref<128x128xf32, #tpu.memory_space<vmem>>
      %dma_wait3A_291 = arith.constant 0 : i32
      %dma_wait3A_292 = tpu.memref_slice %arg7[%dma_wait3A_286, %dma_wait3A_291] : memref<8x128xi32, #tpu.memory_space<vmem>> -> memref<1x128xi32, #tpu.memory_space<vmem>>
      %dma_wait3A_293 = tpu.memref_squeeze %dma_wait3A_292 : memref<1x128xi32, #tpu.memory_space<vmem>> -> memref<128xi32, #tpu.memory_space<vmem>>
      %dma_wait3A_294 = arith.constant 0 : i32
      %dma_wait3A_295 = arith.constant 0 : i32
      %dma_wait3A_296 = tpu.memref_slice %arg10[%dma_wait3A_294, %dma_wait3A_295] : memref<10240x128xf32, #tpu.memory_space<vmem_shared>> -> memref<10240x128xf32, #tpu.memory_space<vmem_shared>>
      tpu.wait_indirect_dma semaphore(%arg14 : memref<!tpu.dma_semaphore, #tpu.memory_space<semaphore_mem>>) src(%dma_wait3A_290 : memref<128x128xf32, #tpu.memory_space<vmem>>) dst(%dma_wait3A_296 : memref<10240x128xf32, #tpu.memory_space<vmem_shared>>)
      %dma_start3A_297 = arith.constant 4 : i32
      %dma_start3A_298 = arith.constant 0 : i32
      %dma_start3A_299 = arith.constant 0 : i32
      %dma_start3A_300 = arith.constant 0 : i32
      %dma_start3A_301 = tpu.memref_slice %arg8[%dma_start3A_298, %dma_start3A_299, %dma_start3A_300] : memref<2x128x128xf32, #tpu.memory_space<vmem>> -> memref<1x128x128xf32, #tpu.memory_space<vmem>>
      %dma_start3A_302 = tpu.memref_squeeze %dma_start3A_301 : memref<1x128x128xf32, #tpu.memory_space<vmem>> -> memref<128x128xf32, #tpu.memory_space<vmem>>
      %dma_start3A_303 = arith.constant 0 : i32
      %dma_start3A_304 = tpu.memref_slice %arg6[%dma_start3A_297, %dma_start3A_303] : memref<8x128xi32, #tpu.memory_space<vmem>> -> memref<1x128xi32, #tpu.memory_space<vmem>>
      %dma_start3A_305 = tpu.memref_squeeze %dma_start3A_304 : memref<1x128xi32, #tpu.memory_space<vmem>> -> memref<128xi32, #tpu.memory_space<vmem>>
      %dma_start3A_306 = arith.constant 0 : i32
      %dma_start3A_307 = arith.constant 0 : i32
      %dma_start3A_308 = tpu.memref_slice %arg2[%dma_start3A_306, %dma_start3A_307] : memref<20480x128xf32, #tpu.memory_space<hbm>> -> memref<20480x128xf32, #tpu.memory_space<hbm>>
      tpu.enqueue_indirect_dma source(%dma_start3A_308 : memref<20480x128xf32, #tpu.memory_space<hbm>>) target(%dma_start3A_302 : memref<128x128xf32, #tpu.memory_space<vmem>>) offsets(%dma_start3A_305 : memref<128xi32, #tpu.memory_space<vmem>>) semaphore(%arg11 : memref<!tpu.dma_semaphore, #tpu.memory_space<semaphore_mem>>)
      %dma_start3A_309 = arith.constant 5 : i32
      %dma_start3A_310 = arith.constant 1 : i32
      %dma_start3A_311 = arith.constant 0 : i32
      %dma_start3A_312 = arith.constant 0 : i32
      %dma_start3A_313 = tpu.memref_slice %arg8[%dma_start3A_310, %dma_start3A_311, %dma_start3A_312] : memref<2x128x128xf32, #tpu.memory_space<vmem>> -> memref<1x128x128xf32, #tpu.memory_space<vmem>>
      %dma_start3A_314 = tpu.memref_squeeze %dma_start3A_313 : memref<1x128x128xf32, #tpu.memory_space<vmem>> -> memref<128x128xf32, #tpu.memory_space<vmem>>
      %dma_start3A_315 = arith.constant 0 : i32
      %dma_start3A_316 = tpu.memref_slice %arg6[%dma_start3A_309, %dma_start3A_315] : memref<8x128xi32, #tpu.memory_space<vmem>> -> memref<1x128xi32, #tpu.memory_space<vmem>>
      %dma_start3A_317 = tpu.memref_squeeze %dma_start3A_316 : memref<1x128xi32, #tpu.memory_space<vmem>> -> memref<128xi32, #tpu.memory_space<vmem>>
      %dma_start3A_318 = arith.constant 0 : i32
      %dma_start3A_319 = arith.constant 0 : i32
      %dma_start3A_320 = tpu.memref_slice %arg2[%dma_start3A_318, %dma_start3A_319] : memref<20480x128xf32, #tpu.memory_space<hbm>> -> memref<20480x128xf32, #tpu.memory_space<hbm>>
      tpu.enqueue_indirect_dma source(%dma_start3A_320 : memref<20480x128xf32, #tpu.memory_space<hbm>>) target(%dma_start3A_314 : memref<128x128xf32, #tpu.memory_space<vmem>>) offsets(%dma_start3A_317 : memref<128xi32, #tpu.memory_space<vmem>>) semaphore(%arg12 : memref<!tpu.dma_semaphore, #tpu.memory_space<semaphore_mem>>)
      %dma_wait3A_321 = arith.constant 4 : i32
      %dma_wait3A_322 = arith.constant 0 : i32
      %dma_wait3A_323 = arith.constant 0 : i32
      %dma_wait3A_324 = arith.constant 0 : i32
      %dma_wait3A_325 = tpu.memref_slice %arg8[%dma_wait3A_322, %dma_wait3A_323, %dma_wait3A_324] : memref<2x128x128xf32, #tpu.memory_space<vmem>> -> memref<1x128x128xf32, #tpu.memory_space<vmem>>
      %dma_wait3A_326 = tpu.memref_squeeze %dma_wait3A_325 : memref<1x128x128xf32, #tpu.memory_space<vmem>> -> memref<128x128xf32, #tpu.memory_space<vmem>>
      %dma_wait3A_327 = arith.constant 0 : i32
      %dma_wait3A_328 = tpu.memref_slice %arg6[%dma_wait3A_321, %dma_wait3A_327] : memref<8x128xi32, #tpu.memory_space<vmem>> -> memref<1x128xi32, #tpu.memory_space<vmem>>
      %dma_wait3A_329 = tpu.memref_squeeze %dma_wait3A_328 : memref<1x128xi32, #tpu.memory_space<vmem>> -> memref<128xi32, #tpu.memory_space<vmem>>
      %dma_wait3A_330 = arith.constant 0 : i32
      %dma_wait3A_331 = arith.constant 0 : i32
      %dma_wait3A_332 = tpu.memref_slice %arg2[%dma_wait3A_330, %dma_wait3A_331] : memref<20480x128xf32, #tpu.memory_space<hbm>> -> memref<20480x128xf32, #tpu.memory_space<hbm>>
      tpu.wait_indirect_dma semaphore(%arg11 : memref<!tpu.dma_semaphore, #tpu.memory_space<semaphore_mem>>) src(%dma_wait3A_332 : memref<20480x128xf32, #tpu.memory_space<hbm>>) dst(%dma_wait3A_326 : memref<128x128xf32, #tpu.memory_space<vmem>>)
      %dma_start3A_333 = arith.constant 0 : i32
      %dma_start3A_334 = arith.constant 4 : i32
      %dma_start3A_335 = arith.constant 0 : i32
      %dma_start3A_336 = arith.constant 0 : i32
      %dma_start3A_337 = tpu.memref_slice %arg8[%dma_start3A_333, %dma_start3A_335, %dma_start3A_336] : memref<2x128x128xf32, #tpu.memory_space<vmem>> -> memref<1x128x128xf32, #tpu.memory_space<vmem>>
      %dma_start3A_338 = tpu.memref_squeeze %dma_start3A_337 : memref<1x128x128xf32, #tpu.memory_space<vmem>> -> memref<128x128xf32, #tpu.memory_space<vmem>>
      %dma_start3A_339 = arith.constant 0 : i32
      %dma_start3A_340 = tpu.memref_slice %arg7[%dma_start3A_334, %dma_start3A_339] : memref<8x128xi32, #tpu.memory_space<vmem>> -> memref<1x128xi32, #tpu.memory_space<vmem>>
      %dma_start3A_341 = tpu.memref_squeeze %dma_start3A_340 : memref<1x128xi32, #tpu.memory_space<vmem>> -> memref<128xi32, #tpu.memory_space<vmem>>
      %dma_start3A_342 = arith.constant 0 : i32
      %dma_start3A_343 = arith.constant 0 : i32
      %dma_start3A_344 = tpu.memref_slice %arg10[%dma_start3A_342, %dma_start3A_343] : memref<10240x128xf32, #tpu.memory_space<vmem_shared>> -> memref<10240x128xf32, #tpu.memory_space<vmem_shared>>
      tpu.enqueue_indirect_dma source(%dma_start3A_338 : memref<128x128xf32, #tpu.memory_space<vmem>>) target(%dma_start3A_344 : memref<10240x128xf32, #tpu.memory_space<vmem_shared>>) offsets(%dma_start3A_341 : memref<128xi32, #tpu.memory_space<vmem>>) semaphore(%arg13 : memref<!tpu.dma_semaphore, #tpu.memory_space<semaphore_mem>>) {add = true}
      %convert_element_type3A_345 = arith.extui %eq3A_0 : i1 to i32
      %cond3A_346 = arith.constant 0 : i32
      %cond3A_347 = arith.cmpi ne, %convert_element_type3A_345, %cond3A_346 : i32
      scf.if %cond3A_347 {
        %scan3A_501 = arith.constant 0 : i32
        %scan3A_502 = arith.constant 8 : i32
        %scan3A_503 = arith.addi %scan3A_501, %scan3A_502 : i32
        %scan3A_504 = arith.constant 1 : i32
        scf.for %scan3A_506 = %scan3A_501 to %scan3A_503 step %scan3A_504  : i32 {
          %mul3A_507 = arith.constant 16 : i32
          %mul3A_508 = arith.muli %scan3A_506, %mul3A_507 : i32
          %add3A_509 = arith.constant 0 : i32
          %add3A_510 = arith.addi %add3A_509, %mul3A_508 : i32
          %get3A = arith.constant 4 : i32
          %get3A_511 = arith.index_cast %get3A : i32 to index
          %get3A_512 = arith.index_cast %add3A_510 : i32 to index
          %get3A_513 = tpu.vector_load %arg7[%get3A_511, %get3A_512] {strides = array<i32>} : memref<8x128xi32, #tpu.memory_space<vmem>>, vector<16xi32>,
          tpu.vector_store_idx %arg9[%get3A_513], %broadcast_in_dim3A_4 {add = true} : memref<10240xf32, #tpu.memory_space<vmem>>[vector<16xi32>], vector<16xf32>,
        }
        %scan3A_505 = arith.constant 8 : i32
      } else {
      }
      %dma_wait3A_348 = arith.constant 5 : i32
      %dma_wait3A_349 = arith.constant 1 : i32
      %dma_wait3A_350 = arith.constant 0 : i32
      %dma_wait3A_351 = arith.constant 0 : i32
      %dma_wait3A_352 = tpu.memref_slice %arg8[%dma_wait3A_349, %dma_wait3A_350, %dma_wait3A_351] : memref<2x128x128xf32, #tpu.memory_space<vmem>> -> memref<1x128x128xf32, #tpu.memory_space<vmem>>
      %dma_wait3A_353 = tpu.memref_squeeze %dma_wait3A_352 : memref<1x128x128xf32, #tpu.memory_space<vmem>> -> memref<128x128xf32, #tpu.memory_space<vmem>>
      %dma_wait3A_354 = arith.constant 0 : i32
      %dma_wait3A_355 = tpu.memref_slice %arg6[%dma_wait3A_348, %dma_wait3A_354] : memref<8x128xi32, #tpu.memory_space<vmem>> -> memref<1x128xi32, #tpu.memory_space<vmem>>
      %dma_wait3A_356 = tpu.memref_squeeze %dma_wait3A_355 : memref<1x128xi32, #tpu.memory_space<vmem>> -> memref<128xi32, #tpu.memory_space<vmem>>
      %dma_wait3A_357 = arith.constant 0 : i32
      %dma_wait3A_358 = arith.constant 0 : i32
      %dma_wait3A_359 = tpu.memref_slice %arg2[%dma_wait3A_357, %dma_wait3A_358] : memref<20480x128xf32, #tpu.memory_space<hbm>> -> memref<20480x128xf32, #tpu.memory_space<hbm>>
      tpu.wait_indirect_dma semaphore(%arg12 : memref<!tpu.dma_semaphore, #tpu.memory_space<semaphore_mem>>) src(%dma_wait3A_359 : memref<20480x128xf32, #tpu.memory_space<hbm>>) dst(%dma_wait3A_353 : memref<128x128xf32, #tpu.memory_space<vmem>>)
      %dma_start3A_360 = arith.constant 1 : i32
      %dma_start3A_361 = arith.constant 5 : i32
      %dma_start3A_362 = arith.constant 0 : i32
      %dma_start3A_363 = arith.constant 0 : i32
      %dma_start3A_364 = tpu.memref_slice %arg8[%dma_start3A_360, %dma_start3A_362, %dma_start3A_363] : memref<2x128x128xf32, #tpu.memory_space<vmem>> -> memref<1x128x128xf32, #tpu.memory_space<vmem>>
      %dma_start3A_365 = tpu.memref_squeeze %dma_start3A_364 : memref<1x128x128xf32, #tpu.memory_space<vmem>> -> memref<128x128xf32, #tpu.memory_space<vmem>>
      %dma_start3A_366 = arith.constant 0 : i32
      %dma_start3A_367 = tpu.memref_slice %arg7[%dma_start3A_361, %dma_start3A_366] : memref<8x128xi32, #tpu.memory_space<vmem>> -> memref<1x128xi32, #tpu.memory_space<vmem>>
      %dma_start3A_368 = tpu.memref_squeeze %dma_start3A_367 : memref<1x128xi32, #tpu.memory_space<vmem>> -> memref<128xi32, #tpu.memory_space<vmem>>
      %dma_start3A_369 = arith.constant 0 : i32
      %dma_start3A_370 = arith.constant 0 : i32
      %dma_start3A_371 = tpu.memref_slice %arg10[%dma_start3A_369, %dma_start3A_370] : memref<10240x128xf32, #tpu.memory_space<vmem_shared>> -> memref<10240x128xf32, #tpu.memory_space<vmem_shared>>
      tpu.enqueue_indirect_dma source(%dma_start3A_365 : memref<128x128xf32, #tpu.memory_space<vmem>>) target(%dma_start3A_371 : memref<10240x128xf32, #tpu.memory_space<vmem_shared>>) offsets(%dma_start3A_368 : memref<128xi32, #tpu.memory_space<vmem>>) semaphore(%arg14 : memref<!tpu.dma_semaphore, #tpu.memory_space<semaphore_mem>>) {add = true}
      %convert_element_type3A_372 = arith.extui %eq3A_0 : i1 to i32
      %cond3A_373 = arith.constant 0 : i32
      %cond3A_374 = arith.cmpi ne, %convert_element_type3A_372, %cond3A_373 : i32
      scf.if %cond3A_374 {
        %scan3A_501 = arith.constant 0 : i32
        %scan3A_502 = arith.constant 8 : i32
        %scan3A_503 = arith.addi %scan3A_501, %scan3A_502 : i32
        %scan3A_504 = arith.constant 1 : i32
        scf.for %scan3A_506 = %scan3A_501 to %scan3A_503 step %scan3A_504  : i32 {
          %mul3A_507 = arith.constant 16 : i32
          %mul3A_508 = arith.muli %scan3A_506, %mul3A_507 : i32
          %add3A_509 = arith.constant 0 : i32
          %add3A_510 = arith.addi %add3A_509, %mul3A_508 : i32
          %get3A = arith.constant 5 : i32
          %get3A_511 = arith.index_cast %get3A : i32 to index
          %get3A_512 = arith.index_cast %add3A_510 : i32 to index
          %get3A_513 = tpu.vector_load %arg7[%get3A_511, %get3A_512] {strides = array<i32>} : memref<8x128xi32, #tpu.memory_space<vmem>>, vector<16xi32>,
          tpu.vector_store_idx %arg9[%get3A_513], %broadcast_in_dim3A_4 {add = true} : memref<10240xf32, #tpu.memory_space<vmem>>[vector<16xi32>], vector<16xf32>,
        }
        %scan3A_505 = arith.constant 8 : i32
      } else {
      }
      %dma_wait3A_375 = arith.constant 0 : i32
      %dma_wait3A_376 = arith.constant 4 : i32
      %dma_wait3A_377 = arith.constant 0 : i32
      %dma_wait3A_378 = arith.constant 0 : i32
      %dma_wait3A_379 = tpu.memref_slice %arg8[%dma_wait3A_375, %dma_wait3A_377, %dma_wait3A_378] : memref<2x128x128xf32, #tpu.memory_space<vmem>> -> memref<1x128x128xf32, #tpu.memory_space<vmem>>
      %dma_wait3A_380 = tpu.memref_squeeze %dma_wait3A_379 : memref<1x128x128xf32, #tpu.memory_space<vmem>> -> memref<128x128xf32, #tpu.memory_space<vmem>>
      %dma_wait3A_381 = arith.constant 0 : i32
      %dma_wait3A_382 = tpu.memref_slice %arg7[%dma_wait3A_376, %dma_wait3A_381] : memref<8x128xi32, #tpu.memory_space<vmem>> -> memref<1x128xi32, #tpu.memory_space<vmem>>
      %dma_wait3A_383 = tpu.memref_squeeze %dma_wait3A_382 : memref<1x128xi32, #tpu.memory_space<vmem>> -> memref<128xi32, #tpu.memory_space<vmem>>
      %dma_wait3A_384 = arith.constant 0 : i32
      %dma_wait3A_385 = arith.constant 0 : i32
      %dma_wait3A_386 = tpu.memref_slice %arg10[%dma_wait3A_384, %dma_wait3A_385] : memref<10240x128xf32, #tpu.memory_space<vmem_shared>> -> memref<10240x128xf32, #tpu.memory_space<vmem_shared>>
      tpu.wait_indirect_dma semaphore(%arg13 : memref<!tpu.dma_semaphore, #tpu.memory_space<semaphore_mem>>) src(%dma_wait3A_380 : memref<128x128xf32, #tpu.memory_space<vmem>>) dst(%dma_wait3A_386 : memref<10240x128xf32, #tpu.memory_space<vmem_shared>>)
      %dma_start3A_387 = arith.constant 6 : i32
      %dma_start3A_388 = arith.constant 0 : i32
      %dma_start3A_389 = arith.constant 0 : i32
      %dma_start3A_390 = arith.constant 0 : i32
      %dma_start3A_391 = tpu.memref_slice %arg8[%dma_start3A_388, %dma_start3A_389, %dma_start3A_390] : memref<2x128x128xf32, #tpu.memory_space<vmem>> -> memref<1x128x128xf32, #tpu.memory_space<vmem>>
      %dma_start3A_392 = tpu.memref_squeeze %dma_start3A_391 : memref<1x128x128xf32, #tpu.memory_space<vmem>> -> memref<128x128xf32, #tpu.memory_space<vmem>>
      %dma_start3A_393 = arith.constant 0 : i32
      %dma_start3A_394 = tpu.memref_slice %arg6[%dma_start3A_387, %dma_start3A_393] : memref<8x128xi32, #tpu.memory_space<vmem>> -> memref<1x128xi32, #tpu.memory_space<vmem>>
      %dma_start3A_395 = tpu.memref_squeeze %dma_start3A_394 : memref<1x128xi32, #tpu.memory_space<vmem>> -> memref<128xi32, #tpu.memory_space<vmem>>
      %dma_start3A_396 = arith.constant 0 : i32
      %dma_start3A_397 = arith.constant 0 : i32
      %dma_start3A_398 = tpu.memref_slice %arg2[%dma_start3A_396, %dma_start3A_397] : memref<20480x128xf32, #tpu.memory_space<hbm>> -> memref<20480x128xf32, #tpu.memory_space<hbm>>
      tpu.enqueue_indirect_dma source(%dma_start3A_398 : memref<20480x128xf32, #tpu.memory_space<hbm>>) target(%dma_start3A_392 : memref<128x128xf32, #tpu.memory_space<vmem>>) offsets(%dma_start3A_395 : memref<128xi32, #tpu.memory_space<vmem>>) semaphore(%arg11 : memref<!tpu.dma_semaphore, #tpu.memory_space<semaphore_mem>>)
      %dma_wait3A_399 = arith.constant 1 : i32
      %dma_wait3A_400 = arith.constant 5 : i32
      %dma_wait3A_401 = arith.constant 0 : i32
      %dma_wait3A_402 = arith.constant 0 : i32
      %dma_wait3A_403 = tpu.memref_slice %arg8[%dma_wait3A_399, %dma_wait3A_401, %dma_wait3A_402] : memref<2x128x128xf32, #tpu.memory_space<vmem>> -> memref<1x128x128xf32, #tpu.memory_space<vmem>>
      %dma_wait3A_404 = tpu.memref_squeeze %dma_wait3A_403 : memref<1x128x128xf32, #tpu.memory_space<vmem>> -> memref<128x128xf32, #tpu.memory_space<vmem>>
      %dma_wait3A_405 = arith.constant 0 : i32
      %dma_wait3A_406 = tpu.memref_slice %arg7[%dma_wait3A_400, %dma_wait3A_405] : memref<8x128xi32, #tpu.memory_space<vmem>> -> memref<1x128xi32, #tpu.memory_space<vmem>>
      %dma_wait3A_407 = tpu.memref_squeeze %dma_wait3A_406 : memref<1x128xi32, #tpu.memory_space<vmem>> -> memref<128xi32, #tpu.memory_space<vmem>>
      %dma_wait3A_408 = arith.constant 0 : i32
      %dma_wait3A_409 = arith.constant 0 : i32
      %dma_wait3A_410 = tpu.memref_slice %arg10[%dma_wait3A_408, %dma_wait3A_409] : memref<10240x128xf32, #tpu.memory_space<vmem_shared>> -> memref<10240x128xf32, #tpu.memory_space<vmem_shared>>
      tpu.wait_indirect_dma semaphore(%arg14 : memref<!tpu.dma_semaphore, #tpu.memory_space<semaphore_mem>>) src(%dma_wait3A_404 : memref<128x128xf32, #tpu.memory_space<vmem>>) dst(%dma_wait3A_410 : memref<10240x128xf32, #tpu.memory_space<vmem_shared>>)
      %dma_start3A_411 = arith.constant 7 : i32
      %dma_start3A_412 = arith.constant 1 : i32
      %dma_start3A_413 = arith.constant 0 : i32
      %dma_start3A_414 = arith.constant 0 : i32
      %dma_start3A_415 = tpu.memref_slice %arg8[%dma_start3A_412, %dma_start3A_413, %dma_start3A_414] : memref<2x128x128xf32, #tpu.memory_space<vmem>> -> memref<1x128x128xf32, #tpu.memory_space<vmem>>
      %dma_start3A_416 = tpu.memref_squeeze %dma_start3A_415 : memref<1x128x128xf32, #tpu.memory_space<vmem>> -> memref<128x128xf32, #tpu.memory_space<vmem>>
      %dma_start3A_417 = arith.constant 0 : i32
      %dma_start3A_418 = tpu.memref_slice %arg6[%dma_start3A_411, %dma_start3A_417] : memref<8x128xi32, #tpu.memory_space<vmem>> -> memref<1x128xi32, #tpu.memory_space<vmem>>
      %dma_start3A_419 = tpu.memref_squeeze %dma_start3A_418 : memref<1x128xi32, #tpu.memory_space<vmem>> -> memref<128xi32, #tpu.memory_space<vmem>>
      %dma_start3A_420 = arith.constant 0 : i32
      %dma_start3A_421 = arith.constant 0 : i32
      %dma_start3A_422 = tpu.memref_slice %arg2[%dma_start3A_420, %dma_start3A_421] : memref<20480x128xf32, #tpu.memory_space<hbm>> -> memref<20480x128xf32, #tpu.memory_space<hbm>>
      tpu.enqueue_indirect_dma source(%dma_start3A_422 : memref<20480x128xf32, #tpu.memory_space<hbm>>) target(%dma_start3A_416 : memref<128x128xf32, #tpu.memory_space<vmem>>) offsets(%dma_start3A_419 : memref<128xi32, #tpu.memory_space<vmem>>) semaphore(%arg12 : memref<!tpu.dma_semaphore, #tpu.memory_space<semaphore_mem>>)
      %dma_wait3A_423 = arith.constant 6 : i32
      %dma_wait3A_424 = arith.constant 0 : i32
      %dma_wait3A_425 = arith.constant 0 : i32
      %dma_wait3A_426 = arith.constant 0 : i32
      %dma_wait3A_427 = tpu.memref_slice %arg8[%dma_wait3A_424, %dma_wait3A_425, %dma_wait3A_426] : memref<2x128x128xf32, #tpu.memory_space<vmem>> -> memref<1x128x128xf32, #tpu.memory_space<vmem>>
      %dma_wait3A_428 = tpu.memref_squeeze %dma_wait3A_427 : memref<1x128x128xf32, #tpu.memory_space<vmem>> -> memref<128x128xf32, #tpu.memory_space<vmem>>
      %dma_wait3A_429 = arith.constant 0 : i32
      %dma_wait3A_430 = tpu.memref_slice %arg6[%dma_wait3A_423, %dma_wait3A_429] : memref<8x128xi32, #tpu.memory_space<vmem>> -> memref<1x128xi32, #tpu.memory_space<vmem>>
      %dma_wait3A_431 = tpu.memref_squeeze %dma_wait3A_430 : memref<1x128xi32, #tpu.memory_space<vmem>> -> memref<128xi32, #tpu.memory_space<vmem>>
      %dma_wait3A_432 = arith.constant 0 : i32
      %dma_wait3A_433 = arith.constant 0 : i32
      %dma_wait3A_434 = tpu.memref_slice %arg2[%dma_wait3A_432, %dma_wait3A_433] : memref<20480x128xf32, #tpu.memory_space<hbm>> -> memref<20480x128xf32, #tpu.memory_space<hbm>>
      tpu.wait_indirect_dma semaphore(%arg11 : memref<!tpu.dma_semaphore, #tpu.memory_space<semaphore_mem>>) src(%dma_wait3A_434 : memref<20480x128xf32, #tpu.memory_space<hbm>>) dst(%dma_wait3A_428 : memref<128x128xf32, #tpu.memory_space<vmem>>)
      %dma_start3A_435 = arith.constant 0 : i32
      %dma_start3A_436 = arith.constant 6 : i32
      %dma_start3A_437 = arith.constant 0 : i32
      %dma_start3A_438 = arith.constant 0 : i32
      %dma_start3A_439 = tpu.memref_slice %arg8[%dma_start3A_435, %dma_start3A_437, %dma_start3A_438] : memref<2x128x128xf32, #tpu.memory_space<vmem>> -> memref<1x128x128xf32, #tpu.memory_space<vmem>>
      %dma_start3A_440 = tpu.memref_squeeze %dma_start3A_439 : memref<1x128x128xf32, #tpu.memory_space<vmem>> -> memref<128x128xf32, #tpu.memory_space<vmem>>
      %dma_start3A_441 = arith.constant 0 : i32
      %dma_start3A_442 = tpu.memref_slice %arg7[%dma_start3A_436, %dma_start3A_441] : memref<8x128xi32, #tpu.memory_space<vmem>> -> memref<1x128xi32, #tpu.memory_space<vmem>>
      %dma_start3A_443 = tpu.memref_squeeze %dma_start3A_442 : memref<1x128xi32, #tpu.memory_space<vmem>> -> memref<128xi32, #tpu.memory_space<vmem>>
      %dma_start3A_444 = arith.constant 0 : i32
      %dma_start3A_445 = arith.constant 0 : i32
      %dma_start3A_446 = tpu.memref_slice %arg10[%dma_start3A_444, %dma_start3A_445] : memref<10240x128xf32, #tpu.memory_space<vmem_shared>> -> memref<10240x128xf32, #tpu.memory_space<vmem_shared>>
      tpu.enqueue_indirect_dma source(%dma_start3A_440 : memref<128x128xf32, #tpu.memory_space<vmem>>) target(%dma_start3A_446 : memref<10240x128xf32, #tpu.memory_space<vmem_shared>>) offsets(%dma_start3A_443 : memref<128xi32, #tpu.memory_space<vmem>>) semaphore(%arg13 : memref<!tpu.dma_semaphore, #tpu.memory_space<semaphore_mem>>) {add = true}
      %convert_element_type3A_447 = arith.extui %eq3A_0 : i1 to i32
      %cond3A_448 = arith.constant 0 : i32
      %cond3A_449 = arith.cmpi ne, %convert_element_type3A_447, %cond3A_448 : i32
      scf.if %cond3A_449 {
        %scan3A_501 = arith.constant 0 : i32
        %scan3A_502 = arith.constant 8 : i32
        %scan3A_503 = arith.addi %scan3A_501, %scan3A_502 : i32
        %scan3A_504 = arith.constant 1 : i32
        scf.for %scan3A_506 = %scan3A_501 to %scan3A_503 step %scan3A_504  : i32 {
          %mul3A_507 = arith.constant 16 : i32
          %mul3A_508 = arith.muli %scan3A_506, %mul3A_507 : i32
          %add3A_509 = arith.constant 0 : i32
          %add3A_510 = arith.addi %add3A_509, %mul3A_508 : i32
          %get3A = arith.constant 6 : i32
          %get3A_511 = arith.index_cast %get3A : i32 to index
          %get3A_512 = arith.index_cast %add3A_510 : i32 to index
          %get3A_513 = tpu.vector_load %arg7[%get3A_511, %get3A_512] {strides = array<i32>} : memref<8x128xi32, #tpu.memory_space<vmem>>, vector<16xi32>,
          tpu.vector_store_idx %arg9[%get3A_513], %broadcast_in_dim3A_4 {add = true} : memref<10240xf32, #tpu.memory_space<vmem>>[vector<16xi32>], vector<16xf32>,
        }
        %scan3A_505 = arith.constant 8 : i32
      } else {
      }
      %dma_wait3A_450 = arith.constant 7 : i32
      %dma_wait3A_451 = arith.constant 1 : i32
      %dma_wait3A_452 = arith.constant 0 : i32
      %dma_wait3A_453 = arith.constant 0 : i32
      %dma_wait3A_454 = tpu.memref_slice %arg8[%dma_wait3A_451, %dma_wait3A_452, %dma_wait3A_453] : memref<2x128x128xf32, #tpu.memory_space<vmem>> -> memref<1x128x128xf32, #tpu.memory_space<vmem>>
      %dma_wait3A_455 = tpu.memref_squeeze %dma_wait3A_454 : memref<1x128x128xf32, #tpu.memory_space<vmem>> -> memref<128x128xf32, #tpu.memory_space<vmem>>
      %dma_wait3A_456 = arith.constant 0 : i32
      %dma_wait3A_457 = tpu.memref_slice %arg6[%dma_wait3A_450, %dma_wait3A_456] : memref<8x128xi32, #tpu.memory_space<vmem>> -> memref<1x128xi32, #tpu.memory_space<vmem>>
      %dma_wait3A_458 = tpu.memref_squeeze %dma_wait3A_457 : memref<1x128xi32, #tpu.memory_space<vmem>> -> memref<128xi32, #tpu.memory_space<vmem>>
      %dma_wait3A_459 = arith.constant 0 : i32
      %dma_wait3A_460 = arith.constant 0 : i32
      %dma_wait3A_461 = tpu.memref_slice %arg2[%dma_wait3A_459, %dma_wait3A_460] : memref<20480x128xf32, #tpu.memory_space<hbm>> -> memref<20480x128xf32, #tpu.memory_space<hbm>>
      tpu.wait_indirect_dma semaphore(%arg12 : memref<!tpu.dma_semaphore, #tpu.memory_space<semaphore_mem>>) src(%dma_wait3A_461 : memref<20480x128xf32, #tpu.memory_space<hbm>>) dst(%dma_wait3A_455 : memref<128x128xf32, #tpu.memory_space<vmem>>)
      %dma_start3A_462 = arith.constant 1 : i32
      %dma_start3A_463 = arith.constant 7 : i32
      %dma_start3A_464 = arith.constant 0 : i32
      %dma_start3A_465 = arith.constant 0 : i32
      %dma_start3A_466 = tpu.memref_slice %arg8[%dma_start3A_462, %dma_start3A_464, %dma_start3A_465] : memref<2x128x128xf32, #tpu.memory_space<vmem>> -> memref<1x128x128xf32, #tpu.memory_space<vmem>>
      %dma_start3A_467 = tpu.memref_squeeze %dma_start3A_466 : memref<1x128x128xf32, #tpu.memory_space<vmem>> -> memref<128x128xf32, #tpu.memory_space<vmem>>
      %dma_start3A_468 = arith.constant 0 : i32
      %dma_start3A_469 = tpu.memref_slice %arg7[%dma_start3A_463, %dma_start3A_468] : memref<8x128xi32, #tpu.memory_space<vmem>> -> memref<1x128xi32, #tpu.memory_space<vmem>>
      %dma_start3A_470 = tpu.memref_squeeze %dma_start3A_469 : memref<1x128xi32, #tpu.memory_space<vmem>> -> memref<128xi32, #tpu.memory_space<vmem>>
      %dma_start3A_471 = arith.constant 0 : i32
      %dma_start3A_472 = arith.constant 0 : i32
      %dma_start3A_473 = tpu.memref_slice %arg10[%dma_start3A_471, %dma_start3A_472] : memref<10240x128xf32, #tpu.memory_space<vmem_shared>> -> memref<10240x128xf32, #tpu.memory_space<vmem_shared>>
      tpu.enqueue_indirect_dma source(%dma_start3A_467 : memref<128x128xf32, #tpu.memory_space<vmem>>) target(%dma_start3A_473 : memref<10240x128xf32, #tpu.memory_space<vmem_shared>>) offsets(%dma_start3A_470 : memref<128xi32, #tpu.memory_space<vmem>>) semaphore(%arg14 : memref<!tpu.dma_semaphore, #tpu.memory_space<semaphore_mem>>) {add = true}
      %convert_element_type3A_474 = arith.extui %eq3A_0 : i1 to i32
      %cond3A_475 = arith.constant 0 : i32
      %cond3A_476 = arith.cmpi ne, %convert_element_type3A_474, %cond3A_475 : i32
      scf.if %cond3A_476 {
        %scan3A_501 = arith.constant 0 : i32
        %scan3A_502 = arith.constant 8 : i32
        %scan3A_503 = arith.addi %scan3A_501, %scan3A_502 : i32
        %scan3A_504 = arith.constant 1 : i32
        scf.for %scan3A_506 = %scan3A_501 to %scan3A_503 step %scan3A_504  : i32 {
          %mul3A_507 = arith.constant 16 : i32
          %mul3A_508 = arith.muli %scan3A_506, %mul3A_507 : i32
          %add3A_509 = arith.constant 0 : i32
          %add3A_510 = arith.addi %add3A_509, %mul3A_508 : i32
          %get3A = arith.constant 7 : i32
          %get3A_511 = arith.index_cast %get3A : i32 to index
          %get3A_512 = arith.index_cast %add3A_510 : i32 to index
          %get3A_513 = tpu.vector_load %arg7[%get3A_511, %get3A_512] {strides = array<i32>} : memref<8x128xi32, #tpu.memory_space<vmem>>, vector<16xi32>,
          tpu.vector_store_idx %arg9[%get3A_513], %broadcast_in_dim3A_4 {add = true} : memref<10240xf32, #tpu.memory_space<vmem>>[vector<16xi32>], vector<16xf32>,
        }
        %scan3A_505 = arith.constant 8 : i32
      } else {
      }
      %dma_wait3A_477 = arith.constant 0 : i32
      %dma_wait3A_478 = arith.constant 6 : i32
      %dma_wait3A_479 = arith.constant 0 : i32
      %dma_wait3A_480 = arith.constant 0 : i32
      %dma_wait3A_481 = tpu.memref_slice %arg8[%dma_wait3A_477, %dma_wait3A_479, %dma_wait3A_480] : memref<2x128x128xf32, #tpu.memory_space<vmem>> -> memref<1x128x128xf32, #tpu.memory_space<vmem>>
      %dma_wait3A_482 = tpu.memref_squeeze %dma_wait3A_481 : memref<1x128x128xf32, #tpu.memory_space<vmem>> -> memref<128x128xf32, #tpu.memory_space<vmem>>
      %dma_wait3A_483 = arith.constant 0 : i32
      %dma_wait3A_484 = tpu.memref_slice %arg7[%dma_wait3A_478, %dma_wait3A_483] : memref<8x128xi32, #tpu.memory_space<vmem>> -> memref<1x128xi32, #tpu.memory_space<vmem>>
      %dma_wait3A_485 = tpu.memref_squeeze %dma_wait3A_484 : memref<1x128xi32, #tpu.memory_space<vmem>> -> memref<128xi32, #tpu.memory_space<vmem>>
      %dma_wait3A_486 = arith.constant 0 : i32
      %dma_wait3A_487 = arith.constant 0 : i32
      %dma_wait3A_488 = tpu.memref_slice %arg10[%dma_wait3A_486, %dma_wait3A_487] : memref<10240x128xf32, #tpu.memory_space<vmem_shared>> -> memref<10240x128xf32, #tpu.memory_space<vmem_shared>>
      tpu.wait_indirect_dma semaphore(%arg13 : memref<!tpu.dma_semaphore, #tpu.memory_space<semaphore_mem>>) src(%dma_wait3A_482 : memref<128x128xf32, #tpu.memory_space<vmem>>) dst(%dma_wait3A_488 : memref<10240x128xf32, #tpu.memory_space<vmem_shared>>)
      %dma_wait3A_489 = arith.constant 1 : i32
      %dma_wait3A_490 = arith.constant 7 : i32
      %dma_wait3A_491 = arith.constant 0 : i32
      %dma_wait3A_492 = arith.constant 0 : i32
      %dma_wait3A_493 = tpu.memref_slice %arg8[%dma_wait3A_489, %dma_wait3A_491, %dma_wait3A_492] : memref<2x128x128xf32, #tpu.memory_space<vmem>> -> memref<1x128x128xf32, #tpu.memory_space<vmem>>
      %dma_wait3A_494 = tpu.memref_squeeze %dma_wait3A_493 : memref<1x128x128xf32, #tpu.memory_space<vmem>> -> memref<128x128xf32, #tpu.memory_space<vmem>>
      %dma_wait3A_495 = arith.constant 0 : i32
      %dma_wait3A_496 = tpu.memref_slice %arg7[%dma_wait3A_490, %dma_wait3A_495] : memref<8x128xi32, #tpu.memory_space<vmem>> -> memref<1x128xi32, #tpu.memory_space<vmem>>
      %dma_wait3A_497 = tpu.memref_squeeze %dma_wait3A_496 : memref<1x128xi32, #tpu.memory_space<vmem>> -> memref<128xi32, #tpu.memory_space<vmem>>
      %dma_wait3A_498 = arith.constant 0 : i32
      %dma_wait3A_499 = arith.constant 0 : i32
      %dma_wait3A_500 = tpu.memref_slice %arg10[%dma_wait3A_498, %dma_wait3A_499] : memref<10240x128xf32, #tpu.memory_space<vmem_shared>> -> memref<10240x128xf32, #tpu.memory_space<vmem_shared>>
      tpu.wait_indirect_dma semaphore(%arg14 : memref<!tpu.dma_semaphore, #tpu.memory_space<semaphore_mem>>) src(%dma_wait3A_494 : memref<128x128xf32, #tpu.memory_space<vmem>>) dst(%dma_wait3A_500 : memref<10240x128xf32, #tpu.memory_space<vmem_shared>>)
    }
    %scan3A_27 = arith.constant 9 : i32
    %lt3A = arith.constant 12 : i32
    %lt3A_28 = arith.cmpi slt, %arg1, %lt3A : i32
    %convert_element_type3A = arith.extui %lt3A_28 : i1 to i32
    %cond3A = arith.constant 0 : i32
    %cond3A_29 = arith.constant 1 : i32
    %cond3A_30 = arith.constant 0 : i32
    %cond3A_31 = arith.cmpi ne, %convert_element_type3A, %cond3A_30 : i32
    scf.if %cond3A_31 {
      %mul3A_43 = arith.constant 8 : i32
      %mul3A_44 = arith.muli %arg1, %mul3A_43 : i32
      %add3A_45 = arith.constant 1152 : i32
      %add3A_46 = arith.addi %add3A_45, %mul3A_44 : i32
      "tpu.region"() ({
        %run_scoped3A = tpu.sem_alloc : memref<!tpu.dma_semaphore, #tpu.memory_space<semaphore_mem>>
        %dma_start3A_493 = arith.constant 0 : i32
        %dma_start3A_494 = arith.constant 0 : i32
        %dma_start3A_495 = tpu.memref_slice %arg6[%dma_start3A_493, %dma_start3A_494] : memref<8x128xi32, #tpu.memory_space<vmem>> -> memref<8x128xi32, #tpu.memory_space<vmem>>
        %dma_start3A_496 = arith.constant 0 : i32
        %dma_start3A_497 = arith.constant 0 : i32
        %dma_start3A_498 = tpu.memref_slice %arg3[%cond3A, %dma_start3A_496, %dma_start3A_497] : memref<2x1250x128xi32, #tpu.memory_space<hbm>> -> memref<1x1250x128xi32, #tpu.memory_space<hbm>>
        %dma_start3A_499 = tpu.memref_squeeze %dma_start3A_498 : memref<1x1250x128xi32, #tpu.memory_space<hbm>> -> memref<1250x128xi32, #tpu.memory_space<hbm>>
        %dma_start3A_500 = arith.constant 0 : i32
        %dma_start3A_501 = tpu.memref_slice %dma_start3A_499[%add3A_46, %dma_start3A_500] : memref<1250x128xi32, #tpu.memory_space<hbm>> -> memref<8x128xi32, #tpu.memory_space<hbm>>
        %dma_start3A_502 = arith.constant 0 : i32
        %dma_start3A_503 = arith.constant 0 : i32
        %dma_start3A_504 = tpu.memref_slice %arg6[%dma_start3A_502, %dma_start3A_503] : memref<8x128xi32, #tpu.memory_space<vmem>> -> memref<8x128xi32, #tpu.memory_space<vmem>>
        %dma_start3A_505 = arith.constant 0 : i32
        %dma_start3A_506 = arith.constant 0 : i32
        %dma_start3A_507 = tpu.memref_slice %arg3[%cond3A, %dma_start3A_505, %dma_start3A_506] : memref<2x1250x128xi32, #tpu.memory_space<hbm>> -> memref<1x1250x128xi32, #tpu.memory_space<hbm>>
        %dma_start3A_508 = tpu.memref_squeeze %dma_start3A_507 : memref<1x1250x128xi32, #tpu.memory_space<hbm>> -> memref<1250x128xi32, #tpu.memory_space<hbm>>
        %dma_start3A_509 = arith.constant 0 : i32
        %dma_start3A_510 = tpu.memref_slice %dma_start3A_508[%add3A_46, %dma_start3A_509] : memref<1250x128xi32, #tpu.memory_space<hbm>> -> memref<8x128xi32, #tpu.memory_space<hbm>>
        tpu.enqueue_dma source(%dma_start3A_510 : memref<8x128xi32, #tpu.memory_space<hbm>>) target(%dma_start3A_504 : memref<8x128xi32, #tpu.memory_space<vmem>>) target_semaphore(%run_scoped3A : memref<!tpu.dma_semaphore, #tpu.memory_space<semaphore_mem>>)
        %dma_wait3A_511 = arith.constant 0 : i32
        %dma_wait3A_512 = arith.constant 0 : i32
        %dma_wait3A_513 = tpu.memref_slice %arg6[%dma_wait3A_511, %dma_wait3A_512] : memref<8x128xi32, #tpu.memory_space<vmem>> -> memref<8x128xi32, #tpu.memory_space<vmem>>
        %dma_wait3A_514 = arith.constant 0 : i32
        %dma_wait3A_515 = arith.constant 0 : i32
        %dma_wait3A_516 = tpu.memref_slice %arg3[%cond3A, %dma_wait3A_514, %dma_wait3A_515] : memref<2x1250x128xi32, #tpu.memory_space<hbm>> -> memref<1x1250x128xi32, #tpu.memory_space<hbm>>
        %dma_wait3A_517 = tpu.memref_squeeze %dma_wait3A_516 : memref<1x1250x128xi32, #tpu.memory_space<hbm>> -> memref<1250x128xi32, #tpu.memory_space<hbm>>
        %dma_wait3A_518 = arith.constant 0 : i32
        %dma_wait3A_519 = tpu.memref_slice %dma_wait3A_517[%add3A_46, %dma_wait3A_518] : memref<1250x128xi32, #tpu.memory_space<hbm>> -> memref<8x128xi32, #tpu.memory_space<hbm>>
        %dma_wait3A_520 = arith.constant 0 : i32
        %dma_wait3A_521 = arith.constant 0 : i32
        %dma_wait3A_522 = tpu.memref_slice %arg6[%dma_wait3A_520, %dma_wait3A_521] : memref<8x128xi32, #tpu.memory_space<vmem>> -> memref<8x128xi32, #tpu.memory_space<vmem>>
        %dma_wait3A_523 = arith.constant 0 : i32
        %dma_wait3A_524 = arith.constant 0 : i32
        %dma_wait3A_525 = tpu.memref_slice %arg3[%cond3A, %dma_wait3A_523, %dma_wait3A_524] : memref<2x1250x128xi32, #tpu.memory_space<hbm>> -> memref<1x1250x128xi32, #tpu.memory_space<hbm>>
        %dma_wait3A_526 = tpu.memref_squeeze %dma_wait3A_525 : memref<1x1250x128xi32, #tpu.memory_space<hbm>> -> memref<1250x128xi32, #tpu.memory_space<hbm>>
        %dma_wait3A_527 = arith.constant 0 : i32
        %dma_wait3A_528 = tpu.memref_slice %dma_wait3A_526[%add3A_46, %dma_wait3A_527] : memref<1250x128xi32, #tpu.memory_space<hbm>> -> memref<8x128xi32, #tpu.memory_space<hbm>>
        tpu.wait_dma2 semaphore(%run_scoped3A : memref<!tpu.dma_semaphore, #tpu.memory_space<semaphore_mem>>) src(%dma_wait3A_528 : memref<8x128xi32, #tpu.memory_space<hbm>>) dst(%dma_wait3A_522 : memref<8x128xi32, #tpu.memory_space<vmem>>)
        tpu.yield
      }) : () -> ()
      "tpu.region"() ({
        %run_scoped3A = tpu.sem_alloc : memref<!tpu.dma_semaphore, #tpu.memory_space<semaphore_mem>>
        %dma_start3A_493 = arith.constant 0 : i32
        %dma_start3A_494 = arith.constant 0 : i32
        %dma_start3A_495 = tpu.memref_slice %arg7[%dma_start3A_493, %dma_start3A_494] : memref<8x128xi32, #tpu.memory_space<vmem>> -> memref<8x128xi32, #tpu.memory_space<vmem>>
        %dma_start3A_496 = arith.constant 0 : i32
        %dma_start3A_497 = arith.constant 0 : i32
        %dma_start3A_498 = tpu.memref_slice %arg3[%cond3A_29, %dma_start3A_496, %dma_start3A_497] : memref<2x1250x128xi32, #tpu.memory_space<hbm>> -> memref<1x1250x128xi32, #tpu.memory_space<hbm>>
        %dma_start3A_499 = tpu.memref_squeeze %dma_start3A_498 : memref<1x1250x128xi32, #tpu.memory_space<hbm>> -> memref<1250x128xi32, #tpu.memory_space<hbm>>
        %dma_start3A_500 = arith.constant 0 : i32
        %dma_start3A_501 = tpu.memref_slice %dma_start3A_499[%add3A_46, %dma_start3A_500] : memref<1250x128xi32, #tpu.memory_space<hbm>> -> memref<8x128xi32, #tpu.memory_space<hbm>>
        %dma_start3A_502 = arith.constant 0 : i32
        %dma_start3A_503 = arith.constant 0 : i32
        %dma_start3A_504 = tpu.memref_slice %arg7[%dma_start3A_502, %dma_start3A_503] : memref<8x128xi32, #tpu.memory_space<vmem>> -> memref<8x128xi32, #tpu.memory_space<vmem>>
        %dma_start3A_505 = arith.constant 0 : i32
        %dma_start3A_506 = arith.constant 0 : i32
        %dma_start3A_507 = tpu.memref_slice %arg3[%cond3A_29, %dma_start3A_505, %dma_start3A_506] : memref<2x1250x128xi32, #tpu.memory_space<hbm>> -> memref<1x1250x128xi32, #tpu.memory_space<hbm>>
        %dma_start3A_508 = tpu.memref_squeeze %dma_start3A_507 : memref<1x1250x128xi32, #tpu.memory_space<hbm>> -> memref<1250x128xi32, #tpu.memory_space<hbm>>
        %dma_start3A_509 = arith.constant 0 : i32
        %dma_start3A_510 = tpu.memref_slice %dma_start3A_508[%add3A_46, %dma_start3A_509] : memref<1250x128xi32, #tpu.memory_space<hbm>> -> memref<8x128xi32, #tpu.memory_space<hbm>>
        tpu.enqueue_dma source(%dma_start3A_510 : memref<8x128xi32, #tpu.memory_space<hbm>>) target(%dma_start3A_504 : memref<8x128xi32, #tpu.memory_space<vmem>>) target_semaphore(%run_scoped3A : memref<!tpu.dma_semaphore, #tpu.memory_space<semaphore_mem>>)
        %dma_wait3A_511 = arith.constant 0 : i32
        %dma_wait3A_512 = arith.constant 0 : i32
        %dma_wait3A_513 = tpu.memref_slice %arg7[%dma_wait3A_511, %dma_wait3A_512] : memref<8x128xi32, #tpu.memory_space<vmem>> -> memref<8x128xi32, #tpu.memory_space<vmem>>
        %dma_wait3A_514 = arith.constant 0 : i32
        %dma_wait3A_515 = arith.constant 0 : i32
        %dma_wait3A_516 = tpu.memref_slice %arg3[%cond3A_29, %dma_wait3A_514, %dma_wait3A_515] : memref<2x1250x128xi32, #tpu.memory_space<hbm>> -> memref<1x1250x128xi32, #tpu.memory_space<hbm>>
        %dma_wait3A_517 = tpu.memref_squeeze %dma_wait3A_516 : memref<1x1250x128xi32, #tpu.memory_space<hbm>> -> memref<1250x128xi32, #tpu.memory_space<hbm>>
        %dma_wait3A_518 = arith.constant 0 : i32
        %dma_wait3A_519 = tpu.memref_slice %dma_wait3A_517[%add3A_46, %dma_wait3A_518] : memref<1250x128xi32, #tpu.memory_space<hbm>> -> memref<8x128xi32, #tpu.memory_space<hbm>>
        %dma_wait3A_520 = arith.constant 0 : i32
        %dma_wait3A_521 = arith.constant 0 : i32
        %dma_wait3A_522 = tpu.memref_slice %arg7[%dma_wait3A_520, %dma_wait3A_521] : memref<8x128xi32, #tpu.memory_space<vmem>> -> memref<8x128xi32, #tpu.memory_space<vmem>>
        %dma_wait3A_523 = arith.constant 0 : i32
        %dma_wait3A_524 = arith.constant 0 : i32
        %dma_wait3A_525 = tpu.memref_slice %arg3[%cond3A_29, %dma_wait3A_523, %dma_wait3A_524] : memref<2x1250x128xi32, #tpu.memory_space<hbm>> -> memref<1x1250x128xi32, #tpu.memory_space<hbm>>
        %dma_wait3A_526 = tpu.memref_squeeze %dma_wait3A_525 : memref<1x1250x128xi32, #tpu.memory_space<hbm>> -> memref<1250x128xi32, #tpu.memory_space<hbm>>
        %dma_wait3A_527 = arith.constant 0 : i32
        %dma_wait3A_528 = tpu.memref_slice %dma_wait3A_526[%add3A_46, %dma_wait3A_527] : memref<1250x128xi32, #tpu.memory_space<hbm>> -> memref<8x128xi32, #tpu.memory_space<hbm>>
        tpu.wait_dma2 semaphore(%run_scoped3A : memref<!tpu.dma_semaphore, #tpu.memory_space<semaphore_mem>>) src(%dma_wait3A_528 : memref<8x128xi32, #tpu.memory_space<hbm>>) dst(%dma_wait3A_522 : memref<8x128xi32, #tpu.memory_space<vmem>>)
        tpu.yield
      }) : () -> ()
      %scan3A_47 = arith.constant 0 : i32
      %scan3A_48 = arith.constant 8 : i32
      %scan3A_49 = arith.addi %scan3A_47, %scan3A_48 : i32
      %scan3A_50 = arith.constant 1 : i32
      scf.for %scan3A_493 = %scan3A_47 to %scan3A_49 step %scan3A_50  : i32 {
        %mul3A_494 = arith.constant 16 : i32
        %mul3A_495 = arith.muli %scan3A_493, %mul3A_494 : i32
        %add3A_496 = arith.constant 0 : i32
        %add3A_497 = arith.addi %add3A_496, %mul3A_495 : i32
        %get3A = arith.constant 0 : i32
        %get3A_498 = arith.index_cast %get3A : i32 to index
        %get3A_499 = arith.index_cast %add3A_497 : i32 to index
        %get3A_500 = tpu.vector_load %arg6[%get3A_498, %get3A_499] {strides = array<i32>} : memref<8x128xi32, #tpu.memory_space<vmem>>, vector<16xi32>,
        %add3A_501 = vector.broadcast %mul3A_1 : i32 to vector<16xi32>
        %add3A_502 = arith.addi %get3A_500, %add3A_501 : vector<16xi32>
        %swap3A = arith.constant 0 : i32
        %swap3A_503 = arith.index_cast %swap3A : i32 to index
        %swap3A_504 = arith.index_cast %add3A_497 : i32 to index
        %swap3A_505 = tpu.vector_load %arg6[%swap3A_503, %swap3A_504] {strides = array<i32>} : memref<8x128xi32, #tpu.memory_space<vmem>>, vector<16xi32>,
        tpu.vector_store %arg6[%swap3A_503, %swap3A_504], %add3A_502 {strides = array<i32>} : memref<8x128xi32, #tpu.memory_space<vmem>>, vector<16xi32>,
      }
      %scan3A_51 = arith.constant 8 : i32
      %scan3A_52 = arith.constant 0 : i32
      %scan3A_53 = arith.constant 8 : i32
      %scan3A_54 = arith.addi %scan3A_52, %scan3A_53 : i32
      %scan3A_55 = arith.constant 1 : i32
      scf.for %scan3A_493 = %scan3A_52 to %scan3A_54 step %scan3A_55  : i32 {
        %mul3A_494 = arith.constant 16 : i32
        %mul3A_495 = arith.muli %scan3A_493, %mul3A_494 : i32
        %add3A_496 = arith.constant 0 : i32
        %add3A_497 = arith.addi %add3A_496, %mul3A_495 : i32
        %get3A = arith.constant 1 : i32
        %get3A_498 = arith.index_cast %get3A : i32 to index
        %get3A_499 = arith.index_cast %add3A_497 : i32 to index
        %get3A_500 = tpu.vector_load %arg6[%get3A_498, %get3A_499] {strides = array<i32>} : memref<8x128xi32, #tpu.memory_space<vmem>>, vector<16xi32>,
        %add3A_501 = vector.broadcast %mul3A_1 : i32 to vector<16xi32>
        %add3A_502 = arith.addi %get3A_500, %add3A_501 : vector<16xi32>
        %swap3A = arith.constant 1 : i32
        %swap3A_503 = arith.index_cast %swap3A : i32 to index
        %swap3A_504 = arith.index_cast %add3A_497 : i32 to index
        %swap3A_505 = tpu.vector_load %arg6[%swap3A_503, %swap3A_504] {strides = array<i32>} : memref<8x128xi32, #tpu.memory_space<vmem>>, vector<16xi32>,
        tpu.vector_store %arg6[%swap3A_503, %swap3A_504], %add3A_502 {strides = array<i32>} : memref<8x128xi32, #tpu.memory_space<vmem>>, vector<16xi32>,
      }
      %scan3A_56 = arith.constant 8 : i32
      %scan3A_57 = arith.constant 0 : i32
      %scan3A_58 = arith.constant 8 : i32
      %scan3A_59 = arith.addi %scan3A_57, %scan3A_58 : i32
      %scan3A_60 = arith.constant 1 : i32
      scf.for %scan3A_493 = %scan3A_57 to %scan3A_59 step %scan3A_60  : i32 {
        %mul3A_494 = arith.constant 16 : i32
        %mul3A_495 = arith.muli %scan3A_493, %mul3A_494 : i32
        %add3A_496 = arith.constant 0 : i32
        %add3A_497 = arith.addi %add3A_496, %mul3A_495 : i32
        %get3A = arith.constant 2 : i32
        %get3A_498 = arith.index_cast %get3A : i32 to index
        %get3A_499 = arith.index_cast %add3A_497 : i32 to index
        %get3A_500 = tpu.vector_load %arg6[%get3A_498, %get3A_499] {strides = array<i32>} : memref<8x128xi32, #tpu.memory_space<vmem>>, vector<16xi32>,
        %add3A_501 = vector.broadcast %mul3A_1 : i32 to vector<16xi32>
        %add3A_502 = arith.addi %get3A_500, %add3A_501 : vector<16xi32>
        %swap3A = arith.constant 2 : i32
        %swap3A_503 = arith.index_cast %swap3A : i32 to index
        %swap3A_504 = arith.index_cast %add3A_497 : i32 to index
        %swap3A_505 = tpu.vector_load %arg6[%swap3A_503, %swap3A_504] {strides = array<i32>} : memref<8x128xi32, #tpu.memory_space<vmem>>, vector<16xi32>,
        tpu.vector_store %arg6[%swap3A_503, %swap3A_504], %add3A_502 {strides = array<i32>} : memref<8x128xi32, #tpu.memory_space<vmem>>, vector<16xi32>,
      }
      %scan3A_61 = arith.constant 8 : i32
      %scan3A_62 = arith.constant 0 : i32
      %scan3A_63 = arith.constant 8 : i32
      %scan3A_64 = arith.addi %scan3A_62, %scan3A_63 : i32
      %scan3A_65 = arith.constant 1 : i32
      scf.for %scan3A_493 = %scan3A_62 to %scan3A_64 step %scan3A_65  : i32 {
        %mul3A_494 = arith.constant 16 : i32
        %mul3A_495 = arith.muli %scan3A_493, %mul3A_494 : i32
        %add3A_496 = arith.constant 0 : i32
        %add3A_497 = arith.addi %add3A_496, %mul3A_495 : i32
        %get3A = arith.constant 3 : i32
        %get3A_498 = arith.index_cast %get3A : i32 to index
        %get3A_499 = arith.index_cast %add3A_497 : i32 to index
        %get3A_500 = tpu.vector_load %arg6[%get3A_498, %get3A_499] {strides = array<i32>} : memref<8x128xi32, #tpu.memory_space<vmem>>, vector<16xi32>,
        %add3A_501 = vector.broadcast %mul3A_1 : i32 to vector<16xi32>
        %add3A_502 = arith.addi %get3A_500, %add3A_501 : vector<16xi32>
        %swap3A = arith.constant 3 : i32
        %swap3A_503 = arith.index_cast %swap3A : i32 to index
        %swap3A_504 = arith.index_cast %add3A_497 : i32 to index
        %swap3A_505 = tpu.vector_load %arg6[%swap3A_503, %swap3A_504] {strides = array<i32>} : memref<8x128xi32, #tpu.memory_space<vmem>>, vector<16xi32>,
        tpu.vector_store %arg6[%swap3A_503, %swap3A_504], %add3A_502 {strides = array<i32>} : memref<8x128xi32, #tpu.memory_space<vmem>>, vector<16xi32>,
      }
      %scan3A_66 = arith.constant 8 : i32
      %scan3A_67 = arith.constant 0 : i32
      %scan3A_68 = arith.constant 8 : i32
      %scan3A_69 = arith.addi %scan3A_67, %scan3A_68 : i32
      %scan3A_70 = arith.constant 1 : i32
      scf.for %scan3A_493 = %scan3A_67 to %scan3A_69 step %scan3A_70  : i32 {
        %mul3A_494 = arith.constant 16 : i32
        %mul3A_495 = arith.muli %scan3A_493, %mul3A_494 : i32
        %add3A_496 = arith.constant 0 : i32
        %add3A_497 = arith.addi %add3A_496, %mul3A_495 : i32
        %get3A = arith.constant 4 : i32
        %get3A_498 = arith.index_cast %get3A : i32 to index
        %get3A_499 = arith.index_cast %add3A_497 : i32 to index
        %get3A_500 = tpu.vector_load %arg6[%get3A_498, %get3A_499] {strides = array<i32>} : memref<8x128xi32, #tpu.memory_space<vmem>>, vector<16xi32>,
        %add3A_501 = vector.broadcast %mul3A_1 : i32 to vector<16xi32>
        %add3A_502 = arith.addi %get3A_500, %add3A_501 : vector<16xi32>
        %swap3A = arith.constant 4 : i32
        %swap3A_503 = arith.index_cast %swap3A : i32 to index
        %swap3A_504 = arith.index_cast %add3A_497 : i32 to index
        %swap3A_505 = tpu.vector_load %arg6[%swap3A_503, %swap3A_504] {strides = array<i32>} : memref<8x128xi32, #tpu.memory_space<vmem>>, vector<16xi32>,
        tpu.vector_store %arg6[%swap3A_503, %swap3A_504], %add3A_502 {strides = array<i32>} : memref<8x128xi32, #tpu.memory_space<vmem>>, vector<16xi32>,
      }
      %scan3A_71 = arith.constant 8 : i32
      %scan3A_72 = arith.constant 0 : i32
      %scan3A_73 = arith.constant 8 : i32
      %scan3A_74 = arith.addi %scan3A_72, %scan3A_73 : i32
      %scan3A_75 = arith.constant 1 : i32
      scf.for %scan3A_493 = %scan3A_72 to %scan3A_74 step %scan3A_75  : i32 {
        %mul3A_494 = arith.constant 16 : i32
        %mul3A_495 = arith.muli %scan3A_493, %mul3A_494 : i32
        %add3A_496 = arith.constant 0 : i32
        %add3A_497 = arith.addi %add3A_496, %mul3A_495 : i32
        %get3A = arith.constant 5 : i32
        %get3A_498 = arith.index_cast %get3A : i32 to index
        %get3A_499 = arith.index_cast %add3A_497 : i32 to index
        %get3A_500 = tpu.vector_load %arg6[%get3A_498, %get3A_499] {strides = array<i32>} : memref<8x128xi32, #tpu.memory_space<vmem>>, vector<16xi32>,
        %add3A_501 = vector.broadcast %mul3A_1 : i32 to vector<16xi32>
        %add3A_502 = arith.addi %get3A_500, %add3A_501 : vector<16xi32>
        %swap3A = arith.constant 5 : i32
        %swap3A_503 = arith.index_cast %swap3A : i32 to index
        %swap3A_504 = arith.index_cast %add3A_497 : i32 to index
        %swap3A_505 = tpu.vector_load %arg6[%swap3A_503, %swap3A_504] {strides = array<i32>} : memref<8x128xi32, #tpu.memory_space<vmem>>, vector<16xi32>,
        tpu.vector_store %arg6[%swap3A_503, %swap3A_504], %add3A_502 {strides = array<i32>} : memref<8x128xi32, #tpu.memory_space<vmem>>, vector<16xi32>,
      }
      %scan3A_76 = arith.constant 8 : i32
      %scan3A_77 = arith.constant 0 : i32
      %scan3A_78 = arith.constant 8 : i32
      %scan3A_79 = arith.addi %scan3A_77, %scan3A_78 : i32
      %scan3A_80 = arith.constant 1 : i32
      scf.for %scan3A_493 = %scan3A_77 to %scan3A_79 step %scan3A_80  : i32 {
        %mul3A_494 = arith.constant 16 : i32
        %mul3A_495 = arith.muli %scan3A_493, %mul3A_494 : i32
        %add3A_496 = arith.constant 0 : i32
        %add3A_497 = arith.addi %add3A_496, %mul3A_495 : i32
        %get3A = arith.constant 6 : i32
        %get3A_498 = arith.index_cast %get3A : i32 to index
        %get3A_499 = arith.index_cast %add3A_497 : i32 to index
        %get3A_500 = tpu.vector_load %arg6[%get3A_498, %get3A_499] {strides = array<i32>} : memref<8x128xi32, #tpu.memory_space<vmem>>, vector<16xi32>,
        %add3A_501 = vector.broadcast %mul3A_1 : i32 to vector<16xi32>
        %add3A_502 = arith.addi %get3A_500, %add3A_501 : vector<16xi32>
        %swap3A = arith.constant 6 : i32
        %swap3A_503 = arith.index_cast %swap3A : i32 to index
        %swap3A_504 = arith.index_cast %add3A_497 : i32 to index
        %swap3A_505 = tpu.vector_load %arg6[%swap3A_503, %swap3A_504] {strides = array<i32>} : memref<8x128xi32, #tpu.memory_space<vmem>>, vector<16xi32>,
        tpu.vector_store %arg6[%swap3A_503, %swap3A_504], %add3A_502 {strides = array<i32>} : memref<8x128xi32, #tpu.memory_space<vmem>>, vector<16xi32>,
      }
      %scan3A_81 = arith.constant 8 : i32
      %scan3A_82 = arith.constant 0 : i32
      %scan3A_83 = arith.constant 8 : i32
      %scan3A_84 = arith.addi %scan3A_82, %scan3A_83 : i32
      %scan3A_85 = arith.constant 1 : i32
      scf.for %scan3A_493 = %scan3A_82 to %scan3A_84 step %scan3A_85  : i32 {
        %mul3A_494 = arith.constant 16 : i32
        %mul3A_495 = arith.muli %scan3A_493, %mul3A_494 : i32
        %add3A_496 = arith.constant 0 : i32
        %add3A_497 = arith.addi %add3A_496, %mul3A_495 : i32
        %get3A = arith.constant 7 : i32
        %get3A_498 = arith.index_cast %get3A : i32 to index
        %get3A_499 = arith.index_cast %add3A_497 : i32 to index
        %get3A_500 = tpu.vector_load %arg6[%get3A_498, %get3A_499] {strides = array<i32>} : memref<8x128xi32, #tpu.memory_space<vmem>>, vector<16xi32>,
        %add3A_501 = vector.broadcast %mul3A_1 : i32 to vector<16xi32>
        %add3A_502 = arith.addi %get3A_500, %add3A_501 : vector<16xi32>
        %swap3A = arith.constant 7 : i32
        %swap3A_503 = arith.index_cast %swap3A : i32 to index
        %swap3A_504 = arith.index_cast %add3A_497 : i32 to index
        %swap3A_505 = tpu.vector_load %arg6[%swap3A_503, %swap3A_504] {strides = array<i32>} : memref<8x128xi32, #tpu.memory_space<vmem>>, vector<16xi32>,
        tpu.vector_store %arg6[%swap3A_503, %swap3A_504], %add3A_502 {strides = array<i32>} : memref<8x128xi32, #tpu.memory_space<vmem>>, vector<16xi32>,
      }
      %scan3A_86 = arith.constant 8 : i32
      %dma_start3A = arith.constant 0 : i32
      %dma_start3A_87 = arith.constant 0 : i32
      %dma_start3A_88 = arith.constant 0 : i32
      %dma_start3A_89 = arith.constant 0 : i32
      %dma_start3A_90 = tpu.memref_slice %arg8[%dma_start3A_87, %dma_start3A_88, %dma_start3A_89] : memref<2x128x128xf32, #tpu.memory_space<vmem>> -> memref<1x128x128xf32, #tpu.memory_space<vmem>>
      %dma_start3A_91 = tpu.memref_squeeze %dma_start3A_90 : memref<1x128x128xf32, #tpu.memory_space<vmem>> -> memref<128x128xf32, #tpu.memory_space<vmem>>
      %dma_start3A_92 = arith.constant 0 : i32
      %dma_start3A_93 = tpu.memref_slice %arg6[%dma_start3A, %dma_start3A_92] : memref<8x128xi32, #tpu.memory_space<vmem>> -> memref<1x128xi32, #tpu.memory_space<vmem>>
      %dma_start3A_94 = tpu.memref_squeeze %dma_start3A_93 : memref<1x128xi32, #tpu.memory_space<vmem>> -> memref<128xi32, #tpu.memory_space<vmem>>
      %dma_start3A_95 = arith.constant 0 : i32
      %dma_start3A_96 = arith.constant 0 : i32
      %dma_start3A_97 = tpu.memref_slice %arg2[%dma_start3A_95, %dma_start3A_96] : memref<20480x128xf32, #tpu.memory_space<hbm>> -> memref<20480x128xf32, #tpu.memory_space<hbm>>
      tpu.enqueue_indirect_dma source(%dma_start3A_97 : memref<20480x128xf32, #tpu.memory_space<hbm>>) target(%dma_start3A_91 : memref<128x128xf32, #tpu.memory_space<vmem>>) offsets(%dma_start3A_94 : memref<128xi32, #tpu.memory_space<vmem>>) semaphore(%arg11 : memref<!tpu.dma_semaphore, #tpu.memory_space<semaphore_mem>>)
      %dma_start3A_98 = arith.constant 1 : i32
      %dma_start3A_99 = arith.constant 1 : i32
      %dma_start3A_100 = arith.constant 0 : i32
      %dma_start3A_101 = arith.constant 0 : i32
      %dma_start3A_102 = tpu.memref_slice %arg8[%dma_start3A_99, %dma_start3A_100, %dma_start3A_101] : memref<2x128x128xf32, #tpu.memory_space<vmem>> -> memref<1x128x128xf32, #tpu.memory_space<vmem>>
      %dma_start3A_103 = tpu.memref_squeeze %dma_start3A_102 : memref<1x128x128xf32, #tpu.memory_space<vmem>> -> memref<128x128xf32, #tpu.memory_space<vmem>>
      %dma_start3A_104 = arith.constant 0 : i32
      %dma_start3A_105 = tpu.memref_slice %arg6[%dma_start3A_98, %dma_start3A_104] : memref<8x128xi32, #tpu.memory_space<vmem>> -> memref<1x128xi32, #tpu.memory_space<vmem>>
      %dma_start3A_106 = tpu.memref_squeeze %dma_start3A_105 : memref<1x128xi32, #tpu.memory_space<vmem>> -> memref<128xi32, #tpu.memory_space<vmem>>
      %dma_start3A_107 = arith.constant 0 : i32
      %dma_start3A_108 = arith.constant 0 : i32
      %dma_start3A_109 = tpu.memref_slice %arg2[%dma_start3A_107, %dma_start3A_108] : memref<20480x128xf32, #tpu.memory_space<hbm>> -> memref<20480x128xf32, #tpu.memory_space<hbm>>
      tpu.enqueue_indirect_dma source(%dma_start3A_109 : memref<20480x128xf32, #tpu.memory_space<hbm>>) target(%dma_start3A_103 : memref<128x128xf32, #tpu.memory_space<vmem>>) offsets(%dma_start3A_106 : memref<128xi32, #tpu.memory_space<vmem>>) semaphore(%arg12 : memref<!tpu.dma_semaphore, #tpu.memory_space<semaphore_mem>>)
      %dma_wait3A = arith.constant 0 : i32
      %dma_wait3A_110 = arith.constant 0 : i32
      %dma_wait3A_111 = arith.constant 0 : i32
      %dma_wait3A_112 = arith.constant 0 : i32
      %dma_wait3A_113 = tpu.memref_slice %arg8[%dma_wait3A_110, %dma_wait3A_111, %dma_wait3A_112] : memref<2x128x128xf32, #tpu.memory_space<vmem>> -> memref<1x128x128xf32, #tpu.memory_space<vmem>>
      %dma_wait3A_114 = tpu.memref_squeeze %dma_wait3A_113 : memref<1x128x128xf32, #tpu.memory_space<vmem>> -> memref<128x128xf32, #tpu.memory_space<vmem>>
      %dma_wait3A_115 = arith.constant 0 : i32
      %dma_wait3A_116 = tpu.memref_slice %arg6[%dma_wait3A, %dma_wait3A_115] : memref<8x128xi32, #tpu.memory_space<vmem>> -> memref<1x128xi32, #tpu.memory_space<vmem>>
      %dma_wait3A_117 = tpu.memref_squeeze %dma_wait3A_116 : memref<1x128xi32, #tpu.memory_space<vmem>> -> memref<128xi32, #tpu.memory_space<vmem>>
      %dma_wait3A_118 = arith.constant 0 : i32
      %dma_wait3A_119 = arith.constant 0 : i32
      %dma_wait3A_120 = tpu.memref_slice %arg2[%dma_wait3A_118, %dma_wait3A_119] : memref<20480x128xf32, #tpu.memory_space<hbm>> -> memref<20480x128xf32, #tpu.memory_space<hbm>>
      tpu.wait_indirect_dma semaphore(%arg11 : memref<!tpu.dma_semaphore, #tpu.memory_space<semaphore_mem>>) src(%dma_wait3A_120 : memref<20480x128xf32, #tpu.memory_space<hbm>>) dst(%dma_wait3A_114 : memref<128x128xf32, #tpu.memory_space<vmem>>)
      %dma_start3A_121 = arith.constant 0 : i32
      %dma_start3A_122 = arith.constant 0 : i32
      %dma_start3A_123 = arith.constant 0 : i32
      %dma_start3A_124 = arith.constant 0 : i32
      %dma_start3A_125 = tpu.memref_slice %arg8[%dma_start3A_121, %dma_start3A_123, %dma_start3A_124] : memref<2x128x128xf32, #tpu.memory_space<vmem>> -> memref<1x128x128xf32, #tpu.memory_space<vmem>>
      %dma_start3A_126 = tpu.memref_squeeze %dma_start3A_125 : memref<1x128x128xf32, #tpu.memory_space<vmem>> -> memref<128x128xf32, #tpu.memory_space<vmem>>
      %dma_start3A_127 = arith.constant 0 : i32
      %dma_start3A_128 = tpu.memref_slice %arg7[%dma_start3A_122, %dma_start3A_127] : memref<8x128xi32, #tpu.memory_space<vmem>> -> memref<1x128xi32, #tpu.memory_space<vmem>>
      %dma_start3A_129 = tpu.memref_squeeze %dma_start3A_128 : memref<1x128xi32, #tpu.memory_space<vmem>> -> memref<128xi32, #tpu.memory_space<vmem>>
      %dma_start3A_130 = arith.constant 0 : i32
      %dma_start3A_131 = arith.constant 0 : i32
      %dma_start3A_132 = tpu.memref_slice %arg10[%dma_start3A_130, %dma_start3A_131] : memref<10240x128xf32, #tpu.memory_space<vmem_shared>> -> memref<10240x128xf32, #tpu.memory_space<vmem_shared>>
      tpu.enqueue_indirect_dma source(%dma_start3A_126 : memref<128x128xf32, #tpu.memory_space<vmem>>) target(%dma_start3A_132 : memref<10240x128xf32, #tpu.memory_space<vmem_shared>>) offsets(%dma_start3A_129 : memref<128xi32, #tpu.memory_space<vmem>>) semaphore(%arg13 : memref<!tpu.dma_semaphore, #tpu.memory_space<semaphore_mem>>) {add = true}
      %convert_element_type3A_133 = arith.extui %eq3A_0 : i1 to i32
      %cond3A_134 = arith.constant 0 : i32
      %cond3A_135 = arith.cmpi ne, %convert_element_type3A_133, %cond3A_134 : i32
      scf.if %cond3A_135 {
        %scan3A_493 = arith.constant 0 : i32
        %scan3A_494 = arith.constant 8 : i32
        %scan3A_495 = arith.addi %scan3A_493, %scan3A_494 : i32
        %scan3A_496 = arith.constant 1 : i32
        scf.for %scan3A_498 = %scan3A_493 to %scan3A_495 step %scan3A_496  : i32 {
          %mul3A_499 = arith.constant 16 : i32
          %mul3A_500 = arith.muli %scan3A_498, %mul3A_499 : i32
          %add3A_501 = arith.constant 0 : i32
          %add3A_502 = arith.addi %add3A_501, %mul3A_500 : i32
          %get3A = arith.constant 0 : i32
          %get3A_503 = arith.index_cast %get3A : i32 to index
          %get3A_504 = arith.index_cast %add3A_502 : i32 to index
          %get3A_505 = tpu.vector_load %arg7[%get3A_503, %get3A_504] {strides = array<i32>} : memref<8x128xi32, #tpu.memory_space<vmem>>, vector<16xi32>,
          tpu.vector_store_idx %arg9[%get3A_505], %broadcast_in_dim3A_4 {add = true} : memref<10240xf32, #tpu.memory_space<vmem>>[vector<16xi32>], vector<16xf32>,
        }
        %scan3A_497 = arith.constant 8 : i32
      } else {
      }
      %dma_wait3A_136 = arith.constant 1 : i32
      %dma_wait3A_137 = arith.constant 1 : i32
      %dma_wait3A_138 = arith.constant 0 : i32
      %dma_wait3A_139 = arith.constant 0 : i32
      %dma_wait3A_140 = tpu.memref_slice %arg8[%dma_wait3A_137, %dma_wait3A_138, %dma_wait3A_139] : memref<2x128x128xf32, #tpu.memory_space<vmem>> -> memref<1x128x128xf32, #tpu.memory_space<vmem>>
      %dma_wait3A_141 = tpu.memref_squeeze %dma_wait3A_140 : memref<1x128x128xf32, #tpu.memory_space<vmem>> -> memref<128x128xf32, #tpu.memory_space<vmem>>
      %dma_wait3A_142 = arith.constant 0 : i32
      %dma_wait3A_143 = tpu.memref_slice %arg6[%dma_wait3A_136, %dma_wait3A_142] : memref<8x128xi32, #tpu.memory_space<vmem>> -> memref<1x128xi32, #tpu.memory_space<vmem>>
      %dma_wait3A_144 = tpu.memref_squeeze %dma_wait3A_143 : memref<1x128xi32, #tpu.memory_space<vmem>> -> memref<128xi32, #tpu.memory_space<vmem>>
      %dma_wait3A_145 = arith.constant 0 : i32
      %dma_wait3A_146 = arith.constant 0 : i32
      %dma_wait3A_147 = tpu.memref_slice %arg2[%dma_wait3A_145, %dma_wait3A_146] : memref<20480x128xf32, #tpu.memory_space<hbm>> -> memref<20480x128xf32, #tpu.memory_space<hbm>>
      tpu.wait_indirect_dma semaphore(%arg12 : memref<!tpu.dma_semaphore, #tpu.memory_space<semaphore_mem>>) src(%dma_wait3A_147 : memref<20480x128xf32, #tpu.memory_space<hbm>>) dst(%dma_wait3A_141 : memref<128x128xf32, #tpu.memory_space<vmem>>)
      %dma_start3A_148 = arith.constant 1 : i32
      %dma_start3A_149 = arith.constant 1 : i32
      %dma_start3A_150 = arith.constant 0 : i32
      %dma_start3A_151 = arith.constant 0 : i32
      %dma_start3A_152 = tpu.memref_slice %arg8[%dma_start3A_148, %dma_start3A_150, %dma_start3A_151] : memref<2x128x128xf32, #tpu.memory_space<vmem>> -> memref<1x128x128xf32, #tpu.memory_space<vmem>>
      %dma_start3A_153 = tpu.memref_squeeze %dma_start3A_152 : memref<1x128x128xf32, #tpu.memory_space<vmem>> -> memref<128x128xf32, #tpu.memory_space<vmem>>
      %dma_start3A_154 = arith.constant 0 : i32
      %dma_start3A_155 = tpu.memref_slice %arg7[%dma_start3A_149, %dma_start3A_154] : memref<8x128xi32, #tpu.memory_space<vmem>> -> memref<1x128xi32, #tpu.memory_space<vmem>>
      %dma_start3A_156 = tpu.memref_squeeze %dma_start3A_155 : memref<1x128xi32, #tpu.memory_space<vmem>> -> memref<128xi32, #tpu.memory_space<vmem>>
      %dma_start3A_157 = arith.constant 0 : i32
      %dma_start3A_158 = arith.constant 0 : i32
      %dma_start3A_159 = tpu.memref_slice %arg10[%dma_start3A_157, %dma_start3A_158] : memref<10240x128xf32, #tpu.memory_space<vmem_shared>> -> memref<10240x128xf32, #tpu.memory_space<vmem_shared>>
      tpu.enqueue_indirect_dma source(%dma_start3A_153 : memref<128x128xf32, #tpu.memory_space<vmem>>) target(%dma_start3A_159 : memref<10240x128xf32, #tpu.memory_space<vmem_shared>>) offsets(%dma_start3A_156 : memref<128xi32, #tpu.memory_space<vmem>>) semaphore(%arg14 : memref<!tpu.dma_semaphore, #tpu.memory_space<semaphore_mem>>) {add = true}
      %convert_element_type3A_160 = arith.extui %eq3A_0 : i1 to i32
      %cond3A_161 = arith.constant 0 : i32
      %cond3A_162 = arith.cmpi ne, %convert_element_type3A_160, %cond3A_161 : i32
      scf.if %cond3A_162 {
        %scan3A_493 = arith.constant 0 : i32
        %scan3A_494 = arith.constant 8 : i32
        %scan3A_495 = arith.addi %scan3A_493, %scan3A_494 : i32
        %scan3A_496 = arith.constant 1 : i32
        scf.for %scan3A_498 = %scan3A_493 to %scan3A_495 step %scan3A_496  : i32 {
          %mul3A_499 = arith.constant 16 : i32
          %mul3A_500 = arith.muli %scan3A_498, %mul3A_499 : i32
          %add3A_501 = arith.constant 0 : i32
          %add3A_502 = arith.addi %add3A_501, %mul3A_500 : i32
          %get3A = arith.constant 1 : i32
          %get3A_503 = arith.index_cast %get3A : i32 to index
          %get3A_504 = arith.index_cast %add3A_502 : i32 to index
          %get3A_505 = tpu.vector_load %arg7[%get3A_503, %get3A_504] {strides = array<i32>} : memref<8x128xi32, #tpu.memory_space<vmem>>, vector<16xi32>,
          tpu.vector_store_idx %arg9[%get3A_505], %broadcast_in_dim3A_4 {add = true} : memref<10240xf32, #tpu.memory_space<vmem>>[vector<16xi32>], vector<16xf32>,
        }
        %scan3A_497 = arith.constant 8 : i32
      } else {
      }
      %dma_wait3A_163 = arith.constant 0 : i32
      %dma_wait3A_164 = arith.constant 0 : i32
      %dma_wait3A_165 = arith.constant 0 : i32
      %dma_wait3A_166 = arith.constant 0 : i32
      %dma_wait3A_167 = tpu.memref_slice %arg8[%dma_wait3A_163, %dma_wait3A_165, %dma_wait3A_166] : memref<2x128x128xf32, #tpu.memory_space<vmem>> -> memref<1x128x128xf32, #tpu.memory_space<vmem>>
      %dma_wait3A_168 = tpu.memref_squeeze %dma_wait3A_167 : memref<1x128x128xf32, #tpu.memory_space<vmem>> -> memref<128x128xf32, #tpu.memory_space<vmem>>
      %dma_wait3A_169 = arith.constant 0 : i32
      %dma_wait3A_170 = tpu.memref_slice %arg7[%dma_wait3A_164, %dma_wait3A_169] : memref<8x128xi32, #tpu.memory_space<vmem>> -> memref<1x128xi32, #tpu.memory_space<vmem>>
      %dma_wait3A_171 = tpu.memref_squeeze %dma_wait3A_170 : memref<1x128xi32, #tpu.memory_space<vmem>> -> memref<128xi32, #tpu.memory_space<vmem>>
      %dma_wait3A_172 = arith.constant 0 : i32
      %dma_wait3A_173 = arith.constant 0 : i32
      %dma_wait3A_174 = tpu.memref_slice %arg10[%dma_wait3A_172, %dma_wait3A_173] : memref<10240x128xf32, #tpu.memory_space<vmem_shared>> -> memref<10240x128xf32, #tpu.memory_space<vmem_shared>>
      tpu.wait_indirect_dma semaphore(%arg13 : memref<!tpu.dma_semaphore, #tpu.memory_space<semaphore_mem>>) src(%dma_wait3A_168 : memref<128x128xf32, #tpu.memory_space<vmem>>) dst(%dma_wait3A_174 : memref<10240x128xf32, #tpu.memory_space<vmem_shared>>)
      %dma_start3A_175 = arith.constant 2 : i32
      %dma_start3A_176 = arith.constant 0 : i32
      %dma_start3A_177 = arith.constant 0 : i32
      %dma_start3A_178 = arith.constant 0 : i32
      %dma_start3A_179 = tpu.memref_slice %arg8[%dma_start3A_176, %dma_start3A_177, %dma_start3A_178] : memref<2x128x128xf32, #tpu.memory_space<vmem>> -> memref<1x128x128xf32, #tpu.memory_space<vmem>>
      %dma_start3A_180 = tpu.memref_squeeze %dma_start3A_179 : memref<1x128x128xf32, #tpu.memory_space<vmem>> -> memref<128x128xf32, #tpu.memory_space<vmem>>
      %dma_start3A_181 = arith.constant 0 : i32
      %dma_start3A_182 = tpu.memref_slice %arg6[%dma_start3A_175, %dma_start3A_181] : memref<8x128xi32, #tpu.memory_space<vmem>> -> memref<1x128xi32, #tpu.memory_space<vmem>>
      %dma_start3A_183 = tpu.memref_squeeze %dma_start3A_182 : memref<1x128xi32, #tpu.memory_space<vmem>> -> memref<128xi32, #tpu.memory_space<vmem>>
      %dma_start3A_184 = arith.constant 0 : i32
      %dma_start3A_185 = arith.constant 0 : i32
      %dma_start3A_186 = tpu.memref_slice %arg2[%dma_start3A_184, %dma_start3A_185] : memref<20480x128xf32, #tpu.memory_space<hbm>> -> memref<20480x128xf32, #tpu.memory_space<hbm>>
      tpu.enqueue_indirect_dma source(%dma_start3A_186 : memref<20480x128xf32, #tpu.memory_space<hbm>>) target(%dma_start3A_180 : memref<128x128xf32, #tpu.memory_space<vmem>>) offsets(%dma_start3A_183 : memref<128xi32, #tpu.memory_space<vmem>>) semaphore(%arg11 : memref<!tpu.dma_semaphore, #tpu.memory_space<semaphore_mem>>)
      %dma_wait3A_187 = arith.constant 1 : i32
      %dma_wait3A_188 = arith.constant 1 : i32
      %dma_wait3A_189 = arith.constant 0 : i32
      %dma_wait3A_190 = arith.constant 0 : i32
      %dma_wait3A_191 = tpu.memref_slice %arg8[%dma_wait3A_187, %dma_wait3A_189, %dma_wait3A_190] : memref<2x128x128xf32, #tpu.memory_space<vmem>> -> memref<1x128x128xf32, #tpu.memory_space<vmem>>
      %dma_wait3A_192 = tpu.memref_squeeze %dma_wait3A_191 : memref<1x128x128xf32, #tpu.memory_space<vmem>> -> memref<128x128xf32, #tpu.memory_space<vmem>>
      %dma_wait3A_193 = arith.constant 0 : i32
      %dma_wait3A_194 = tpu.memref_slice %arg7[%dma_wait3A_188, %dma_wait3A_193] : memref<8x128xi32, #tpu.memory_space<vmem>> -> memref<1x128xi32, #tpu.memory_space<vmem>>
      %dma_wait3A_195 = tpu.memref_squeeze %dma_wait3A_194 : memref<1x128xi32, #tpu.memory_space<vmem>> -> memref<128xi32, #tpu.memory_space<vmem>>
      %dma_wait3A_196 = arith.constant 0 : i32
      %dma_wait3A_197 = arith.constant 0 : i32
      %dma_wait3A_198 = tpu.memref_slice %arg10[%dma_wait3A_196, %dma_wait3A_197] : memref<10240x128xf32, #tpu.memory_space<vmem_shared>> -> memref<10240x128xf32, #tpu.memory_space<vmem_shared>>
      tpu.wait_indirect_dma semaphore(%arg14 : memref<!tpu.dma_semaphore, #tpu.memory_space<semaphore_mem>>) src(%dma_wait3A_192 : memref<128x128xf32, #tpu.memory_space<vmem>>) dst(%dma_wait3A_198 : memref<10240x128xf32, #tpu.memory_space<vmem_shared>>)
      %dma_start3A_199 = arith.constant 3 : i32
      %dma_start3A_200 = arith.constant 1 : i32
      %dma_start3A_201 = arith.constant 0 : i32
      %dma_start3A_202 = arith.constant 0 : i32
      %dma_start3A_203 = tpu.memref_slice %arg8[%dma_start3A_200, %dma_start3A_201, %dma_start3A_202] : memref<2x128x128xf32, #tpu.memory_space<vmem>> -> memref<1x128x128xf32, #tpu.memory_space<vmem>>
      %dma_start3A_204 = tpu.memref_squeeze %dma_start3A_203 : memref<1x128x128xf32, #tpu.memory_space<vmem>> -> memref<128x128xf32, #tpu.memory_space<vmem>>
      %dma_start3A_205 = arith.constant 0 : i32
      %dma_start3A_206 = tpu.memref_slice %arg6[%dma_start3A_199, %dma_start3A_205] : memref<8x128xi32, #tpu.memory_space<vmem>> -> memref<1x128xi32, #tpu.memory_space<vmem>>
      %dma_start3A_207 = tpu.memref_squeeze %dma_start3A_206 : memref<1x128xi32, #tpu.memory_space<vmem>> -> memref<128xi32, #tpu.memory_space<vmem>>
      %dma_start3A_208 = arith.constant 0 : i32
      %dma_start3A_209 = arith.constant 0 : i32
      %dma_start3A_210 = tpu.memref_slice %arg2[%dma_start3A_208, %dma_start3A_209] : memref<20480x128xf32, #tpu.memory_space<hbm>> -> memref<20480x128xf32, #tpu.memory_space<hbm>>
      tpu.enqueue_indirect_dma source(%dma_start3A_210 : memref<20480x128xf32, #tpu.memory_space<hbm>>) target(%dma_start3A_204 : memref<128x128xf32, #tpu.memory_space<vmem>>) offsets(%dma_start3A_207 : memref<128xi32, #tpu.memory_space<vmem>>) semaphore(%arg12 : memref<!tpu.dma_semaphore, #tpu.memory_space<semaphore_mem>>)
      %dma_wait3A_211 = arith.constant 2 : i32
      %dma_wait3A_212 = arith.constant 0 : i32
      %dma_wait3A_213 = arith.constant 0 : i32
      %dma_wait3A_214 = arith.constant 0 : i32
      %dma_wait3A_215 = tpu.memref_slice %arg8[%dma_wait3A_212, %dma_wait3A_213, %dma_wait3A_214] : memref<2x128x128xf32, #tpu.memory_space<vmem>> -> memref<1x128x128xf32, #tpu.memory_space<vmem>>
      %dma_wait3A_216 = tpu.memref_squeeze %dma_wait3A_215 : memref<1x128x128xf32, #tpu.memory_space<vmem>> -> memref<128x128xf32, #tpu.memory_space<vmem>>
      %dma_wait3A_217 = arith.constant 0 : i32
      %dma_wait3A_218 = tpu.memref_slice %arg6[%dma_wait3A_211, %dma_wait3A_217] : memref<8x128xi32, #tpu.memory_space<vmem>> -> memref<1x128xi32, #tpu.memory_space<vmem>>
      %dma_wait3A_219 = tpu.memref_squeeze %dma_wait3A_218 : memref<1x128xi32, #tpu.memory_space<vmem>> -> memref<128xi32, #tpu.memory_space<vmem>>
      %dma_wait3A_220 = arith.constant 0 : i32
      %dma_wait3A_221 = arith.constant 0 : i32
      %dma_wait3A_222 = tpu.memref_slice %arg2[%dma_wait3A_220, %dma_wait3A_221] : memref<20480x128xf32, #tpu.memory_space<hbm>> -> memref<20480x128xf32, #tpu.memory_space<hbm>>
      tpu.wait_indirect_dma semaphore(%arg11 : memref<!tpu.dma_semaphore, #tpu.memory_space<semaphore_mem>>) src(%dma_wait3A_222 : memref<20480x128xf32, #tpu.memory_space<hbm>>) dst(%dma_wait3A_216 : memref<128x128xf32, #tpu.memory_space<vmem>>)
      %dma_start3A_223 = arith.constant 0 : i32
      %dma_start3A_224 = arith.constant 2 : i32
      %dma_start3A_225 = arith.constant 0 : i32
      %dma_start3A_226 = arith.constant 0 : i32
      %dma_start3A_227 = tpu.memref_slice %arg8[%dma_start3A_223, %dma_start3A_225, %dma_start3A_226] : memref<2x128x128xf32, #tpu.memory_space<vmem>> -> memref<1x128x128xf32, #tpu.memory_space<vmem>>
      %dma_start3A_228 = tpu.memref_squeeze %dma_start3A_227 : memref<1x128x128xf32, #tpu.memory_space<vmem>> -> memref<128x128xf32, #tpu.memory_space<vmem>>
      %dma_start3A_229 = arith.constant 0 : i32
      %dma_start3A_230 = tpu.memref_slice %arg7[%dma_start3A_224, %dma_start3A_229] : memref<8x128xi32, #tpu.memory_space<vmem>> -> memref<1x128xi32, #tpu.memory_space<vmem>>
      %dma_start3A_231 = tpu.memref_squeeze %dma_start3A_230 : memref<1x128xi32, #tpu.memory_space<vmem>> -> memref<128xi32, #tpu.memory_space<vmem>>
      %dma_start3A_232 = arith.constant 0 : i32
      %dma_start3A_233 = arith.constant 0 : i32
      %dma_start3A_234 = tpu.memref_slice %arg10[%dma_start3A_232, %dma_start3A_233] : memref<10240x128xf32, #tpu.memory_space<vmem_shared>> -> memref<10240x128xf32, #tpu.memory_space<vmem_shared>>
      tpu.enqueue_indirect_dma source(%dma_start3A_228 : memref<128x128xf32, #tpu.memory_space<vmem>>) target(%dma_start3A_234 : memref<10240x128xf32, #tpu.memory_space<vmem_shared>>) offsets(%dma_start3A_231 : memref<128xi32, #tpu.memory_space<vmem>>) semaphore(%arg13 : memref<!tpu.dma_semaphore, #tpu.memory_space<semaphore_mem>>) {add = true}
      %convert_element_type3A_235 = arith.extui %eq3A_0 : i1 to i32
      %cond3A_236 = arith.constant 0 : i32
      %cond3A_237 = arith.cmpi ne, %convert_element_type3A_235, %cond3A_236 : i32
      scf.if %cond3A_237 {
        %scan3A_493 = arith.constant 0 : i32
        %scan3A_494 = arith.constant 8 : i32
        %scan3A_495 = arith.addi %scan3A_493, %scan3A_494 : i32
        %scan3A_496 = arith.constant 1 : i32
        scf.for %scan3A_498 = %scan3A_493 to %scan3A_495 step %scan3A_496  : i32 {
          %mul3A_499 = arith.constant 16 : i32
          %mul3A_500 = arith.muli %scan3A_498, %mul3A_499 : i32
          %add3A_501 = arith.constant 0 : i32
          %add3A_502 = arith.addi %add3A_501, %mul3A_500 : i32
          %get3A = arith.constant 2 : i32
          %get3A_503 = arith.index_cast %get3A : i32 to index
          %get3A_504 = arith.index_cast %add3A_502 : i32 to index
          %get3A_505 = tpu.vector_load %arg7[%get3A_503, %get3A_504] {strides = array<i32>} : memref<8x128xi32, #tpu.memory_space<vmem>>, vector<16xi32>,
          tpu.vector_store_idx %arg9[%get3A_505], %broadcast_in_dim3A_4 {add = true} : memref<10240xf32, #tpu.memory_space<vmem>>[vector<16xi32>], vector<16xf32>,
        }
        %scan3A_497 = arith.constant 8 : i32
      } else {
      }
      %dma_wait3A_238 = arith.constant 3 : i32
      %dma_wait3A_239 = arith.constant 1 : i32
      %dma_wait3A_240 = arith.constant 0 : i32
      %dma_wait3A_241 = arith.constant 0 : i32
      %dma_wait3A_242 = tpu.memref_slice %arg8[%dma_wait3A_239, %dma_wait3A_240, %dma_wait3A_241] : memref<2x128x128xf32, #tpu.memory_space<vmem>> -> memref<1x128x128xf32, #tpu.memory_space<vmem>>
      %dma_wait3A_243 = tpu.memref_squeeze %dma_wait3A_242 : memref<1x128x128xf32, #tpu.memory_space<vmem>> -> memref<128x128xf32, #tpu.memory_space<vmem>>
      %dma_wait3A_244 = arith.constant 0 : i32
      %dma_wait3A_245 = tpu.memref_slice %arg6[%dma_wait3A_238, %dma_wait3A_244] : memref<8x128xi32, #tpu.memory_space<vmem>> -> memref<1x128xi32, #tpu.memory_space<vmem>>
      %dma_wait3A_246 = tpu.memref_squeeze %dma_wait3A_245 : memref<1x128xi32, #tpu.memory_space<vmem>> -> memref<128xi32, #tpu.memory_space<vmem>>
      %dma_wait3A_247 = arith.constant 0 : i32
      %dma_wait3A_248 = arith.constant 0 : i32
      %dma_wait3A_249 = tpu.memref_slice %arg2[%dma_wait3A_247, %dma_wait3A_248] : memref<20480x128xf32, #tpu.memory_space<hbm>> -> memref<20480x128xf32, #tpu.memory_space<hbm>>
      tpu.wait_indirect_dma semaphore(%arg12 : memref<!tpu.dma_semaphore, #tpu.memory_space<semaphore_mem>>) src(%dma_wait3A_249 : memref<20480x128xf32, #tpu.memory_space<hbm>>) dst(%dma_wait3A_243 : memref<128x128xf32, #tpu.memory_space<vmem>>)
      %dma_start3A_250 = arith.constant 1 : i32
      %dma_start3A_251 = arith.constant 3 : i32
      %dma_start3A_252 = arith.constant 0 : i32
      %dma_start3A_253 = arith.constant 0 : i32
      %dma_start3A_254 = tpu.memref_slice %arg8[%dma_start3A_250, %dma_start3A_252, %dma_start3A_253] : memref<2x128x128xf32, #tpu.memory_space<vmem>> -> memref<1x128x128xf32, #tpu.memory_space<vmem>>
      %dma_start3A_255 = tpu.memref_squeeze %dma_start3A_254 : memref<1x128x128xf32, #tpu.memory_space<vmem>> -> memref<128x128xf32, #tpu.memory_space<vmem>>
      %dma_start3A_256 = arith.constant 0 : i32
      %dma_start3A_257 = tpu.memref_slice %arg7[%dma_start3A_251, %dma_start3A_256] : memref<8x128xi32, #tpu.memory_space<vmem>> -> memref<1x128xi32, #tpu.memory_space<vmem>>
      %dma_start3A_258 = tpu.memref_squeeze %dma_start3A_257 : memref<1x128xi32, #tpu.memory_space<vmem>> -> memref<128xi32, #tpu.memory_space<vmem>>
      %dma_start3A_259 = arith.constant 0 : i32
      %dma_start3A_260 = arith.constant 0 : i32
      %dma_start3A_261 = tpu.memref_slice %arg10[%dma_start3A_259, %dma_start3A_260] : memref<10240x128xf32, #tpu.memory_space<vmem_shared>> -> memref<10240x128xf32, #tpu.memory_space<vmem_shared>>
      tpu.enqueue_indirect_dma source(%dma_start3A_255 : memref<128x128xf32, #tpu.memory_space<vmem>>) target(%dma_start3A_261 : memref<10240x128xf32, #tpu.memory_space<vmem_shared>>) offsets(%dma_start3A_258 : memref<128xi32, #tpu.memory_space<vmem>>) semaphore(%arg14 : memref<!tpu.dma_semaphore, #tpu.memory_space<semaphore_mem>>) {add = true}
      %convert_element_type3A_262 = arith.extui %eq3A_0 : i1 to i32
      %cond3A_263 = arith.constant 0 : i32
      %cond3A_264 = arith.cmpi ne, %convert_element_type3A_262, %cond3A_263 : i32
      scf.if %cond3A_264 {
        %scan3A_493 = arith.constant 0 : i32
        %scan3A_494 = arith.constant 8 : i32
        %scan3A_495 = arith.addi %scan3A_493, %scan3A_494 : i32
        %scan3A_496 = arith.constant 1 : i32
        scf.for %scan3A_498 = %scan3A_493 to %scan3A_495 step %scan3A_496  : i32 {
          %mul3A_499 = arith.constant 16 : i32
          %mul3A_500 = arith.muli %scan3A_498, %mul3A_499 : i32
          %add3A_501 = arith.constant 0 : i32
          %add3A_502 = arith.addi %add3A_501, %mul3A_500 : i32
          %get3A = arith.constant 3 : i32
          %get3A_503 = arith.index_cast %get3A : i32 to index
          %get3A_504 = arith.index_cast %add3A_502 : i32 to index
          %get3A_505 = tpu.vector_load %arg7[%get3A_503, %get3A_504] {strides = array<i32>} : memref<8x128xi32, #tpu.memory_space<vmem>>, vector<16xi32>,
          tpu.vector_store_idx %arg9[%get3A_505], %broadcast_in_dim3A_4 {add = true} : memref<10240xf32, #tpu.memory_space<vmem>>[vector<16xi32>], vector<16xf32>,
        }
        %scan3A_497 = arith.constant 8 : i32
      } else {
      }
      %dma_wait3A_265 = arith.constant 0 : i32
      %dma_wait3A_266 = arith.constant 2 : i32
      %dma_wait3A_267 = arith.constant 0 : i32
      %dma_wait3A_268 = arith.constant 0 : i32
      %dma_wait3A_269 = tpu.memref_slice %arg8[%dma_wait3A_265, %dma_wait3A_267, %dma_wait3A_268] : memref<2x128x128xf32, #tpu.memory_space<vmem>> -> memref<1x128x128xf32, #tpu.memory_space<vmem>>
      %dma_wait3A_270 = tpu.memref_squeeze %dma_wait3A_269 : memref<1x128x128xf32, #tpu.memory_space<vmem>> -> memref<128x128xf32, #tpu.memory_space<vmem>>
      %dma_wait3A_271 = arith.constant 0 : i32
      %dma_wait3A_272 = tpu.memref_slice %arg7[%dma_wait3A_266, %dma_wait3A_271] : memref<8x128xi32, #tpu.memory_space<vmem>> -> memref<1x128xi32, #tpu.memory_space<vmem>>
      %dma_wait3A_273 = tpu.memref_squeeze %dma_wait3A_272 : memref<1x128xi32, #tpu.memory_space<vmem>> -> memref<128xi32, #tpu.memory_space<vmem>>
      %dma_wait3A_274 = arith.constant 0 : i32
      %dma_wait3A_275 = arith.constant 0 : i32
      %dma_wait3A_276 = tpu.memref_slice %arg10[%dma_wait3A_274, %dma_wait3A_275] : memref<10240x128xf32, #tpu.memory_space<vmem_shared>> -> memref<10240x128xf32, #tpu.memory_space<vmem_shared>>
      tpu.wait_indirect_dma semaphore(%arg13 : memref<!tpu.dma_semaphore, #tpu.memory_space<semaphore_mem>>) src(%dma_wait3A_270 : memref<128x128xf32, #tpu.memory_space<vmem>>) dst(%dma_wait3A_276 : memref<10240x128xf32, #tpu.memory_space<vmem_shared>>)
      %dma_wait3A_277 = arith.constant 1 : i32
      %dma_wait3A_278 = arith.constant 3 : i32
      %dma_wait3A_279 = arith.constant 0 : i32
      %dma_wait3A_280 = arith.constant 0 : i32
      %dma_wait3A_281 = tpu.memref_slice %arg8[%dma_wait3A_277, %dma_wait3A_279, %dma_wait3A_280] : memref<2x128x128xf32, #tpu.memory_space<vmem>> -> memref<1x128x128xf32, #tpu.memory_space<vmem>>
      %dma_wait3A_282 = tpu.memref_squeeze %dma_wait3A_281 : memref<1x128x128xf32, #tpu.memory_space<vmem>> -> memref<128x128xf32, #tpu.memory_space<vmem>>
      %dma_wait3A_283 = arith.constant 0 : i32
      %dma_wait3A_284 = tpu.memref_slice %arg7[%dma_wait3A_278, %dma_wait3A_283] : memref<8x128xi32, #tpu.memory_space<vmem>> -> memref<1x128xi32, #tpu.memory_space<vmem>>
      %dma_wait3A_285 = tpu.memref_squeeze %dma_wait3A_284 : memref<1x128xi32, #tpu.memory_space<vmem>> -> memref<128xi32, #tpu.memory_space<vmem>>
      %dma_wait3A_286 = arith.constant 0 : i32
      %dma_wait3A_287 = arith.constant 0 : i32
      %dma_wait3A_288 = tpu.memref_slice %arg10[%dma_wait3A_286, %dma_wait3A_287] : memref<10240x128xf32, #tpu.memory_space<vmem_shared>> -> memref<10240x128xf32, #tpu.memory_space<vmem_shared>>
      tpu.wait_indirect_dma semaphore(%arg14 : memref<!tpu.dma_semaphore, #tpu.memory_space<semaphore_mem>>) src(%dma_wait3A_282 : memref<128x128xf32, #tpu.memory_space<vmem>>) dst(%dma_wait3A_288 : memref<10240x128xf32, #tpu.memory_space<vmem_shared>>)
      %dma_start3A_289 = arith.constant 4 : i32
      %dma_start3A_290 = arith.constant 0 : i32
      %dma_start3A_291 = arith.constant 0 : i32
      %dma_start3A_292 = arith.constant 0 : i32
      %dma_start3A_293 = tpu.memref_slice %arg8[%dma_start3A_290, %dma_start3A_291, %dma_start3A_292] : memref<2x128x128xf32, #tpu.memory_space<vmem>> -> memref<1x128x128xf32, #tpu.memory_space<vmem>>
      %dma_start3A_294 = tpu.memref_squeeze %dma_start3A_293 : memref<1x128x128xf32, #tpu.memory_space<vmem>> -> memref<128x128xf32, #tpu.memory_space<vmem>>
      %dma_start3A_295 = arith.constant 0 : i32
      %dma_start3A_296 = tpu.memref_slice %arg6[%dma_start3A_289, %dma_start3A_295] : memref<8x128xi32, #tpu.memory_space<vmem>> -> memref<1x128xi32, #tpu.memory_space<vmem>>
      %dma_start3A_297 = tpu.memref_squeeze %dma_start3A_296 : memref<1x128xi32, #tpu.memory_space<vmem>> -> memref<128xi32, #tpu.memory_space<vmem>>
      %dma_start3A_298 = arith.constant 0 : i32
      %dma_start3A_299 = arith.constant 0 : i32
      %dma_start3A_300 = tpu.memref_slice %arg2[%dma_start3A_298, %dma_start3A_299] : memref<20480x128xf32, #tpu.memory_space<hbm>> -> memref<20480x128xf32, #tpu.memory_space<hbm>>
      tpu.enqueue_indirect_dma source(%dma_start3A_300 : memref<20480x128xf32, #tpu.memory_space<hbm>>) target(%dma_start3A_294 : memref<128x128xf32, #tpu.memory_space<vmem>>) offsets(%dma_start3A_297 : memref<128xi32, #tpu.memory_space<vmem>>) semaphore(%arg11 : memref<!tpu.dma_semaphore, #tpu.memory_space<semaphore_mem>>)
      %dma_start3A_301 = arith.constant 5 : i32
      %dma_start3A_302 = arith.constant 1 : i32
      %dma_start3A_303 = arith.constant 0 : i32
      %dma_start3A_304 = arith.constant 0 : i32
      %dma_start3A_305 = tpu.memref_slice %arg8[%dma_start3A_302, %dma_start3A_303, %dma_start3A_304] : memref<2x128x128xf32, #tpu.memory_space<vmem>> -> memref<1x128x128xf32, #tpu.memory_space<vmem>>
      %dma_start3A_306 = tpu.memref_squeeze %dma_start3A_305 : memref<1x128x128xf32, #tpu.memory_space<vmem>> -> memref<128x128xf32, #tpu.memory_space<vmem>>
      %dma_start3A_307 = arith.constant 0 : i32
      %dma_start3A_308 = tpu.memref_slice %arg6[%dma_start3A_301, %dma_start3A_307] : memref<8x128xi32, #tpu.memory_space<vmem>> -> memref<1x128xi32, #tpu.memory_space<vmem>>
      %dma_start3A_309 = tpu.memref_squeeze %dma_start3A_308 : memref<1x128xi32, #tpu.memory_space<vmem>> -> memref<128xi32, #tpu.memory_space<vmem>>
      %dma_start3A_310 = arith.constant 0 : i32
      %dma_start3A_311 = arith.constant 0 : i32
      %dma_start3A_312 = tpu.memref_slice %arg2[%dma_start3A_310, %dma_start3A_311] : memref<20480x128xf32, #tpu.memory_space<hbm>> -> memref<20480x128xf32, #tpu.memory_space<hbm>>
      tpu.enqueue_indirect_dma source(%dma_start3A_312 : memref<20480x128xf32, #tpu.memory_space<hbm>>) target(%dma_start3A_306 : memref<128x128xf32, #tpu.memory_space<vmem>>) offsets(%dma_start3A_309 : memref<128xi32, #tpu.memory_space<vmem>>) semaphore(%arg12 : memref<!tpu.dma_semaphore, #tpu.memory_space<semaphore_mem>>)
      %dma_wait3A_313 = arith.constant 4 : i32
      %dma_wait3A_314 = arith.constant 0 : i32
      %dma_wait3A_315 = arith.constant 0 : i32
      %dma_wait3A_316 = arith.constant 0 : i32
      %dma_wait3A_317 = tpu.memref_slice %arg8[%dma_wait3A_314, %dma_wait3A_315, %dma_wait3A_316] : memref<2x128x128xf32, #tpu.memory_space<vmem>> -> memref<1x128x128xf32, #tpu.memory_space<vmem>>
      %dma_wait3A_318 = tpu.memref_squeeze %dma_wait3A_317 : memref<1x128x128xf32, #tpu.memory_space<vmem>> -> memref<128x128xf32, #tpu.memory_space<vmem>>
      %dma_wait3A_319 = arith.constant 0 : i32
      %dma_wait3A_320 = tpu.memref_slice %arg6[%dma_wait3A_313, %dma_wait3A_319] : memref<8x128xi32, #tpu.memory_space<vmem>> -> memref<1x128xi32, #tpu.memory_space<vmem>>
      %dma_wait3A_321 = tpu.memref_squeeze %dma_wait3A_320 : memref<1x128xi32, #tpu.memory_space<vmem>> -> memref<128xi32, #tpu.memory_space<vmem>>
      %dma_wait3A_322 = arith.constant 0 : i32
      %dma_wait3A_323 = arith.constant 0 : i32
      %dma_wait3A_324 = tpu.memref_slice %arg2[%dma_wait3A_322, %dma_wait3A_323] : memref<20480x128xf32, #tpu.memory_space<hbm>> -> memref<20480x128xf32, #tpu.memory_space<hbm>>
      tpu.wait_indirect_dma semaphore(%arg11 : memref<!tpu.dma_semaphore, #tpu.memory_space<semaphore_mem>>) src(%dma_wait3A_324 : memref<20480x128xf32, #tpu.memory_space<hbm>>) dst(%dma_wait3A_318 : memref<128x128xf32, #tpu.memory_space<vmem>>)
      %dma_start3A_325 = arith.constant 0 : i32
      %dma_start3A_326 = arith.constant 4 : i32
      %dma_start3A_327 = arith.constant 0 : i32
      %dma_start3A_328 = arith.constant 0 : i32
      %dma_start3A_329 = tpu.memref_slice %arg8[%dma_start3A_325, %dma_start3A_327, %dma_start3A_328] : memref<2x128x128xf32, #tpu.memory_space<vmem>> -> memref<1x128x128xf32, #tpu.memory_space<vmem>>
      %dma_start3A_330 = tpu.memref_squeeze %dma_start3A_329 : memref<1x128x128xf32, #tpu.memory_space<vmem>> -> memref<128x128xf32, #tpu.memory_space<vmem>>
      %dma_start3A_331 = arith.constant 0 : i32
      %dma_start3A_332 = tpu.memref_slice %arg7[%dma_start3A_326, %dma_start3A_331] : memref<8x128xi32, #tpu.memory_space<vmem>> -> memref<1x128xi32, #tpu.memory_space<vmem>>
      %dma_start3A_333 = tpu.memref_squeeze %dma_start3A_332 : memref<1x128xi32, #tpu.memory_space<vmem>> -> memref<128xi32, #tpu.memory_space<vmem>>
      %dma_start3A_334 = arith.constant 0 : i32
      %dma_start3A_335 = arith.constant 0 : i32
      %dma_start3A_336 = tpu.memref_slice %arg10[%dma_start3A_334, %dma_start3A_335] : memref<10240x128xf32, #tpu.memory_space<vmem_shared>> -> memref<10240x128xf32, #tpu.memory_space<vmem_shared>>
      tpu.enqueue_indirect_dma source(%dma_start3A_330 : memref<128x128xf32, #tpu.memory_space<vmem>>) target(%dma_start3A_336 : memref<10240x128xf32, #tpu.memory_space<vmem_shared>>) offsets(%dma_start3A_333 : memref<128xi32, #tpu.memory_space<vmem>>) semaphore(%arg13 : memref<!tpu.dma_semaphore, #tpu.memory_space<semaphore_mem>>) {add = true}
      %convert_element_type3A_337 = arith.extui %eq3A_0 : i1 to i32
      %cond3A_338 = arith.constant 0 : i32
      %cond3A_339 = arith.cmpi ne, %convert_element_type3A_337, %cond3A_338 : i32
      scf.if %cond3A_339 {
        %scan3A_493 = arith.constant 0 : i32
        %scan3A_494 = arith.constant 8 : i32
        %scan3A_495 = arith.addi %scan3A_493, %scan3A_494 : i32
        %scan3A_496 = arith.constant 1 : i32
        scf.for %scan3A_498 = %scan3A_493 to %scan3A_495 step %scan3A_496  : i32 {
          %mul3A_499 = arith.constant 16 : i32
          %mul3A_500 = arith.muli %scan3A_498, %mul3A_499 : i32
          %add3A_501 = arith.constant 0 : i32
          %add3A_502 = arith.addi %add3A_501, %mul3A_500 : i32
          %get3A = arith.constant 4 : i32
          %get3A_503 = arith.index_cast %get3A : i32 to index
          %get3A_504 = arith.index_cast %add3A_502 : i32 to index
          %get3A_505 = tpu.vector_load %arg7[%get3A_503, %get3A_504] {strides = array<i32>} : memref<8x128xi32, #tpu.memory_space<vmem>>, vector<16xi32>,
          tpu.vector_store_idx %arg9[%get3A_505], %broadcast_in_dim3A_4 {add = true} : memref<10240xf32, #tpu.memory_space<vmem>>[vector<16xi32>], vector<16xf32>,
        }
        %scan3A_497 = arith.constant 8 : i32
      } else {
      }
      %dma_wait3A_340 = arith.constant 5 : i32
      %dma_wait3A_341 = arith.constant 1 : i32
      %dma_wait3A_342 = arith.constant 0 : i32
      %dma_wait3A_343 = arith.constant 0 : i32
      %dma_wait3A_344 = tpu.memref_slice %arg8[%dma_wait3A_341, %dma_wait3A_342, %dma_wait3A_343] : memref<2x128x128xf32, #tpu.memory_space<vmem>> -> memref<1x128x128xf32, #tpu.memory_space<vmem>>
      %dma_wait3A_345 = tpu.memref_squeeze %dma_wait3A_344 : memref<1x128x128xf32, #tpu.memory_space<vmem>> -> memref<128x128xf32, #tpu.memory_space<vmem>>
      %dma_wait3A_346 = arith.constant 0 : i32
      %dma_wait3A_347 = tpu.memref_slice %arg6[%dma_wait3A_340, %dma_wait3A_346] : memref<8x128xi32, #tpu.memory_space<vmem>> -> memref<1x128xi32, #tpu.memory_space<vmem>>
      %dma_wait3A_348 = tpu.memref_squeeze %dma_wait3A_347 : memref<1x128xi32, #tpu.memory_space<vmem>> -> memref<128xi32, #tpu.memory_space<vmem>>
      %dma_wait3A_349 = arith.constant 0 : i32
      %dma_wait3A_350 = arith.constant 0 : i32
      %dma_wait3A_351 = tpu.memref_slice %arg2[%dma_wait3A_349, %dma_wait3A_350] : memref<20480x128xf32, #tpu.memory_space<hbm>> -> memref<20480x128xf32, #tpu.memory_space<hbm>>
      tpu.wait_indirect_dma semaphore(%arg12 : memref<!tpu.dma_semaphore, #tpu.memory_space<semaphore_mem>>) src(%dma_wait3A_351 : memref<20480x128xf32, #tpu.memory_space<hbm>>) dst(%dma_wait3A_345 : memref<128x128xf32, #tpu.memory_space<vmem>>)
      %dma_start3A_352 = arith.constant 1 : i32
      %dma_start3A_353 = arith.constant 5 : i32
      %dma_start3A_354 = arith.constant 0 : i32
      %dma_start3A_355 = arith.constant 0 : i32
      %dma_start3A_356 = tpu.memref_slice %arg8[%dma_start3A_352, %dma_start3A_354, %dma_start3A_355] : memref<2x128x128xf32, #tpu.memory_space<vmem>> -> memref<1x128x128xf32, #tpu.memory_space<vmem>>
      %dma_start3A_357 = tpu.memref_squeeze %dma_start3A_356 : memref<1x128x128xf32, #tpu.memory_space<vmem>> -> memref<128x128xf32, #tpu.memory_space<vmem>>
      %dma_start3A_358 = arith.constant 0 : i32
      %dma_start3A_359 = tpu.memref_slice %arg7[%dma_start3A_353, %dma_start3A_358] : memref<8x128xi32, #tpu.memory_space<vmem>> -> memref<1x128xi32, #tpu.memory_space<vmem>>
      %dma_start3A_360 = tpu.memref_squeeze %dma_start3A_359 : memref<1x128xi32, #tpu.memory_space<vmem>> -> memref<128xi32, #tpu.memory_space<vmem>>
      %dma_start3A_361 = arith.constant 0 : i32
      %dma_start3A_362 = arith.constant 0 : i32
      %dma_start3A_363 = tpu.memref_slice %arg10[%dma_start3A_361, %dma_start3A_362] : memref<10240x128xf32, #tpu.memory_space<vmem_shared>> -> memref<10240x128xf32, #tpu.memory_space<vmem_shared>>
      tpu.enqueue_indirect_dma source(%dma_start3A_357 : memref<128x128xf32, #tpu.memory_space<vmem>>) target(%dma_start3A_363 : memref<10240x128xf32, #tpu.memory_space<vmem_shared>>) offsets(%dma_start3A_360 : memref<128xi32, #tpu.memory_space<vmem>>) semaphore(%arg14 : memref<!tpu.dma_semaphore, #tpu.memory_space<semaphore_mem>>) {add = true}
      %convert_element_type3A_364 = arith.extui %eq3A_0 : i1 to i32
      %cond3A_365 = arith.constant 0 : i32
      %cond3A_366 = arith.cmpi ne, %convert_element_type3A_364, %cond3A_365 : i32
      scf.if %cond3A_366 {
        %scan3A_493 = arith.constant 0 : i32
        %scan3A_494 = arith.constant 8 : i32
        %scan3A_495 = arith.addi %scan3A_493, %scan3A_494 : i32
        %scan3A_496 = arith.constant 1 : i32
        scf.for %scan3A_498 = %scan3A_493 to %scan3A_495 step %scan3A_496  : i32 {
          %mul3A_499 = arith.constant 16 : i32
          %mul3A_500 = arith.muli %scan3A_498, %mul3A_499 : i32
          %add3A_501 = arith.constant 0 : i32
          %add3A_502 = arith.addi %add3A_501, %mul3A_500 : i32
          %get3A = arith.constant 5 : i32
          %get3A_503 = arith.index_cast %get3A : i32 to index
          %get3A_504 = arith.index_cast %add3A_502 : i32 to index
          %get3A_505 = tpu.vector_load %arg7[%get3A_503, %get3A_504] {strides = array<i32>} : memref<8x128xi32, #tpu.memory_space<vmem>>, vector<16xi32>,
          tpu.vector_store_idx %arg9[%get3A_505], %broadcast_in_dim3A_4 {add = true} : memref<10240xf32, #tpu.memory_space<vmem>>[vector<16xi32>], vector<16xf32>,
        }
        %scan3A_497 = arith.constant 8 : i32
      } else {
      }
      %dma_wait3A_367 = arith.constant 0 : i32
      %dma_wait3A_368 = arith.constant 4 : i32
      %dma_wait3A_369 = arith.constant 0 : i32
      %dma_wait3A_370 = arith.constant 0 : i32
      %dma_wait3A_371 = tpu.memref_slice %arg8[%dma_wait3A_367, %dma_wait3A_369, %dma_wait3A_370] : memref<2x128x128xf32, #tpu.memory_space<vmem>> -> memref<1x128x128xf32, #tpu.memory_space<vmem>>
      %dma_wait3A_372 = tpu.memref_squeeze %dma_wait3A_371 : memref<1x128x128xf32, #tpu.memory_space<vmem>> -> memref<128x128xf32, #tpu.memory_space<vmem>>
      %dma_wait3A_373 = arith.constant 0 : i32
      %dma_wait3A_374 = tpu.memref_slice %arg7[%dma_wait3A_368, %dma_wait3A_373] : memref<8x128xi32, #tpu.memory_space<vmem>> -> memref<1x128xi32, #tpu.memory_space<vmem>>
      %dma_wait3A_375 = tpu.memref_squeeze %dma_wait3A_374 : memref<1x128xi32, #tpu.memory_space<vmem>> -> memref<128xi32, #tpu.memory_space<vmem>>
      %dma_wait3A_376 = arith.constant 0 : i32
      %dma_wait3A_377 = arith.constant 0 : i32
      %dma_wait3A_378 = tpu.memref_slice %arg10[%dma_wait3A_376, %dma_wait3A_377] : memref<10240x128xf32, #tpu.memory_space<vmem_shared>> -> memref<10240x128xf32, #tpu.memory_space<vmem_shared>>
      tpu.wait_indirect_dma semaphore(%arg13 : memref<!tpu.dma_semaphore, #tpu.memory_space<semaphore_mem>>) src(%dma_wait3A_372 : memref<128x128xf32, #tpu.memory_space<vmem>>) dst(%dma_wait3A_378 : memref<10240x128xf32, #tpu.memory_space<vmem_shared>>)
      %dma_start3A_379 = arith.constant 6 : i32
      %dma_start3A_380 = arith.constant 0 : i32
      %dma_start3A_381 = arith.constant 0 : i32
      %dma_start3A_382 = arith.constant 0 : i32
      %dma_start3A_383 = tpu.memref_slice %arg8[%dma_start3A_380, %dma_start3A_381, %dma_start3A_382] : memref<2x128x128xf32, #tpu.memory_space<vmem>> -> memref<1x128x128xf32, #tpu.memory_space<vmem>>
      %dma_start3A_384 = tpu.memref_squeeze %dma_start3A_383 : memref<1x128x128xf32, #tpu.memory_space<vmem>> -> memref<128x128xf32, #tpu.memory_space<vmem>>
      %dma_start3A_385 = arith.constant 0 : i32
      %dma_start3A_386 = tpu.memref_slice %arg6[%dma_start3A_379, %dma_start3A_385] : memref<8x128xi32, #tpu.memory_space<vmem>> -> memref<1x128xi32, #tpu.memory_space<vmem>>
      %dma_start3A_387 = tpu.memref_squeeze %dma_start3A_386 : memref<1x128xi32, #tpu.memory_space<vmem>> -> memref<128xi32, #tpu.memory_space<vmem>>
      %dma_start3A_388 = arith.constant 0 : i32
      %dma_start3A_389 = arith.constant 0 : i32
      %dma_start3A_390 = tpu.memref_slice %arg2[%dma_start3A_388, %dma_start3A_389] : memref<20480x128xf32, #tpu.memory_space<hbm>> -> memref<20480x128xf32, #tpu.memory_space<hbm>>
      tpu.enqueue_indirect_dma source(%dma_start3A_390 : memref<20480x128xf32, #tpu.memory_space<hbm>>) target(%dma_start3A_384 : memref<128x128xf32, #tpu.memory_space<vmem>>) offsets(%dma_start3A_387 : memref<128xi32, #tpu.memory_space<vmem>>) semaphore(%arg11 : memref<!tpu.dma_semaphore, #tpu.memory_space<semaphore_mem>>)
      %dma_wait3A_391 = arith.constant 1 : i32
      %dma_wait3A_392 = arith.constant 5 : i32
      %dma_wait3A_393 = arith.constant 0 : i32
      %dma_wait3A_394 = arith.constant 0 : i32
      %dma_wait3A_395 = tpu.memref_slice %arg8[%dma_wait3A_391, %dma_wait3A_393, %dma_wait3A_394] : memref<2x128x128xf32, #tpu.memory_space<vmem>> -> memref<1x128x128xf32, #tpu.memory_space<vmem>>
      %dma_wait3A_396 = tpu.memref_squeeze %dma_wait3A_395 : memref<1x128x128xf32, #tpu.memory_space<vmem>> -> memref<128x128xf32, #tpu.memory_space<vmem>>
      %dma_wait3A_397 = arith.constant 0 : i32
      %dma_wait3A_398 = tpu.memref_slice %arg7[%dma_wait3A_392, %dma_wait3A_397] : memref<8x128xi32, #tpu.memory_space<vmem>> -> memref<1x128xi32, #tpu.memory_space<vmem>>
      %dma_wait3A_399 = tpu.memref_squeeze %dma_wait3A_398 : memref<1x128xi32, #tpu.memory_space<vmem>> -> memref<128xi32, #tpu.memory_space<vmem>>
      %dma_wait3A_400 = arith.constant 0 : i32
      %dma_wait3A_401 = arith.constant 0 : i32
      %dma_wait3A_402 = tpu.memref_slice %arg10[%dma_wait3A_400, %dma_wait3A_401] : memref<10240x128xf32, #tpu.memory_space<vmem_shared>> -> memref<10240x128xf32, #tpu.memory_space<vmem_shared>>
      tpu.wait_indirect_dma semaphore(%arg14 : memref<!tpu.dma_semaphore, #tpu.memory_space<semaphore_mem>>) src(%dma_wait3A_396 : memref<128x128xf32, #tpu.memory_space<vmem>>) dst(%dma_wait3A_402 : memref<10240x128xf32, #tpu.memory_space<vmem_shared>>)
      %dma_start3A_403 = arith.constant 7 : i32
      %dma_start3A_404 = arith.constant 1 : i32
      %dma_start3A_405 = arith.constant 0 : i32
      %dma_start3A_406 = arith.constant 0 : i32
      %dma_start3A_407 = tpu.memref_slice %arg8[%dma_start3A_404, %dma_start3A_405, %dma_start3A_406] : memref<2x128x128xf32, #tpu.memory_space<vmem>> -> memref<1x128x128xf32, #tpu.memory_space<vmem>>
      %dma_start3A_408 = tpu.memref_squeeze %dma_start3A_407 : memref<1x128x128xf32, #tpu.memory_space<vmem>> -> memref<128x128xf32, #tpu.memory_space<vmem>>
      %dma_start3A_409 = arith.constant 0 : i32
      %dma_start3A_410 = tpu.memref_slice %arg6[%dma_start3A_403, %dma_start3A_409] : memref<8x128xi32, #tpu.memory_space<vmem>> -> memref<1x128xi32, #tpu.memory_space<vmem>>
      %dma_start3A_411 = tpu.memref_squeeze %dma_start3A_410 : memref<1x128xi32, #tpu.memory_space<vmem>> -> memref<128xi32, #tpu.memory_space<vmem>>
      %dma_start3A_412 = arith.constant 0 : i32
      %dma_start3A_413 = arith.constant 0 : i32
      %dma_start3A_414 = tpu.memref_slice %arg2[%dma_start3A_412, %dma_start3A_413] : memref<20480x128xf32, #tpu.memory_space<hbm>> -> memref<20480x128xf32, #tpu.memory_space<hbm>>
      tpu.enqueue_indirect_dma source(%dma_start3A_414 : memref<20480x128xf32, #tpu.memory_space<hbm>>) target(%dma_start3A_408 : memref<128x128xf32, #tpu.memory_space<vmem>>) offsets(%dma_start3A_411 : memref<128xi32, #tpu.memory_space<vmem>>) semaphore(%arg12 : memref<!tpu.dma_semaphore, #tpu.memory_space<semaphore_mem>>)
      %dma_wait3A_415 = arith.constant 6 : i32
      %dma_wait3A_416 = arith.constant 0 : i32
      %dma_wait3A_417 = arith.constant 0 : i32
      %dma_wait3A_418 = arith.constant 0 : i32
      %dma_wait3A_419 = tpu.memref_slice %arg8[%dma_wait3A_416, %dma_wait3A_417, %dma_wait3A_418] : memref<2x128x128xf32, #tpu.memory_space<vmem>> -> memref<1x128x128xf32, #tpu.memory_space<vmem>>
      %dma_wait3A_420 = tpu.memref_squeeze %dma_wait3A_419 : memref<1x128x128xf32, #tpu.memory_space<vmem>> -> memref<128x128xf32, #tpu.memory_space<vmem>>
      %dma_wait3A_421 = arith.constant 0 : i32
      %dma_wait3A_422 = tpu.memref_slice %arg6[%dma_wait3A_415, %dma_wait3A_421] : memref<8x128xi32, #tpu.memory_space<vmem>> -> memref<1x128xi32, #tpu.memory_space<vmem>>
      %dma_wait3A_423 = tpu.memref_squeeze %dma_wait3A_422 : memref<1x128xi32, #tpu.memory_space<vmem>> -> memref<128xi32, #tpu.memory_space<vmem>>
      %dma_wait3A_424 = arith.constant 0 : i32
      %dma_wait3A_425 = arith.constant 0 : i32
      %dma_wait3A_426 = tpu.memref_slice %arg2[%dma_wait3A_424, %dma_wait3A_425] : memref<20480x128xf32, #tpu.memory_space<hbm>> -> memref<20480x128xf32, #tpu.memory_space<hbm>>
      tpu.wait_indirect_dma semaphore(%arg11 : memref<!tpu.dma_semaphore, #tpu.memory_space<semaphore_mem>>) src(%dma_wait3A_426 : memref<20480x128xf32, #tpu.memory_space<hbm>>) dst(%dma_wait3A_420 : memref<128x128xf32, #tpu.memory_space<vmem>>)
      %dma_start3A_427 = arith.constant 0 : i32
      %dma_start3A_428 = arith.constant 6 : i32
      %dma_start3A_429 = arith.constant 0 : i32
      %dma_start3A_430 = arith.constant 0 : i32
      %dma_start3A_431 = tpu.memref_slice %arg8[%dma_start3A_427, %dma_start3A_429, %dma_start3A_430] : memref<2x128x128xf32, #tpu.memory_space<vmem>> -> memref<1x128x128xf32, #tpu.memory_space<vmem>>
      %dma_start3A_432 = tpu.memref_squeeze %dma_start3A_431 : memref<1x128x128xf32, #tpu.memory_space<vmem>> -> memref<128x128xf32, #tpu.memory_space<vmem>>
      %dma_start3A_433 = arith.constant 0 : i32
      %dma_start3A_434 = tpu.memref_slice %arg7[%dma_start3A_428, %dma_start3A_433] : memref<8x128xi32, #tpu.memory_space<vmem>> -> memref<1x128xi32, #tpu.memory_space<vmem>>
      %dma_start3A_435 = tpu.memref_squeeze %dma_start3A_434 : memref<1x128xi32, #tpu.memory_space<vmem>> -> memref<128xi32, #tpu.memory_space<vmem>>
      %dma_start3A_436 = arith.constant 0 : i32
      %dma_start3A_437 = arith.constant 0 : i32
      %dma_start3A_438 = tpu.memref_slice %arg10[%dma_start3A_436, %dma_start3A_437] : memref<10240x128xf32, #tpu.memory_space<vmem_shared>> -> memref<10240x128xf32, #tpu.memory_space<vmem_shared>>
      tpu.enqueue_indirect_dma source(%dma_start3A_432 : memref<128x128xf32, #tpu.memory_space<vmem>>) target(%dma_start3A_438 : memref<10240x128xf32, #tpu.memory_space<vmem_shared>>) offsets(%dma_start3A_435 : memref<128xi32, #tpu.memory_space<vmem>>) semaphore(%arg13 : memref<!tpu.dma_semaphore, #tpu.memory_space<semaphore_mem>>) {add = true}
      %convert_element_type3A_439 = arith.extui %eq3A_0 : i1 to i32
      %cond3A_440 = arith.constant 0 : i32
      %cond3A_441 = arith.cmpi ne, %convert_element_type3A_439, %cond3A_440 : i32
      scf.if %cond3A_441 {
        %scan3A_493 = arith.constant 0 : i32
        %scan3A_494 = arith.constant 8 : i32
        %scan3A_495 = arith.addi %scan3A_493, %scan3A_494 : i32
        %scan3A_496 = arith.constant 1 : i32
        scf.for %scan3A_498 = %scan3A_493 to %scan3A_495 step %scan3A_496  : i32 {
          %mul3A_499 = arith.constant 16 : i32
          %mul3A_500 = arith.muli %scan3A_498, %mul3A_499 : i32
          %add3A_501 = arith.constant 0 : i32
          %add3A_502 = arith.addi %add3A_501, %mul3A_500 : i32
          %get3A = arith.constant 6 : i32
          %get3A_503 = arith.index_cast %get3A : i32 to index
          %get3A_504 = arith.index_cast %add3A_502 : i32 to index
          %get3A_505 = tpu.vector_load %arg7[%get3A_503, %get3A_504] {strides = array<i32>} : memref<8x128xi32, #tpu.memory_space<vmem>>, vector<16xi32>,
          tpu.vector_store_idx %arg9[%get3A_505], %broadcast_in_dim3A_4 {add = true} : memref<10240xf32, #tpu.memory_space<vmem>>[vector<16xi32>], vector<16xf32>,
        }
        %scan3A_497 = arith.constant 8 : i32
      } else {
      }
      %dma_wait3A_442 = arith.constant 7 : i32
      %dma_wait3A_443 = arith.constant 1 : i32
      %dma_wait3A_444 = arith.constant 0 : i32
      %dma_wait3A_445 = arith.constant 0 : i32
      %dma_wait3A_446 = tpu.memref_slice %arg8[%dma_wait3A_443, %dma_wait3A_444, %dma_wait3A_445] : memref<2x128x128xf32, #tpu.memory_space<vmem>> -> memref<1x128x128xf32, #tpu.memory_space<vmem>>
      %dma_wait3A_447 = tpu.memref_squeeze %dma_wait3A_446 : memref<1x128x128xf32, #tpu.memory_space<vmem>> -> memref<128x128xf32, #tpu.memory_space<vmem>>
      %dma_wait3A_448 = arith.constant 0 : i32
      %dma_wait3A_449 = tpu.memref_slice %arg6[%dma_wait3A_442, %dma_wait3A_448] : memref<8x128xi32, #tpu.memory_space<vmem>> -> memref<1x128xi32, #tpu.memory_space<vmem>>
      %dma_wait3A_450 = tpu.memref_squeeze %dma_wait3A_449 : memref<1x128xi32, #tpu.memory_space<vmem>> -> memref<128xi32, #tpu.memory_space<vmem>>
      %dma_wait3A_451 = arith.constant 0 : i32
      %dma_wait3A_452 = arith.constant 0 : i32
      %dma_wait3A_453 = tpu.memref_slice %arg2[%dma_wait3A_451, %dma_wait3A_452] : memref<20480x128xf32, #tpu.memory_space<hbm>> -> memref<20480x128xf32, #tpu.memory_space<hbm>>
      tpu.wait_indirect_dma semaphore(%arg12 : memref<!tpu.dma_semaphore, #tpu.memory_space<semaphore_mem>>) src(%dma_wait3A_453 : memref<20480x128xf32, #tpu.memory_space<hbm>>) dst(%dma_wait3A_447 : memref<128x128xf32, #tpu.memory_space<vmem>>)
      %dma_start3A_454 = arith.constant 1 : i32
      %dma_start3A_455 = arith.constant 7 : i32
      %dma_start3A_456 = arith.constant 0 : i32
      %dma_start3A_457 = arith.constant 0 : i32
      %dma_start3A_458 = tpu.memref_slice %arg8[%dma_start3A_454, %dma_start3A_456, %dma_start3A_457] : memref<2x128x128xf32, #tpu.memory_space<vmem>> -> memref<1x128x128xf32, #tpu.memory_space<vmem>>
      %dma_start3A_459 = tpu.memref_squeeze %dma_start3A_458 : memref<1x128x128xf32, #tpu.memory_space<vmem>> -> memref<128x128xf32, #tpu.memory_space<vmem>>
      %dma_start3A_460 = arith.constant 0 : i32
      %dma_start3A_461 = tpu.memref_slice %arg7[%dma_start3A_455, %dma_start3A_460] : memref<8x128xi32, #tpu.memory_space<vmem>> -> memref<1x128xi32, #tpu.memory_space<vmem>>
      %dma_start3A_462 = tpu.memref_squeeze %dma_start3A_461 : memref<1x128xi32, #tpu.memory_space<vmem>> -> memref<128xi32, #tpu.memory_space<vmem>>
      %dma_start3A_463 = arith.constant 0 : i32
      %dma_start3A_464 = arith.constant 0 : i32
      %dma_start3A_465 = tpu.memref_slice %arg10[%dma_start3A_463, %dma_start3A_464] : memref<10240x128xf32, #tpu.memory_space<vmem_shared>> -> memref<10240x128xf32, #tpu.memory_space<vmem_shared>>
      tpu.enqueue_indirect_dma source(%dma_start3A_459 : memref<128x128xf32, #tpu.memory_space<vmem>>) target(%dma_start3A_465 : memref<10240x128xf32, #tpu.memory_space<vmem_shared>>) offsets(%dma_start3A_462 : memref<128xi32, #tpu.memory_space<vmem>>) semaphore(%arg14 : memref<!tpu.dma_semaphore, #tpu.memory_space<semaphore_mem>>) {add = true}
      %convert_element_type3A_466 = arith.extui %eq3A_0 : i1 to i32
      %cond3A_467 = arith.constant 0 : i32
      %cond3A_468 = arith.cmpi ne, %convert_element_type3A_466, %cond3A_467 : i32
      scf.if %cond3A_468 {
        %scan3A_493 = arith.constant 0 : i32
        %scan3A_494 = arith.constant 8 : i32
        %scan3A_495 = arith.addi %scan3A_493, %scan3A_494 : i32
        %scan3A_496 = arith.constant 1 : i32
        scf.for %scan3A_498 = %scan3A_493 to %scan3A_495 step %scan3A_496  : i32 {
          %mul3A_499 = arith.constant 16 : i32
          %mul3A_500 = arith.muli %scan3A_498, %mul3A_499 : i32
          %add3A_501 = arith.constant 0 : i32
          %add3A_502 = arith.addi %add3A_501, %mul3A_500 : i32
          %get3A = arith.constant 7 : i32
          %get3A_503 = arith.index_cast %get3A : i32 to index
          %get3A_504 = arith.index_cast %add3A_502 : i32 to index
          %get3A_505 = tpu.vector_load %arg7[%get3A_503, %get3A_504] {strides = array<i32>} : memref<8x128xi32, #tpu.memory_space<vmem>>, vector<16xi32>,
          tpu.vector_store_idx %arg9[%get3A_505], %broadcast_in_dim3A_4 {add = true} : memref<10240xf32, #tpu.memory_space<vmem>>[vector<16xi32>], vector<16xf32>,
        }
        %scan3A_497 = arith.constant 8 : i32
      } else {
      }
      %dma_wait3A_469 = arith.constant 0 : i32
      %dma_wait3A_470 = arith.constant 6 : i32
      %dma_wait3A_471 = arith.constant 0 : i32
      %dma_wait3A_472 = arith.constant 0 : i32
      %dma_wait3A_473 = tpu.memref_slice %arg8[%dma_wait3A_469, %dma_wait3A_471, %dma_wait3A_472] : memref<2x128x128xf32, #tpu.memory_space<vmem>> -> memref<1x128x128xf32, #tpu.memory_space<vmem>>
      %dma_wait3A_474 = tpu.memref_squeeze %dma_wait3A_473 : memref<1x128x128xf32, #tpu.memory_space<vmem>> -> memref<128x128xf32, #tpu.memory_space<vmem>>
      %dma_wait3A_475 = arith.constant 0 : i32
      %dma_wait3A_476 = tpu.memref_slice %arg7[%dma_wait3A_470, %dma_wait3A_475] : memref<8x128xi32, #tpu.memory_space<vmem>> -> memref<1x128xi32, #tpu.memory_space<vmem>>
      %dma_wait3A_477 = tpu.memref_squeeze %dma_wait3A_476 : memref<1x128xi32, #tpu.memory_space<vmem>> -> memref<128xi32, #tpu.memory_space<vmem>>
      %dma_wait3A_478 = arith.constant 0 : i32
      %dma_wait3A_479 = arith.constant 0 : i32
      %dma_wait3A_480 = tpu.memref_slice %arg10[%dma_wait3A_478, %dma_wait3A_479] : memref<10240x128xf32, #tpu.memory_space<vmem_shared>> -> memref<10240x128xf32, #tpu.memory_space<vmem_shared>>
      tpu.wait_indirect_dma semaphore(%arg13 : memref<!tpu.dma_semaphore, #tpu.memory_space<semaphore_mem>>) src(%dma_wait3A_474 : memref<128x128xf32, #tpu.memory_space<vmem>>) dst(%dma_wait3A_480 : memref<10240x128xf32, #tpu.memory_space<vmem_shared>>)
      %dma_wait3A_481 = arith.constant 1 : i32
      %dma_wait3A_482 = arith.constant 7 : i32
      %dma_wait3A_483 = arith.constant 0 : i32
      %dma_wait3A_484 = arith.constant 0 : i32
      %dma_wait3A_485 = tpu.memref_slice %arg8[%dma_wait3A_481, %dma_wait3A_483, %dma_wait3A_484] : memref<2x128x128xf32, #tpu.memory_space<vmem>> -> memref<1x128x128xf32, #tpu.memory_space<vmem>>
      %dma_wait3A_486 = tpu.memref_squeeze %dma_wait3A_485 : memref<1x128x128xf32, #tpu.memory_space<vmem>> -> memref<128x128xf32, #tpu.memory_space<vmem>>
      %dma_wait3A_487 = arith.constant 0 : i32
      %dma_wait3A_488 = tpu.memref_slice %arg7[%dma_wait3A_482, %dma_wait3A_487] : memref<8x128xi32, #tpu.memory_space<vmem>> -> memref<1x128xi32, #tpu.memory_space<vmem>>
      %dma_wait3A_489 = tpu.memref_squeeze %dma_wait3A_488 : memref<1x128xi32, #tpu.memory_space<vmem>> -> memref<128xi32, #tpu.memory_space<vmem>>
      %dma_wait3A_490 = arith.constant 0 : i32
      %dma_wait3A_491 = arith.constant 0 : i32
      %dma_wait3A_492 = tpu.memref_slice %arg10[%dma_wait3A_490, %dma_wait3A_491] : memref<10240x128xf32, #tpu.memory_space<vmem_shared>> -> memref<10240x128xf32, #tpu.memory_space<vmem_shared>>
      tpu.wait_indirect_dma semaphore(%arg14 : memref<!tpu.dma_semaphore, #tpu.memory_space<semaphore_mem>>) src(%dma_wait3A_486 : memref<128x128xf32, #tpu.memory_space<vmem>>) dst(%dma_wait3A_492 : memref<10240x128xf32, #tpu.memory_space<vmem_shared>>)
    } else {
    }
    %eq3A_32 = arith.constant 0 : i32
    %eq3A_33 = arith.cmpi eq, %arg1, %eq3A_32 : i32
    %convert_element_type3A_34 = arith.extui %eq3A_33 : i1 to i32
    %cond3A_35 = arith.constant 0 : i32
    %cond3A_36 = arith.constant 1 : i32
    %cond3A_37 = arith.constant 0 : i32
    %cond3A_38 = arith.cmpi ne, %convert_element_type3A_34, %cond3A_37 : i32
    scf.if %cond3A_38 {
      "tpu.region"() ({
        %run_scoped3A = tpu.sem_alloc : memref<!tpu.dma_semaphore, #tpu.memory_space<semaphore_mem>>
        %dma_start3A_153 = arith.constant 0 : i32
        %dma_start3A_154 = arith.constant 0 : i32
        %dma_start3A_155 = tpu.memref_slice %arg6[%dma_start3A_153, %dma_start3A_154] : memref<8x128xi32, #tpu.memory_space<vmem>> -> memref<2x128xi32, #tpu.memory_space<vmem>>
        %dma_start3A_156 = arith.constant 0 : i32
        %dma_start3A_157 = arith.constant 0 : i32
        %dma_start3A_158 = tpu.memref_slice %arg3[%cond3A_35, %dma_start3A_156, %dma_start3A_157] : memref<2x1250x128xi32, #tpu.memory_space<hbm>> -> memref<1x1250x128xi32, #tpu.memory_space<hbm>>
        %dma_start3A_159 = tpu.memref_squeeze %dma_start3A_158 : memref<1x1250x128xi32, #tpu.memory_space<hbm>> -> memref<1250x128xi32, #tpu.memory_space<hbm>>
        %dma_start3A_160 = arith.constant 1248 : i32
        %dma_start3A_161 = arith.constant 0 : i32
        %dma_start3A_162 = tpu.memref_slice %dma_start3A_159[%dma_start3A_160, %dma_start3A_161] : memref<1250x128xi32, #tpu.memory_space<hbm>> -> memref<2x128xi32, #tpu.memory_space<hbm>>
        %dma_start3A_163 = arith.constant 0 : i32
        %dma_start3A_164 = arith.constant 0 : i32
        %dma_start3A_165 = tpu.memref_slice %arg6[%dma_start3A_163, %dma_start3A_164] : memref<8x128xi32, #tpu.memory_space<vmem>> -> memref<2x128xi32, #tpu.memory_space<vmem>>
        %dma_start3A_166 = arith.constant 0 : i32
        %dma_start3A_167 = arith.constant 0 : i32
        %dma_start3A_168 = tpu.memref_slice %arg3[%cond3A_35, %dma_start3A_166, %dma_start3A_167] : memref<2x1250x128xi32, #tpu.memory_space<hbm>> -> memref<1x1250x128xi32, #tpu.memory_space<hbm>>
        %dma_start3A_169 = tpu.memref_squeeze %dma_start3A_168 : memref<1x1250x128xi32, #tpu.memory_space<hbm>> -> memref<1250x128xi32, #tpu.memory_space<hbm>>
        %dma_start3A_170 = arith.constant 1248 : i32
        %dma_start3A_171 = arith.constant 0 : i32
        %dma_start3A_172 = tpu.memref_slice %dma_start3A_169[%dma_start3A_170, %dma_start3A_171] : memref<1250x128xi32, #tpu.memory_space<hbm>> -> memref<2x128xi32, #tpu.memory_space<hbm>>
        tpu.enqueue_dma source(%dma_start3A_172 : memref<2x128xi32, #tpu.memory_space<hbm>>) target(%dma_start3A_165 : memref<2x128xi32, #tpu.memory_space<vmem>>) target_semaphore(%run_scoped3A : memref<!tpu.dma_semaphore, #tpu.memory_space<semaphore_mem>>)
        %dma_wait3A_173 = arith.constant 0 : i32
        %dma_wait3A_174 = arith.constant 0 : i32
        %dma_wait3A_175 = tpu.memref_slice %arg6[%dma_wait3A_173, %dma_wait3A_174] : memref<8x128xi32, #tpu.memory_space<vmem>> -> memref<2x128xi32, #tpu.memory_space<vmem>>
        %dma_wait3A_176 = arith.constant 0 : i32
        %dma_wait3A_177 = arith.constant 0 : i32
        %dma_wait3A_178 = tpu.memref_slice %arg3[%cond3A_35, %dma_wait3A_176, %dma_wait3A_177] : memref<2x1250x128xi32, #tpu.memory_space<hbm>> -> memref<1x1250x128xi32, #tpu.memory_space<hbm>>
        %dma_wait3A_179 = tpu.memref_squeeze %dma_wait3A_178 : memref<1x1250x128xi32, #tpu.memory_space<hbm>> -> memref<1250x128xi32, #tpu.memory_space<hbm>>
        %dma_wait3A_180 = arith.constant 1248 : i32
        %dma_wait3A_181 = arith.constant 0 : i32
        %dma_wait3A_182 = tpu.memref_slice %dma_wait3A_179[%dma_wait3A_180, %dma_wait3A_181] : memref<1250x128xi32, #tpu.memory_space<hbm>> -> memref<2x128xi32, #tpu.memory_space<hbm>>
        %dma_wait3A_183 = arith.constant 0 : i32
        %dma_wait3A_184 = arith.constant 0 : i32
        %dma_wait3A_185 = tpu.memref_slice %arg6[%dma_wait3A_183, %dma_wait3A_184] : memref<8x128xi32, #tpu.memory_space<vmem>> -> memref<2x128xi32, #tpu.memory_space<vmem>>
        %dma_wait3A_186 = arith.constant 0 : i32
        %dma_wait3A_187 = arith.constant 0 : i32
        %dma_wait3A_188 = tpu.memref_slice %arg3[%cond3A_35, %dma_wait3A_186, %dma_wait3A_187] : memref<2x1250x128xi32, #tpu.memory_space<hbm>> -> memref<1x1250x128xi32, #tpu.memory_space<hbm>>
        %dma_wait3A_189 = tpu.memref_squeeze %dma_wait3A_188 : memref<1x1250x128xi32, #tpu.memory_space<hbm>> -> memref<1250x128xi32, #tpu.memory_space<hbm>>
        %dma_wait3A_190 = arith.constant 1248 : i32
        %dma_wait3A_191 = arith.constant 0 : i32
        %dma_wait3A_192 = tpu.memref_slice %dma_wait3A_189[%dma_wait3A_190, %dma_wait3A_191] : memref<1250x128xi32, #tpu.memory_space<hbm>> -> memref<2x128xi32, #tpu.memory_space<hbm>>
        tpu.wait_dma2 semaphore(%run_scoped3A : memref<!tpu.dma_semaphore, #tpu.memory_space<semaphore_mem>>) src(%dma_wait3A_192 : memref<2x128xi32, #tpu.memory_space<hbm>>) dst(%dma_wait3A_185 : memref<2x128xi32, #tpu.memory_space<vmem>>)
        tpu.yield
      }) : () -> ()
      "tpu.region"() ({
        %run_scoped3A = tpu.sem_alloc : memref<!tpu.dma_semaphore, #tpu.memory_space<semaphore_mem>>
        %dma_start3A_153 = arith.constant 0 : i32
        %dma_start3A_154 = arith.constant 0 : i32
        %dma_start3A_155 = tpu.memref_slice %arg7[%dma_start3A_153, %dma_start3A_154] : memref<8x128xi32, #tpu.memory_space<vmem>> -> memref<2x128xi32, #tpu.memory_space<vmem>>
        %dma_start3A_156 = arith.constant 0 : i32
        %dma_start3A_157 = arith.constant 0 : i32
        %dma_start3A_158 = tpu.memref_slice %arg3[%cond3A_36, %dma_start3A_156, %dma_start3A_157] : memref<2x1250x128xi32, #tpu.memory_space<hbm>> -> memref<1x1250x128xi32, #tpu.memory_space<hbm>>
        %dma_start3A_159 = tpu.memref_squeeze %dma_start3A_158 : memref<1x1250x128xi32, #tpu.memory_space<hbm>> -> memref<1250x128xi32, #tpu.memory_space<hbm>>
        %dma_start3A_160 = arith.constant 1248 : i32
        %dma_start3A_161 = arith.constant 0 : i32
        %dma_start3A_162 = tpu.memref_slice %dma_start3A_159[%dma_start3A_160, %dma_start3A_161] : memref<1250x128xi32, #tpu.memory_space<hbm>> -> memref<2x128xi32, #tpu.memory_space<hbm>>
        %dma_start3A_163 = arith.constant 0 : i32
        %dma_start3A_164 = arith.constant 0 : i32
        %dma_start3A_165 = tpu.memref_slice %arg7[%dma_start3A_163, %dma_start3A_164] : memref<8x128xi32, #tpu.memory_space<vmem>> -> memref<2x128xi32, #tpu.memory_space<vmem>>
        %dma_start3A_166 = arith.constant 0 : i32
        %dma_start3A_167 = arith.constant 0 : i32
        %dma_start3A_168 = tpu.memref_slice %arg3[%cond3A_36, %dma_start3A_166, %dma_start3A_167] : memref<2x1250x128xi32, #tpu.memory_space<hbm>> -> memref<1x1250x128xi32, #tpu.memory_space<hbm>>
        %dma_start3A_169 = tpu.memref_squeeze %dma_start3A_168 : memref<1x1250x128xi32, #tpu.memory_space<hbm>> -> memref<1250x128xi32, #tpu.memory_space<hbm>>
        %dma_start3A_170 = arith.constant 1248 : i32
        %dma_start3A_171 = arith.constant 0 : i32
        %dma_start3A_172 = tpu.memref_slice %dma_start3A_169[%dma_start3A_170, %dma_start3A_171] : memref<1250x128xi32, #tpu.memory_space<hbm>> -> memref<2x128xi32, #tpu.memory_space<hbm>>
        tpu.enqueue_dma source(%dma_start3A_172 : memref<2x128xi32, #tpu.memory_space<hbm>>) target(%dma_start3A_165 : memref<2x128xi32, #tpu.memory_space<vmem>>) target_semaphore(%run_scoped3A : memref<!tpu.dma_semaphore, #tpu.memory_space<semaphore_mem>>)
        %dma_wait3A_173 = arith.constant 0 : i32
        %dma_wait3A_174 = arith.constant 0 : i32
        %dma_wait3A_175 = tpu.memref_slice %arg7[%dma_wait3A_173, %dma_wait3A_174] : memref<8x128xi32, #tpu.memory_space<vmem>> -> memref<2x128xi32, #tpu.memory_space<vmem>>
        %dma_wait3A_176 = arith.constant 0 : i32
        %dma_wait3A_177 = arith.constant 0 : i32
        %dma_wait3A_178 = tpu.memref_slice %arg3[%cond3A_36, %dma_wait3A_176, %dma_wait3A_177] : memref<2x1250x128xi32, #tpu.memory_space<hbm>> -> memref<1x1250x128xi32, #tpu.memory_space<hbm>>
        %dma_wait3A_179 = tpu.memref_squeeze %dma_wait3A_178 : memref<1x1250x128xi32, #tpu.memory_space<hbm>> -> memref<1250x128xi32, #tpu.memory_space<hbm>>
        %dma_wait3A_180 = arith.constant 1248 : i32
        %dma_wait3A_181 = arith.constant 0 : i32
        %dma_wait3A_182 = tpu.memref_slice %dma_wait3A_179[%dma_wait3A_180, %dma_wait3A_181] : memref<1250x128xi32, #tpu.memory_space<hbm>> -> memref<2x128xi32, #tpu.memory_space<hbm>>
        %dma_wait3A_183 = arith.constant 0 : i32
        %dma_wait3A_184 = arith.constant 0 : i32
        %dma_wait3A_185 = tpu.memref_slice %arg7[%dma_wait3A_183, %dma_wait3A_184] : memref<8x128xi32, #tpu.memory_space<vmem>> -> memref<2x128xi32, #tpu.memory_space<vmem>>
        %dma_wait3A_186 = arith.constant 0 : i32
        %dma_wait3A_187 = arith.constant 0 : i32
        %dma_wait3A_188 = tpu.memref_slice %arg3[%cond3A_36, %dma_wait3A_186, %dma_wait3A_187] : memref<2x1250x128xi32, #tpu.memory_space<hbm>> -> memref<1x1250x128xi32, #tpu.memory_space<hbm>>
        %dma_wait3A_189 = tpu.memref_squeeze %dma_wait3A_188 : memref<1x1250x128xi32, #tpu.memory_space<hbm>> -> memref<1250x128xi32, #tpu.memory_space<hbm>>
        %dma_wait3A_190 = arith.constant 1248 : i32
        %dma_wait3A_191 = arith.constant 0 : i32
        %dma_wait3A_192 = tpu.memref_slice %dma_wait3A_189[%dma_wait3A_190, %dma_wait3A_191] : memref<1250x128xi32, #tpu.memory_space<hbm>> -> memref<2x128xi32, #tpu.memory_space<hbm>>
        tpu.wait_dma2 semaphore(%run_scoped3A : memref<!tpu.dma_semaphore, #tpu.memory_space<semaphore_mem>>) src(%dma_wait3A_192 : memref<2x128xi32, #tpu.memory_space<hbm>>) dst(%dma_wait3A_185 : memref<2x128xi32, #tpu.memory_space<vmem>>)
        tpu.yield
      }) : () -> ()
      %scan3A_43 = arith.constant 0 : i32
      %scan3A_44 = arith.constant 8 : i32
      %scan3A_45 = arith.addi %scan3A_43, %scan3A_44 : i32
      %scan3A_46 = arith.constant 1 : i32
      scf.for %scan3A_153 = %scan3A_43 to %scan3A_45 step %scan3A_46  : i32 {
        %mul3A_154 = arith.constant 16 : i32
        %mul3A_155 = arith.muli %scan3A_153, %mul3A_154 : i32
        %add3A_156 = arith.constant 0 : i32
        %add3A_157 = arith.addi %add3A_156, %mul3A_155 : i32
        %get3A = arith.constant 0 : i32
        %get3A_158 = arith.index_cast %get3A : i32 to index
        %get3A_159 = arith.index_cast %add3A_157 : i32 to index
        %get3A_160 = tpu.vector_load %arg6[%get3A_158, %get3A_159] {strides = array<i32>} : memref<8x128xi32, #tpu.memory_space<vmem>>, vector<16xi32>,
        %add3A_161 = vector.broadcast %mul3A_1 : i32 to vector<16xi32>
        %add3A_162 = arith.addi %get3A_160, %add3A_161 : vector<16xi32>
        %swap3A = arith.constant 0 : i32
        %swap3A_163 = arith.index_cast %swap3A : i32 to index
        %swap3A_164 = arith.index_cast %add3A_157 : i32 to index
        %swap3A_165 = tpu.vector_load %arg6[%swap3A_163, %swap3A_164] {strides = array<i32>} : memref<8x128xi32, #tpu.memory_space<vmem>>, vector<16xi32>,
        tpu.vector_store %arg6[%swap3A_163, %swap3A_164], %add3A_162 {strides = array<i32>} : memref<8x128xi32, #tpu.memory_space<vmem>>, vector<16xi32>,
      }
      %scan3A_47 = arith.constant 8 : i32
      %scan3A_48 = arith.constant 0 : i32
      %scan3A_49 = arith.constant 8 : i32
      %scan3A_50 = arith.addi %scan3A_48, %scan3A_49 : i32
      %scan3A_51 = arith.constant 1 : i32
      scf.for %scan3A_153 = %scan3A_48 to %scan3A_50 step %scan3A_51  : i32 {
        %mul3A_154 = arith.constant 16 : i32
        %mul3A_155 = arith.muli %scan3A_153, %mul3A_154 : i32
        %add3A_156 = arith.constant 0 : i32
        %add3A_157 = arith.addi %add3A_156, %mul3A_155 : i32
        %get3A = arith.constant 1 : i32
        %get3A_158 = arith.index_cast %get3A : i32 to index
        %get3A_159 = arith.index_cast %add3A_157 : i32 to index
        %get3A_160 = tpu.vector_load %arg6[%get3A_158, %get3A_159] {strides = array<i32>} : memref<8x128xi32, #tpu.memory_space<vmem>>, vector<16xi32>,
        %add3A_161 = vector.broadcast %mul3A_1 : i32 to vector<16xi32>
        %add3A_162 = arith.addi %get3A_160, %add3A_161 : vector<16xi32>
        %swap3A = arith.constant 1 : i32
        %swap3A_163 = arith.index_cast %swap3A : i32 to index
        %swap3A_164 = arith.index_cast %add3A_157 : i32 to index
        %swap3A_165 = tpu.vector_load %arg6[%swap3A_163, %swap3A_164] {strides = array<i32>} : memref<8x128xi32, #tpu.memory_space<vmem>>, vector<16xi32>,
        tpu.vector_store %arg6[%swap3A_163, %swap3A_164], %add3A_162 {strides = array<i32>} : memref<8x128xi32, #tpu.memory_space<vmem>>, vector<16xi32>,
      }
      %scan3A_52 = arith.constant 8 : i32
      %dma_start3A = arith.constant 0 : i32
      %dma_start3A_53 = arith.constant 0 : i32
      %dma_start3A_54 = arith.constant 0 : i32
      %dma_start3A_55 = arith.constant 0 : i32
      %dma_start3A_56 = tpu.memref_slice %arg8[%dma_start3A_53, %dma_start3A_54, %dma_start3A_55] : memref<2x128x128xf32, #tpu.memory_space<vmem>> -> memref<1x128x128xf32, #tpu.memory_space<vmem>>
      %dma_start3A_57 = tpu.memref_squeeze %dma_start3A_56 : memref<1x128x128xf32, #tpu.memory_space<vmem>> -> memref<128x128xf32, #tpu.memory_space<vmem>>
      %dma_start3A_58 = arith.constant 0 : i32
      %dma_start3A_59 = tpu.memref_slice %arg6[%dma_start3A, %dma_start3A_58] : memref<8x128xi32, #tpu.memory_space<vmem>> -> memref<1x128xi32, #tpu.memory_space<vmem>>
      %dma_start3A_60 = tpu.memref_squeeze %dma_start3A_59 : memref<1x128xi32, #tpu.memory_space<vmem>> -> memref<128xi32, #tpu.memory_space<vmem>>
      %dma_start3A_61 = arith.constant 0 : i32
      %dma_start3A_62 = arith.constant 0 : i32
      %dma_start3A_63 = tpu.memref_slice %arg2[%dma_start3A_61, %dma_start3A_62] : memref<20480x128xf32, #tpu.memory_space<hbm>> -> memref<20480x128xf32, #tpu.memory_space<hbm>>
      tpu.enqueue_indirect_dma source(%dma_start3A_63 : memref<20480x128xf32, #tpu.memory_space<hbm>>) target(%dma_start3A_57 : memref<128x128xf32, #tpu.memory_space<vmem>>) offsets(%dma_start3A_60 : memref<128xi32, #tpu.memory_space<vmem>>) semaphore(%arg11 : memref<!tpu.dma_semaphore, #tpu.memory_space<semaphore_mem>>)
      %dma_start3A_64 = arith.constant 1 : i32
      %dma_start3A_65 = arith.constant 1 : i32
      %dma_start3A_66 = arith.constant 0 : i32
      %dma_start3A_67 = arith.constant 0 : i32
      %dma_start3A_68 = tpu.memref_slice %arg8[%dma_start3A_65, %dma_start3A_66, %dma_start3A_67] : memref<2x128x128xf32, #tpu.memory_space<vmem>> -> memref<1x128x128xf32, #tpu.memory_space<vmem>>
      %dma_start3A_69 = tpu.memref_squeeze %dma_start3A_68 : memref<1x128x128xf32, #tpu.memory_space<vmem>> -> memref<128x128xf32, #tpu.memory_space<vmem>>
      %dma_start3A_70 = arith.constant 0 : i32
      %dma_start3A_71 = tpu.memref_slice %arg6[%dma_start3A_64, %dma_start3A_70] : memref<8x128xi32, #tpu.memory_space<vmem>> -> memref<1x128xi32, #tpu.memory_space<vmem>>
      %dma_start3A_72 = tpu.memref_squeeze %dma_start3A_71 : memref<1x128xi32, #tpu.memory_space<vmem>> -> memref<128xi32, #tpu.memory_space<vmem>>
      %dma_start3A_73 = arith.constant 0 : i32
      %dma_start3A_74 = arith.constant 0 : i32
      %dma_start3A_75 = tpu.memref_slice %arg2[%dma_start3A_73, %dma_start3A_74] : memref<20480x128xf32, #tpu.memory_space<hbm>> -> memref<20480x128xf32, #tpu.memory_space<hbm>>
      tpu.enqueue_indirect_dma source(%dma_start3A_75 : memref<20480x128xf32, #tpu.memory_space<hbm>>) target(%dma_start3A_69 : memref<128x128xf32, #tpu.memory_space<vmem>>) offsets(%dma_start3A_72 : memref<128xi32, #tpu.memory_space<vmem>>) semaphore(%arg12 : memref<!tpu.dma_semaphore, #tpu.memory_space<semaphore_mem>>)
      %dma_wait3A = arith.constant 0 : i32
      %dma_wait3A_76 = arith.constant 0 : i32
      %dma_wait3A_77 = arith.constant 0 : i32
      %dma_wait3A_78 = arith.constant 0 : i32
      %dma_wait3A_79 = tpu.memref_slice %arg8[%dma_wait3A_76, %dma_wait3A_77, %dma_wait3A_78] : memref<2x128x128xf32, #tpu.memory_space<vmem>> -> memref<1x128x128xf32, #tpu.memory_space<vmem>>
      %dma_wait3A_80 = tpu.memref_squeeze %dma_wait3A_79 : memref<1x128x128xf32, #tpu.memory_space<vmem>> -> memref<128x128xf32, #tpu.memory_space<vmem>>
      %dma_wait3A_81 = arith.constant 0 : i32
      %dma_wait3A_82 = tpu.memref_slice %arg6[%dma_wait3A, %dma_wait3A_81] : memref<8x128xi32, #tpu.memory_space<vmem>> -> memref<1x128xi32, #tpu.memory_space<vmem>>
      %dma_wait3A_83 = tpu.memref_squeeze %dma_wait3A_82 : memref<1x128xi32, #tpu.memory_space<vmem>> -> memref<128xi32, #tpu.memory_space<vmem>>
      %dma_wait3A_84 = arith.constant 0 : i32
      %dma_wait3A_85 = arith.constant 0 : i32
      %dma_wait3A_86 = tpu.memref_slice %arg2[%dma_wait3A_84, %dma_wait3A_85] : memref<20480x128xf32, #tpu.memory_space<hbm>> -> memref<20480x128xf32, #tpu.memory_space<hbm>>
      tpu.wait_indirect_dma semaphore(%arg11 : memref<!tpu.dma_semaphore, #tpu.memory_space<semaphore_mem>>) src(%dma_wait3A_86 : memref<20480x128xf32, #tpu.memory_space<hbm>>) dst(%dma_wait3A_80 : memref<128x128xf32, #tpu.memory_space<vmem>>)
      %dma_start3A_87 = arith.constant 0 : i32
      %dma_start3A_88 = arith.constant 0 : i32
      %dma_start3A_89 = arith.constant 0 : i32
      %dma_start3A_90 = arith.constant 0 : i32
      %dma_start3A_91 = tpu.memref_slice %arg8[%dma_start3A_87, %dma_start3A_89, %dma_start3A_90] : memref<2x128x128xf32, #tpu.memory_space<vmem>> -> memref<1x128x128xf32, #tpu.memory_space<vmem>>
      %dma_start3A_92 = tpu.memref_squeeze %dma_start3A_91 : memref<1x128x128xf32, #tpu.memory_space<vmem>> -> memref<128x128xf32, #tpu.memory_space<vmem>>
      %dma_start3A_93 = arith.constant 0 : i32
      %dma_start3A_94 = tpu.memref_slice %arg7[%dma_start3A_88, %dma_start3A_93] : memref<8x128xi32, #tpu.memory_space<vmem>> -> memref<1x128xi32, #tpu.memory_space<vmem>>
      %dma_start3A_95 = tpu.memref_squeeze %dma_start3A_94 : memref<1x128xi32, #tpu.memory_space<vmem>> -> memref<128xi32, #tpu.memory_space<vmem>>
      %dma_start3A_96 = arith.constant 0 : i32
      %dma_start3A_97 = arith.constant 0 : i32
      %dma_start3A_98 = tpu.memref_slice %arg10[%dma_start3A_96, %dma_start3A_97] : memref<10240x128xf32, #tpu.memory_space<vmem_shared>> -> memref<10240x128xf32, #tpu.memory_space<vmem_shared>>
      tpu.enqueue_indirect_dma source(%dma_start3A_92 : memref<128x128xf32, #tpu.memory_space<vmem>>) target(%dma_start3A_98 : memref<10240x128xf32, #tpu.memory_space<vmem_shared>>) offsets(%dma_start3A_95 : memref<128xi32, #tpu.memory_space<vmem>>) semaphore(%arg13 : memref<!tpu.dma_semaphore, #tpu.memory_space<semaphore_mem>>) {add = true}
      %convert_element_type3A_99 = arith.extui %eq3A_0 : i1 to i32
      %cond3A_100 = arith.constant 0 : i32
      %cond3A_101 = arith.cmpi ne, %convert_element_type3A_99, %cond3A_100 : i32
      scf.if %cond3A_101 {
        %scan3A_153 = arith.constant 0 : i32
        %scan3A_154 = arith.constant 8 : i32
        %scan3A_155 = arith.addi %scan3A_153, %scan3A_154 : i32
        %scan3A_156 = arith.constant 1 : i32
        scf.for %scan3A_158 = %scan3A_153 to %scan3A_155 step %scan3A_156  : i32 {
          %mul3A_159 = arith.constant 16 : i32
          %mul3A_160 = arith.muli %scan3A_158, %mul3A_159 : i32
          %add3A_161 = arith.constant 0 : i32
          %add3A_162 = arith.addi %add3A_161, %mul3A_160 : i32
          %get3A = arith.constant 0 : i32
          %get3A_163 = arith.index_cast %get3A : i32 to index
          %get3A_164 = arith.index_cast %add3A_162 : i32 to index
          %get3A_165 = tpu.vector_load %arg7[%get3A_163, %get3A_164] {strides = array<i32>} : memref<8x128xi32, #tpu.memory_space<vmem>>, vector<16xi32>,
          tpu.vector_store_idx %arg9[%get3A_165], %broadcast_in_dim3A_4 {add = true} : memref<10240xf32, #tpu.memory_space<vmem>>[vector<16xi32>], vector<16xf32>,
        }
        %scan3A_157 = arith.constant 8 : i32
      } else {
      }
      %dma_wait3A_102 = arith.constant 1 : i32
      %dma_wait3A_103 = arith.constant 1 : i32
      %dma_wait3A_104 = arith.constant 0 : i32
      %dma_wait3A_105 = arith.constant 0 : i32
      %dma_wait3A_106 = tpu.memref_slice %arg8[%dma_wait3A_103, %dma_wait3A_104, %dma_wait3A_105] : memref<2x128x128xf32, #tpu.memory_space<vmem>> -> memref<1x128x128xf32, #tpu.memory_space<vmem>>
      %dma_wait3A_107 = tpu.memref_squeeze %dma_wait3A_106 : memref<1x128x128xf32, #tpu.memory_space<vmem>> -> memref<128x128xf32, #tpu.memory_space<vmem>>
      %dma_wait3A_108 = arith.constant 0 : i32
      %dma_wait3A_109 = tpu.memref_slice %arg6[%dma_wait3A_102, %dma_wait3A_108] : memref<8x128xi32, #tpu.memory_space<vmem>> -> memref<1x128xi32, #tpu.memory_space<vmem>>
      %dma_wait3A_110 = tpu.memref_squeeze %dma_wait3A_109 : memref<1x128xi32, #tpu.memory_space<vmem>> -> memref<128xi32, #tpu.memory_space<vmem>>
      %dma_wait3A_111 = arith.constant 0 : i32
      %dma_wait3A_112 = arith.constant 0 : i32
      %dma_wait3A_113 = tpu.memref_slice %arg2[%dma_wait3A_111, %dma_wait3A_112] : memref<20480x128xf32, #tpu.memory_space<hbm>> -> memref<20480x128xf32, #tpu.memory_space<hbm>>
      tpu.wait_indirect_dma semaphore(%arg12 : memref<!tpu.dma_semaphore, #tpu.memory_space<semaphore_mem>>) src(%dma_wait3A_113 : memref<20480x128xf32, #tpu.memory_space<hbm>>) dst(%dma_wait3A_107 : memref<128x128xf32, #tpu.memory_space<vmem>>)
      %dma_start3A_114 = arith.constant 1 : i32
      %dma_start3A_115 = arith.constant 1 : i32
      %dma_start3A_116 = arith.constant 0 : i32
      %dma_start3A_117 = arith.constant 0 : i32
      %dma_start3A_118 = tpu.memref_slice %arg8[%dma_start3A_114, %dma_start3A_116, %dma_start3A_117] : memref<2x128x128xf32, #tpu.memory_space<vmem>> -> memref<1x128x128xf32, #tpu.memory_space<vmem>>
      %dma_start3A_119 = tpu.memref_squeeze %dma_start3A_118 : memref<1x128x128xf32, #tpu.memory_space<vmem>> -> memref<128x128xf32, #tpu.memory_space<vmem>>
      %dma_start3A_120 = arith.constant 0 : i32
      %dma_start3A_121 = tpu.memref_slice %arg7[%dma_start3A_115, %dma_start3A_120] : memref<8x128xi32, #tpu.memory_space<vmem>> -> memref<1x128xi32, #tpu.memory_space<vmem>>
      %dma_start3A_122 = tpu.memref_squeeze %dma_start3A_121 : memref<1x128xi32, #tpu.memory_space<vmem>> -> memref<128xi32, #tpu.memory_space<vmem>>
      %dma_start3A_123 = arith.constant 0 : i32
      %dma_start3A_124 = arith.constant 0 : i32
      %dma_start3A_125 = tpu.memref_slice %arg10[%dma_start3A_123, %dma_start3A_124] : memref<10240x128xf32, #tpu.memory_space<vmem_shared>> -> memref<10240x128xf32, #tpu.memory_space<vmem_shared>>
      tpu.enqueue_indirect_dma source(%dma_start3A_119 : memref<128x128xf32, #tpu.memory_space<vmem>>) target(%dma_start3A_125 : memref<10240x128xf32, #tpu.memory_space<vmem_shared>>) offsets(%dma_start3A_122 : memref<128xi32, #tpu.memory_space<vmem>>) semaphore(%arg14 : memref<!tpu.dma_semaphore, #tpu.memory_space<semaphore_mem>>) {add = true}
      %convert_element_type3A_126 = arith.extui %eq3A_0 : i1 to i32
      %cond3A_127 = arith.constant 0 : i32
      %cond3A_128 = arith.cmpi ne, %convert_element_type3A_126, %cond3A_127 : i32
      scf.if %cond3A_128 {
        %scan3A_153 = arith.constant 0 : i32
        %scan3A_154 = arith.constant 8 : i32
        %scan3A_155 = arith.addi %scan3A_153, %scan3A_154 : i32
        %scan3A_156 = arith.constant 1 : i32
        scf.for %scan3A_158 = %scan3A_153 to %scan3A_155 step %scan3A_156  : i32 {
          %mul3A_159 = arith.constant 16 : i32
          %mul3A_160 = arith.muli %scan3A_158, %mul3A_159 : i32
          %add3A_161 = arith.constant 0 : i32
          %add3A_162 = arith.addi %add3A_161, %mul3A_160 : i32
          %get3A = arith.constant 1 : i32
          %get3A_163 = arith.index_cast %get3A : i32 to index
          %get3A_164 = arith.index_cast %add3A_162 : i32 to index
          %get3A_165 = tpu.vector_load %arg7[%get3A_163, %get3A_164] {strides = array<i32>} : memref<8x128xi32, #tpu.memory_space<vmem>>, vector<16xi32>,
          tpu.vector_store_idx %arg9[%get3A_165], %broadcast_in_dim3A_4 {add = true} : memref<10240xf32, #tpu.memory_space<vmem>>[vector<16xi32>], vector<16xf32>,
        }
        %scan3A_157 = arith.constant 8 : i32
      } else {
      }
      %dma_wait3A_129 = arith.constant 0 : i32
      %dma_wait3A_130 = arith.constant 0 : i32
      %dma_wait3A_131 = arith.constant 0 : i32
      %dma_wait3A_132 = arith.constant 0 : i32
      %dma_wait3A_133 = tpu.memref_slice %arg8[%dma_wait3A_129, %dma_wait3A_131, %dma_wait3A_132] : memref<2x128x128xf32, #tpu.memory_space<vmem>> -> memref<1x128x128xf32, #tpu.memory_space<vmem>>
      %dma_wait3A_134 = tpu.memref_squeeze %dma_wait3A_133 : memref<1x128x128xf32, #tpu.memory_space<vmem>> -> memref<128x128xf32, #tpu.memory_space<vmem>>
      %dma_wait3A_135 = arith.constant 0 : i32
      %dma_wait3A_136 = tpu.memref_slice %arg7[%dma_wait3A_130, %dma_wait3A_135] : memref<8x128xi32, #tpu.memory_space<vmem>> -> memref<1x128xi32, #tpu.memory_space<vmem>>
      %dma_wait3A_137 = tpu.memref_squeeze %dma_wait3A_136 : memref<1x128xi32, #tpu.memory_space<vmem>> -> memref<128xi32, #tpu.memory_space<vmem>>
      %dma_wait3A_138 = arith.constant 0 : i32
      %dma_wait3A_139 = arith.constant 0 : i32
      %dma_wait3A_140 = tpu.memref_slice %arg10[%dma_wait3A_138, %dma_wait3A_139] : memref<10240x128xf32, #tpu.memory_space<vmem_shared>> -> memref<10240x128xf32, #tpu.memory_space<vmem_shared>>
      tpu.wait_indirect_dma semaphore(%arg13 : memref<!tpu.dma_semaphore, #tpu.memory_space<semaphore_mem>>) src(%dma_wait3A_134 : memref<128x128xf32, #tpu.memory_space<vmem>>) dst(%dma_wait3A_140 : memref<10240x128xf32, #tpu.memory_space<vmem_shared>>)
      %dma_wait3A_141 = arith.constant 1 : i32
      %dma_wait3A_142 = arith.constant 1 : i32
      %dma_wait3A_143 = arith.constant 0 : i32
      %dma_wait3A_144 = arith.constant 0 : i32
      %dma_wait3A_145 = tpu.memref_slice %arg8[%dma_wait3A_141, %dma_wait3A_143, %dma_wait3A_144] : memref<2x128x128xf32, #tpu.memory_space<vmem>> -> memref<1x128x128xf32, #tpu.memory_space<vmem>>
      %dma_wait3A_146 = tpu.memref_squeeze %dma_wait3A_145 : memref<1x128x128xf32, #tpu.memory_space<vmem>> -> memref<128x128xf32, #tpu.memory_space<vmem>>
      %dma_wait3A_147 = arith.constant 0 : i32
      %dma_wait3A_148 = tpu.memref_slice %arg7[%dma_wait3A_142, %dma_wait3A_147] : memref<8x128xi32, #tpu.memory_space<vmem>> -> memref<1x128xi32, #tpu.memory_space<vmem>>
      %dma_wait3A_149 = tpu.memref_squeeze %dma_wait3A_148 : memref<1x128xi32, #tpu.memory_space<vmem>> -> memref<128xi32, #tpu.memory_space<vmem>>
      %dma_wait3A_150 = arith.constant 0 : i32
      %dma_wait3A_151 = arith.constant 0 : i32
      %dma_wait3A_152 = tpu.memref_slice %arg10[%dma_wait3A_150, %dma_wait3A_151] : memref<10240x128xf32, #tpu.memory_space<vmem_shared>> -> memref<10240x128xf32, #tpu.memory_space<vmem_shared>>
      tpu.wait_indirect_dma semaphore(%arg14 : memref<!tpu.dma_semaphore, #tpu.memory_space<semaphore_mem>>) src(%dma_wait3A_146 : memref<128x128xf32, #tpu.memory_space<vmem>>) dst(%dma_wait3A_152 : memref<10240x128xf32, #tpu.memory_space<vmem_shared>>)
    } else {
    }
    %barrier3A_39 = arith.constant 0 : index
    tpu.barrier barrier_id(%barrier3A_39)
    %add3A = arith.addi %mul3A_1, %mul3A_15 : i32
    "tpu.region"() ({
      %run_scoped3A = tpu.sem_alloc : memref<!tpu.dma_semaphore, #tpu.memory_space<semaphore_mem>>
      %dma_start3A = arith.constant 0 : i32
      %dma_start3A_43 = tpu.memref_slice %arg4[%add3A, %dma_start3A] : memref<20480x128xf32, #tpu.memory_space<hbm>> -> memref<640x128xf32, #tpu.memory_space<hbm>>
      %dma_start3A_44 = arith.constant 0 : i32
      %dma_start3A_45 = tpu.memref_slice %arg10[%mul3A_15, %dma_start3A_44] : memref<10240x128xf32, #tpu.memory_space<vmem_shared>> -> memref<640x128xf32, #tpu.memory_space<vmem_shared>>
      tpu.enqueue_dma source(%dma_start3A_45 : memref<640x128xf32, #tpu.memory_space<vmem_shared>>) target(%dma_start3A_43 : memref<640x128xf32, #tpu.memory_space<hbm>>) target_semaphore(%run_scoped3A : memref<!tpu.dma_semaphore, #tpu.memory_space<semaphore_mem>>)
      %dma_wait3A = arith.constant 0 : i32
      %dma_wait3A_46 = tpu.memref_slice %arg4[%add3A, %dma_wait3A] : memref<20480x128xf32, #tpu.memory_space<hbm>> -> memref<640x128xf32, #tpu.memory_space<hbm>>
      %dma_wait3A_47 = arith.constant 0 : i32
      %dma_wait3A_48 = tpu.memref_slice %arg10[%mul3A_15, %dma_wait3A_47] : memref<10240x128xf32, #tpu.memory_space<vmem_shared>> -> memref<640x128xf32, #tpu.memory_space<vmem_shared>>
      tpu.wait_dma2 semaphore(%run_scoped3A : memref<!tpu.dma_semaphore, #tpu.memory_space<semaphore_mem>>) src(%dma_wait3A_48 : memref<640x128xf32, #tpu.memory_space<vmem_shared>>) dst(%dma_wait3A_46 : memref<640x128xf32, #tpu.memory_space<hbm>>)
      tpu.yield
    }) : () -> ()
    %convert_element_type3A_40 = arith.extui %eq3A_0 : i1 to i32
    %cond3A_41 = arith.constant 0 : i32
    %cond3A_42 = arith.cmpi ne, %convert_element_type3A_40, %cond3A_41 : i32
    scf.if %cond3A_42 {
      "tpu.region"() ({
        %run_scoped3A = tpu.sem_alloc : memref<!tpu.dma_semaphore, #tpu.memory_space<semaphore_mem>>
        %dma_start3A = arith.constant 0 : i32
        %dma_start3A_43 = tpu.memref_slice %arg5[%arg1, %dma_start3A] : memref<16x10240xf32, #tpu.memory_space<hbm>> -> memref<1x10240xf32, #tpu.memory_space<hbm>>
        %dma_start3A_44 = tpu.memref_squeeze %dma_start3A_43 : memref<1x10240xf32, #tpu.memory_space<hbm>> -> memref<10240xf32, #tpu.memory_space<hbm>>
        %dma_start3A_45 = arith.constant 0 : i32
        %dma_start3A_46 = tpu.memref_slice %arg5[%arg1, %dma_start3A_45] : memref<16x10240xf32, #tpu.memory_space<hbm>> -> memref<1x10240xf32, #tpu.memory_space<hbm>>
        %dma_start3A_47 = tpu.memref_squeeze %dma_start3A_46 : memref<1x10240xf32, #tpu.memory_space<hbm>> -> memref<10240xf32, #tpu.memory_space<hbm>>
        tpu.enqueue_dma source(%arg9 : memref<10240xf32, #tpu.memory_space<vmem>>) target(%dma_start3A_47 : memref<10240xf32, #tpu.memory_space<hbm>>) target_semaphore(%run_scoped3A : memref<!tpu.dma_semaphore, #tpu.memory_space<semaphore_mem>>)
        %dma_wait3A = arith.constant 0 : i32
        %dma_wait3A_48 = tpu.memref_slice %arg5[%arg1, %dma_wait3A] : memref<16x10240xf32, #tpu.memory_space<hbm>> -> memref<1x10240xf32, #tpu.memory_space<hbm>>
        %dma_wait3A_49 = tpu.memref_squeeze %dma_wait3A_48 : memref<1x10240xf32, #tpu.memory_space<hbm>> -> memref<10240xf32, #tpu.memory_space<hbm>>
        %dma_wait3A_50 = arith.constant 0 : i32
        %dma_wait3A_51 = tpu.memref_slice %arg5[%arg1, %dma_wait3A_50] : memref<16x10240xf32, #tpu.memory_space<hbm>> -> memref<1x10240xf32, #tpu.memory_space<hbm>>
        %dma_wait3A_52 = tpu.memref_squeeze %dma_wait3A_51 : memref<1x10240xf32, #tpu.memory_space<hbm>> -> memref<10240xf32, #tpu.memory_space<hbm>>
        tpu.wait_dma2 semaphore(%run_scoped3A : memref<!tpu.dma_semaphore, #tpu.memory_space<semaphore_mem>>) src(%arg9 : memref<10240xf32, #tpu.memory_space<vmem>>) dst(%dma_wait3A_52 : memref<10240xf32, #tpu.memory_space<hbm>>)
        tpu.yield
      }) : () -> ()
    } else {
    }
    return
  }
}

module attributes {stable_mosaic.version = 14 : i64} {
  func.func @_proj_body(%arg0: i32, %arg1: memref<2000x256xf32, #tpu.memory_space<vmem>>, %arg2: memref<256x256xf32, #tpu.memory_space<vmem>>, %arg3: memref<2x2000x128xf32, #tpu.memory_space<vmem>>) attributes {dimension_semantics = [#tpu.dimension_semantics<arbitrary>], iteration_bounds = array<i64: 5>, scalar_prefetch = 0 : i64, scratch_operands = 0 : i64, tpu.core_type = #tpu.core_type<tc>, window_params = [{transform_indices = @transform_0, window_bounds = array<i64: 2000, 256>}, {pipeline_mode = #tpu.pipeline_mode<synchronous>, transform_indices = @transform_1, window_bounds = array<i64: 256, 256>}, {transform_indices = @transform_2, window_bounds = array<i64: 2, 2000, 128>}]} {
    %get3A = arith.constant 0 : index
    %get3A_0 = arith.constant 0 : index
    %get3A_1 = vector.load %arg1[%get3A, %get3A_0] : memref<2000x256xf32, #tpu.memory_space<vmem>>, vector<2000x256xf32>
    %get3A_2 = arith.constant 0 : index
    %get3A_3 = arith.constant 0 : index
    %get3A_4 = vector.load %arg2[%get3A_2, %get3A_3] : memref<256x256xf32, #tpu.memory_space<vmem>>, vector<256x256xf32>
    %slice3A = vector.extract_strided_slice %get3A_4 {offsets = [0, 0], sizes = [128, 256], strides = [1, 1]} : vector<256x256xf32> to vector<128x256xf32>
    %dot_general3A = arith.constant dense<0.000000e+00> : vector<2000x128xf32>
    %dot_general3A_5 = tpu.matmul %get3A_1, %slice3A, %dot_general3A {dimension_numbers = #tpu.dot_dimension_numbers<[1], [1], [0], [0], [0, 0, 1, 0], [], []>, transpose_lhs_hint = false} : vector<2000x256xf32>, vector<128x256xf32>, vector<2000x128xf32> -> vector<2000x128xf32>
    %swap3A = arith.constant 0 : index
    %swap3A_6 = arith.constant 0 : index
    %swap3A_7 = arith.constant 0 : index
    %swap3A_8 = vector.load %arg3[%swap3A, %swap3A_6, %swap3A_7] : memref<2x2000x128xf32, #tpu.memory_space<vmem>>, vector<1x2000x128xf32>
    %swap3A_9 = vector.shape_cast %swap3A_8 : vector<1x2000x128xf32> to vector<2000x128xf32>
    %swap3A_10 = vector.shape_cast %dot_general3A_5 : vector<2000x128xf32> to vector<1x2000x128xf32>
    tpu.vector_store %arg3[%swap3A, %swap3A_6, %swap3A_7], %swap3A_10 {strides = array<i32>} : memref<2x2000x128xf32, #tpu.memory_space<vmem>>, vector<1x2000x128xf32>,
    %slice3A_11 = vector.extract_strided_slice %get3A_4 {offsets = [128, 0], sizes = [128, 256], strides = [1, 1]} : vector<256x256xf32> to vector<128x256xf32>
    %dot_general3A_12 = arith.constant dense<0.000000e+00> : vector<2000x128xf32>
    %dot_general3A_13 = tpu.matmul %get3A_1, %slice3A_11, %dot_general3A_12 {dimension_numbers = #tpu.dot_dimension_numbers<[1], [1], [0], [0], [0, 0, 1, 0], [], []>, transpose_lhs_hint = false} : vector<2000x256xf32>, vector<128x256xf32>, vector<2000x128xf32> -> vector<2000x128xf32>
    %swap3A_14 = arith.constant 1 : index
    %swap3A_15 = arith.constant 0 : index
    %swap3A_16 = arith.constant 0 : index
    %swap3A_17 = vector.load %arg3[%swap3A_14, %swap3A_15, %swap3A_16] : memref<2x2000x128xf32, #tpu.memory_space<vmem>>, vector<1x2000x128xf32>
    %swap3A_18 = vector.shape_cast %swap3A_17 : vector<1x2000x128xf32> to vector<2000x128xf32>
    %swap3A_19 = vector.shape_cast %dot_general3A_13 : vector<2000x128xf32> to vector<1x2000x128xf32>
    tpu.vector_store %arg3[%swap3A_14, %swap3A_15, %swap3A_16], %swap3A_19 {strides = array<i32>} : memref<2x2000x128xf32, #tpu.memory_space<vmem>>, vector<1x2000x128xf32>,
    return
  }
  func.func @transform_0(%arg0: i32) -> (i32, i32) {
    %c0_i32 = arith.constant 0 : i32
    %c0_i32_0 = arith.constant 0 : i32
    return %arg0, %c0_i32 : i32, i32
  }
  func.func @transform_1(%arg0: i32) -> (i32, i32) {
    %c0_i32 = arith.constant 0 : i32
    %c0_i32_0 = arith.constant 0 : i32
    %c0_i32_1 = arith.constant 0 : i32
    return %c0_i32, %c0_i32_0 : i32, i32
  }
  func.func @transform_2(%arg0: i32) -> (i32, i32, i32) {
    %c0_i32 = arith.constant 0 : i32
    %c0_i32_0 = arith.constant 0 : i32
    %c0_i32_1 = arith.constant 0 : i32
    return %c0_i32, %arg0, %c0_i32_0 : i32, i32, i32
  }
}

module attributes {stable_mosaic.version = 14 : i64} {
  func.func @_lin_body(%arg0: i32, %arg1: memref<2000x256xf32, #tpu.memory_space<vmem>>, %arg2: memref<256x256xf32, #tpu.memory_space<vmem>>, %arg3: memref<1x256xf32, #tpu.memory_space<vmem>>, %arg4: memref<2000x256xf32, #tpu.memory_space<vmem>>) attributes {dimension_semantics = [#tpu.dimension_semantics<arbitrary>], iteration_bounds = array<i64: 5>, scalar_prefetch = 0 : i64, scratch_operands = 0 : i64, tpu.core_type = #tpu.core_type<tc>, window_params = [{transform_indices = @transform_0, window_bounds = array<i64: 2000, 256>}, {pipeline_mode = #tpu.pipeline_mode<synchronous>, transform_indices = @transform_1, window_bounds = array<i64: 256, 256>}, {pipeline_mode = #tpu.pipeline_mode<synchronous>, transform_indices = @transform_2, window_bounds = array<i64: 1, 256>}, {transform_indices = @transform_3, window_bounds = array<i64: 2000, 256>}]} {
    %get3A = arith.constant 0 : index
    %get3A_0 = arith.constant 0 : index
    %get3A_1 = vector.load %arg1[%get3A, %get3A_0] : memref<2000x256xf32, #tpu.memory_space<vmem>>, vector<2000x256xf32>
    %get3A_2 = arith.constant 0 : index
    %get3A_3 = arith.constant 0 : index
    %get3A_4 = vector.load %arg2[%get3A_2, %get3A_3] : memref<256x256xf32, #tpu.memory_space<vmem>>, vector<256x256xf32>
    %dot_general3A = arith.constant dense<0.000000e+00> : vector<2000x256xf32>
    %dot_general3A_5 = tpu.matmul %get3A_1, %get3A_4, %dot_general3A {dimension_numbers = #tpu.dot_dimension_numbers<[1], [1], [0], [0], [0, 0, 1, 0], [], []>, transpose_lhs_hint = false} : vector<2000x256xf32>, vector<256x256xf32>, vector<2000x256xf32> -> vector<2000x256xf32>
    %get3A_6 = arith.constant 0 : index
    %get3A_7 = arith.constant 0 : index
    %get3A_8 = vector.load %arg3[%get3A_6, %get3A_7] : memref<1x256xf32, #tpu.memory_space<vmem>>, vector<1x256xf32>
    %add3A = vector.broadcast %get3A_8 : vector<1x256xf32> to vector<2000x256xf32>
    %add3A_9 = arith.addf %dot_general3A_5, %add3A : vector<2000x256xf32>
    %swap3A = arith.constant 0 : index
    %swap3A_10 = arith.constant 0 : index
    %swap3A_11 = vector.load %arg4[%swap3A, %swap3A_10] : memref<2000x256xf32, #tpu.memory_space<vmem>>, vector<2000x256xf32>
    tpu.vector_store %arg4[%swap3A, %swap3A_10], %add3A_9 {strides = array<i32>} : memref<2000x256xf32, #tpu.memory_space<vmem>>, vector<2000x256xf32>,
    return
  }
  func.func @transform_0(%arg0: i32) -> (i32, i32) {
    %c0_i32 = arith.constant 0 : i32
    %c0_i32_0 = arith.constant 0 : i32
    return %arg0, %c0_i32 : i32, i32
  }
  func.func @transform_1(%arg0: i32) -> (i32, i32) {
    %c0_i32 = arith.constant 0 : i32
    %c0_i32_0 = arith.constant 0 : i32
    %c0_i32_1 = arith.constant 0 : i32
    return %c0_i32, %c0_i32_0 : i32, i32
  }
  func.func @transform_2(%arg0: i32) -> (i32, i32) {
    %c0_i32 = arith.constant 0 : i32
    %c0_i32_0 = arith.constant 0 : i32
    %c0_i32_1 = arith.constant 0 : i32
    return %c0_i32, %c0_i32_0 : i32, i32
  }
  func.func @transform_3(%arg0: i32) -> (i32, i32) {
    %c0_i32 = arith.constant 0 : i32
    %c0_i32_0 = arith.constant 0 : i32
    return %arg0, %c0_i32 : i32, i32
  }
}

module attributes {stable_mosaic.version = 14 : i64} {
  func.func @_combine_body(%arg0: i32, %arg1: memref<2000x256xf32, #tpu.memory_space<vmem>>, %arg2: memref<1x2000x128xf32, #tpu.memory_space<vmem>>, %arg3: memref<1x2000x128xf32, #tpu.memory_space<vmem>>, %arg4: memref<1x16x2000xf32, #tpu.memory_space<vmem>>, %arg5: memref<2000x256xf32, #tpu.memory_space<vmem>>) attributes {dimension_semantics = [#tpu.dimension_semantics<arbitrary>], iteration_bounds = array<i64: 5>, scalar_prefetch = 0 : i64, scratch_operands = 0 : i64, tpu.core_type = #tpu.core_type<tc>, window_params = [{transform_indices = @transform_0, window_bounds = array<i64: 2000, 256>}, {transform_indices = @transform_1, window_bounds = array<i64: 1, 2000, 128>}, {transform_indices = @transform_2, window_bounds = array<i64: 1, 2000, 128>}, {transform_indices = @transform_3, window_bounds = array<i64: 1, 16, 2000>}, {transform_indices = @transform_4, window_bounds = array<i64: 2000, 256>}]} {
    %get3A = arith.constant 0 : index
    %get3A_0 = arith.constant 0 : index
    %get3A_1 = vector.load %arg1[%get3A, %get3A_0] : memref<2000x256xf32, #tpu.memory_space<vmem>>, vector<2000x256xf32>
    %get3A_2 = arith.constant 0 : index
    %get3A_3 = arith.constant 0 : index
    %get3A_4 = arith.constant 0 : index
    %get3A_5 = vector.load %arg4[%get3A_2, %get3A_3, %get3A_4] : memref<1x16x2000xf32, #tpu.memory_space<vmem>>, vector<1x16x2000xf32>
    %get3A_6 = vector.shape_cast %get3A_5 : vector<1x16x2000xf32> to vector<16x2000xf32>
    %reduce_sum3A = arith.constant dense<0.000000e+00> : vector<2000xf32>
    %reduce_sum3A_7 = vector.multi_reduction <add>, %get3A_6, %reduce_sum3A [0] : vector<16x2000xf32> to vector<2000xf32>
    %broadcast_in_dim3A = vector.shape_cast %reduce_sum3A_7 : vector<2000xf32> to vector<2000x1xf32>
    %max3A = arith.constant 1.000000e+00 : f32
    %max3A_8 = vector.broadcast %max3A : f32 to vector<2000x1xf32>
    %max3A_9 = arith.maximumf %broadcast_in_dim3A, %max3A_8 : vector<2000x1xf32>
    %div3A = arith.constant 1.000000e+00 : f32
    %div3A_10 = vector.broadcast %div3A : f32 to vector<2000x1xf32>
    %div3A_11 = arith.divf %div3A_10, %max3A_9 : vector<2000x1xf32>
    %get3A_12 = arith.constant 0 : index
    %get3A_13 = arith.constant 0 : index
    %get3A_14 = arith.constant 0 : index
    %get3A_15 = vector.load %arg2[%get3A_12, %get3A_13, %get3A_14] : memref<1x2000x128xf32, #tpu.memory_space<vmem>>, vector<1x2000x128xf32>
    %get3A_16 = vector.shape_cast %get3A_15 : vector<1x2000x128xf32> to vector<2000x128xf32>
    %get3A_17 = arith.constant 0 : index
    %get3A_18 = arith.constant 0 : index
    %get3A_19 = arith.constant 0 : index
    %get3A_20 = vector.load %arg3[%get3A_17, %get3A_18, %get3A_19] : memref<1x2000x128xf32, #tpu.memory_space<vmem>>, vector<1x2000x128xf32>
    %get3A_21 = vector.shape_cast %get3A_20 : vector<1x2000x128xf32> to vector<2000x128xf32>
    %concatenate3A = tpu.concatenate %get3A_16, %get3A_21 in 1 : vector<2000x128xf32>, vector<2000x128xf32> -> vector<2000x256xf32>
    %mul3A = vector.broadcast %div3A_11 : vector<2000x1xf32> to vector<2000x256xf32>
    %mul3A_22 = arith.mulf %concatenate3A, %mul3A : vector<2000x256xf32>
    %add3A = arith.addf %get3A_1, %mul3A_22 : vector<2000x256xf32>
    %mul3A_23 = arith.mulf %add3A, %add3A : vector<2000x256xf32>
    %reduce_sum3A_24 = arith.constant dense<0.000000e+00> : vector<2000xf32>
    %reduce_sum3A_25 = vector.multi_reduction <add>, %mul3A_23, %reduce_sum3A_24 [1] : vector<2000x256xf32> to vector<2000xf32>
    %broadcast_in_dim3A_26 = vector.shape_cast %reduce_sum3A_25 : vector<2000xf32> to vector<2000x1xf32>
    %sqrt3A = math.sqrt %broadcast_in_dim3A_26 : vector<2000x1xf32>
    %max3A_27 = arith.constant 9.99999996E-13 : f32
    %max3A_28 = vector.broadcast %max3A_27 : f32 to vector<2000x1xf32>
    %max3A_29 = arith.maximumf %sqrt3A, %max3A_28 : vector<2000x1xf32>
    %div3A_30 = vector.broadcast %max3A_29 : vector<2000x1xf32> to vector<2000x256xf32>
    %div3A_31 = arith.divf %add3A, %div3A_30 : vector<2000x256xf32>
    %swap3A = arith.constant 0 : index
    %swap3A_32 = arith.constant 0 : index
    %swap3A_33 = vector.load %arg5[%swap3A, %swap3A_32] : memref<2000x256xf32, #tpu.memory_space<vmem>>, vector<2000x256xf32>
    tpu.vector_store %arg5[%swap3A, %swap3A_32], %div3A_31 {strides = array<i32>} : memref<2000x256xf32, #tpu.memory_space<vmem>>, vector<2000x256xf32>,
    return
  }
  func.func @transform_0(%arg0: i32) -> (i32, i32) {
    %c0_i32 = arith.constant 0 : i32
    %c0_i32_0 = arith.constant 0 : i32
    return %arg0, %c0_i32 : i32, i32
  }
  func.func @transform_1(%arg0: i32) -> (i32, i32, i32) {
    %c0_i32 = arith.constant 0 : i32
    %c0_i32_0 = arith.constant 0 : i32
    %c0_i32_1 = arith.constant 0 : i32
    return %c0_i32, %arg0, %c0_i32_0 : i32, i32, i32
  }
  func.func @transform_2(%arg0: i32) -> (i32, i32, i32) {
    %c1_i32 = arith.constant 1 : i32
    %c0_i32 = arith.constant 0 : i32
    %c0_i32_0 = arith.constant 0 : i32
    return %c1_i32, %arg0, %c0_i32 : i32, i32, i32
  }
  func.func @transform_3(%arg0: i32) -> (i32, i32, i32) {
    %c0_i32 = arith.constant 0 : i32
    %c0_i32_0 = arith.constant 0 : i32
    %c0_i32_1 = arith.constant 0 : i32
    return %arg0, %c0_i32, %c0_i32_0 : i32, i32, i32
  }
  func.func @transform_4(%arg0: i32) -> (i32, i32) {
    %c0_i32 = arith.constant 0 : i32
    %c0_i32_0 = arith.constant 0 : i32
    return %arg0, %c0_i32 : i32, i32
  }
}

</mosaic_0001>

<sc_bundles>
// kernel: kernel.6.cloned.1.call-start
scs
__scs_entry_jumppad:
0x0: {  	(pc) =	sbr.rel $0x88, $3  }
0x1: {  	(tag) =	ssettag $0x0;
	lr =	simm.s32 $0x1  }
0x2: {  	[smem:$0x3F9C] =	sst lr;
	_ =	strace $0xD0000000  }
0x3: {  	_ = 	snop  }
0x4: {  	_ = 	snop  }
0x5: {  	_ = 	snop  }
0x6: {  	_ = 	snop  }
0x7: {  	_ = 	snop  }
__scs_overlays_trampoline_lowered:
0x8: {  	[smem:$0x3FAB] =	sst s0  }
0x9: {  	[smem:$0x3FAC] =	sst s1  }
0xa: {  	[smem:$0x3FAD] =	sst s2  }
0xb: {  	[smem:$0x3FAE] =	sst s3  }
0xc: {  	[smem:$0x3FAF] =	sst s4  }
0xd: {  	[smem:$0x3FB0] =	sst s5  }
0xe: {  	[smem:$0x3FB1] =	sst s6  }
0xf: {  	[smem:$0x3FB2] =	sst s7  }
0x10: {  	[smem:$0x3FB3] =	sst s8  }
0x11: {  	[smem:$0x3FB4] =	sst s9;
	s0 =	simm.s32 @!p0 $0x0  }
0x12: {  	s1 =	sld [smem:$0x3F9A];
	s0 =	simm.s32 @p0 $0x1  }
0x13: {  	[smem:$0x3FB5] =	sst s0;
	s0 =	simm.s32 @!p1 $0x0  }
0x14: {  	s2 =	sld [smem:$0x3F99];
	s0 =	simm.s32 @p1 $0x1  }
0x15: {  	[smem:$0x3FB6] =	sst s0;
	s0 =	simm.s32 @!p2 $0x0  }
0x16: {  	s3 =	sld [smem:$0x3FDB];
	s0 =	simm.s32 @p2 $0x1  }
0x17: {  	s4 =	simm.s32 $0x1BF5;
	[smem:$0x3FB8] =	sst s0  }
0x18: {  	s0 =	sld [smem:$0x3F9B];
	_ =	swait.ge [sflag:s4], $0x0  }
0x19: {  	s7 =	sld [smem:$0x3F9C]  }
0x1a: {  	s8 =	sadd.s32 $0xFFFFE003, lr  }
0x1b: {  	s9 =	sadd.s32 $0xFFFFFEF7, lr;
	s5 =	simm.s32 $0xFFFFFFFF;
	p2 =	slt.u32 s8, $0xFFFFF086  }
0x1c: {  	p1 =	slt.u32 s9, $0xF7A;
	s5 =	simm.s32 @!p2 $0x0  }
0x1d: {  	s5 =	simm.s32 @p1 $0x1;
	p0 =	seq.s32 s7, s2  }
0x1e: {  	s7 =	smul.u32 @!p0 $0xF7A, s2;
	p2 =	seq.s32 @!p0 s5, $0x0  }
0x1f: {  	s9 =	smul.u32 $0xF7A, s1;
	s8 =	simm.s32 @!p0 $0x1BF5;
	p2 =	por !p2, p0  }
0x20: {  	[sflag:s8] =	ssyncset.s32 @!p0 $0xFFFFF086;
	s6 =	sadd.s32 @!p0 s3, s7;
	s7 =	simm.s32 @!p0 $0x108  }
0x21: {  	s3 =	sadd.s32 s3, s9;
	s6 =	sadd.s32 @!p0 $0x88, s6;
	s7 =	simm.s32 @p2 $0x1082  }
0x22: {  	[simem:s7], [sflag:s8] =	dma.local @!p0 [hbm:s6], $0xF7A  }
0x23: {  	s9 =	sor.u32 $0xD0000000, s2;
	s6 =	simm.s32 $0x108;
	_ =	swait.ge @!p0 [sflag:s8], $0x0  }
0x24: {  	s3 =	sadd.s32 $0x88, s3;
	s6 =	simm.s32 @!p1 $0x1082;
	[sflag:s4] =	ssyncset.s32 $0xFFFFF086  }
0x25: {  	[simem:s6], [sflag:s4] =	dma.local [hbm:s3], $0xF7A  }
0x26: {  	[smem:$0x3F9C] =	sst s1;
	(tag) =	ssettag s2;
	_ =	strace s9  }
0x27: {  	s1 =	sld [smem:$0x3FAC]  }
0x28: {  	s2 =	sld [smem:$0x3FAD]  }
0x29: {  	s4 =	sld [smem:$0x3FAF]  }
0x2a: {  	p0 =	seq.s32 s5, $0x0;
	s5 =	sld [smem:$0x3FB0]  }
0x2b: {  	s6 =	sld [smem:$0x3FB1]  }
0x2c: {  	s7 =	sld [smem:$0x3FB2]  }
0x2d: {  	s3 =	simm.s32 $0x108;
	s8 =	sld [smem:$0x3FB3]  }
0x2e: {  	s3 =	simm.s32 @!p0 $0x1082;
	s9 =	sld [smem:$0x3FB4]  }
0x2f: {  	lr =	sadd.s32 s0, s3;
	s0 =	sld [smem:$0x3FAB]  }
0x30: {  	s3 =	sld [smem:$0x3FAE]  }
0x31: {  	[smem:$0x3FB7] =	sst s10  }
0x32: {  	s10 =	sld [smem:$0x3FB5];
	_ =	sdelay $0x3  }
0x33: {  	p0 =	seq.s32 s10, $0x1;
	s10 =	sld [smem:$0x3FB7];
	_ =	sdelay $0x3  }
0x34: {  	[smem:$0x3FB7] =	sst s10  }
0x35: {  	s10 =	sld [smem:$0x3FB6];
	_ =	sdelay $0x3  }
0x36: {  	p1 =	seq.s32 s10, $0x1;
	s10 =	sld [smem:$0x3FB7];
	_ =	sdelay $0x3  }
0x37: {  	[smem:$0x3FB7] =	sst s10  }
0x38: {  	s10 =	sld [smem:$0x3FB8]  }
0x39: {  	_ = 	snop;
	(pc) =	sbr.ind lr, $3  }
0x3a: {  	_ = 	snop  }
0x3b: {  	_ = 	snop  }
0x3c: {  	p2 =	seq.s32 s10, $0x1;
	s10 =	sld [smem:$0x3FB7]  }
0x3d: {  	_ =	shalt  }
0x3e: {  	_ =	shalt  }
0x3f: {  	_ =	shalt  }
0x40: {  	_ =	shalt  }
0x41: {  	_ =	shalt  }
0x42: {  	_ =	shalt  }
0x43: {  	_ =	shalt  }
0x44: {  	_ =	shalt  }
0x45: {  	_ =	shalt  }
0x46: {  	_ =	shalt  }
0x47: {  	_ =	shalt  }
0x48: {  	_ =	shalt  }
0x49: {  	_ =	shalt  }
0x4a: {  	_ =	shalt  }
0x4b: {  	_ =	shalt  }
0x4c: {  	_ =	shalt  }
0x4d: {  	_ =	shalt  }
0x4e: {  	_ =	shalt  }
0x4f: {  	_ =	shalt  }
0x50: {  	_ =	shalt  }
0x51: {  	_ =	shalt  }
0x52: {  	_ =	shalt  }
0x53: {  	_ =	shalt  }
0x54: {  	_ =	shalt  }
0x55: {  	_ =	shalt  }
0x56: {  	_ =	shalt  }
0x57: {  	_ =	shalt  }
0x58: {  	_ =	shalt  }
0x59: {  	_ =	shalt  }
0x5a: {  	_ =	shalt  }
0x5b: {  	_ =	shalt  }
0x5c: {  	_ =	shalt  }
0x5d: {  	_ =	shalt  }
0x5e: {  	_ =	shalt  }
0x5f: {  	_ =	shalt  }
0x60: {  	_ =	shalt  }
0x61: {  	_ =	shalt  }
0x62: {  	_ =	shalt  }
0x63: {  	_ =	shalt  }
0x64: {  	_ =	shalt  }
0x65: {  	_ =	shalt  }
0x66: {  	_ =	shalt  }
0x67: {  	_ =	shalt  }
0x68: {  	_ =	shalt  }
0x69: {  	_ =	shalt  }
0x6a: {  	_ =	shalt  }
0x6b: {  	_ =	shalt  }
0x6c: {  	_ =	shalt  }
0x6d: {  	_ =	shalt  }
0x6e: {  	_ =	shalt  }
0x6f: {  	_ =	shalt  }
0x70: {  	_ =	shalt  }
0x71: {  	_ =	shalt  }
0x72: {  	_ =	shalt  }
0x73: {  	_ =	shalt  }
0x74: {  	_ =	shalt  }
0x75: {  	_ =	shalt  }
0x76: {  	_ =	shalt  }
0x77: {  	_ =	shalt  }
0x78: {  	_ =	shalt  }
0x79: {  	_ =	shalt  }
0x7a: {  	_ =	shalt  }
0x7b: {  	_ =	shalt  }
0x7c: {  	_ =	shalt  }
0x7d: {  	_ =	shalt  }
0x7e: {  	_ =	shalt  }
0x7f: {  	_ =	shalt  }
0x80: {  	_ =	shalt  }
0x81: {  	_ =	shalt  }
0x82: {  	_ =	shalt  }
0x83: {  	_ =	shalt  }
0x84: {  	_ =	shalt  }
0x85: {  	_ =	shalt  }
0x86: {  	_ =	shalt  }
0x87: {  	_ =	shalt  }
.Lfunc_end0:
.L_simem_size_0:
called_computation_lowered:
.L_overlay_start_0:
0x88: {  	s2 =	sld [smem:$0x3FD9]  }
0x89: {  	s3 =	sld [smem:$0x3FFE];
	_ =	sdelay $0x1  }
0x8a: {  	s1 =	srdreg.scid  }
0x8b: {  	s0 =	sand.u32 $0x1, s1  }
0x8c: {  	s16 =	sshll.u32 s0, $0xA;
	s2 =	sadd.s32 s3, s2  }
0x8d: {  	s2 =	sadd.s32 s2, s16  }
0x8e: {  	[smem:$0x3FC3] =	sst s2  }
0x8f: {  	_ = 	snop  }
0x90: {  	(tm) =	ssettm $0x1  }
0x91: {  	s17 =	sld [smem:$0x3FFB];
	_ =	sdelay $0x3  }
0x92: {  	_ =	strace s17  }
0x93: {  	s2 =	sld [smem:$0x3FFC];
	_ =	sdelay $0x3  }
0x94: {  	_ =	strace s2  }
0x95: {  	s2 =	sld [smem:$0x3FFD];
	_ =	sdelay $0x3  }
0x96: {  	_ =	strace s2  }
0x97: {  	_ =	strace $0x8FFFFFFF  }
0x98: {  	s18 =	sld [smem:$0x3FDB];
	_ =	sdelay $0x1  }
0x99: {  	s19 =	simm.s32 $_scs_section_size  }
0x9a: {  	s4 =	simm.s32 $_size__tile_overlayer_lowered;
	s5 =	simm.s32 $_tile_overlayer_lowered  }
0x9b: {  	s22 =	simm.s32 $0x1BFF;
	s21 =	sshll.u32 s5, $0x1;
	s2 =	sadd.s32 s19, s18  }
0x9c: {  	s6 =	simm.s32 $0x0;
	s20 =	sshll.u32 s4, $0x1;
	s4 =	sadd.s32 s21, s2  }
0x9d: {  	[timem:s6], [sflag:s22] =	dma.local [hbm:s4], s20  }
0x9e: {  	_ =	swait.ge [sflag:s22], s20  }
0x9f: {  	s3 =	ssub.s32 $0x0, s20;
	[sflag:s22] =	ssyncset.done $0x0  }
0xa0: {  	[sflag:s22] =	ssyncadd.s32 s3;
	_ =	sdelay $0x1  }
0xa1: {  	s23 =	simm.s32 $0x1B8B  }
0xa2: {  	_ =	swait.ge [sflag:s23], $0x1  }
0xa3: {  	[sflag:s23] =	ssyncset.done $0x0  }
0xa4: {  	s25 =	simm.s32 $0x1B8E;
	s24 =	sld [smem:$0x3FFE];
	[sflag:s23] =	ssyncadd.s32 $0xFFFFFFFF  }
0xa5: {  	s26 =	simm.s32 $execute0_lowered;
	[smem:$0x3FD2] =	sst s25  }
0xa6: {  	s4 =	sshll.u32 s26, $0x1;
	_ =	strace $0x80000046;
	[dreg:$0x1] =	wrdreg $0xFFFFFFFF  }
0xa7: {  	s28 =	simm.s32 $_size_execute0_lowered;
	s2 =	sadd.s32 s2, s4;
	[dreg:$0x0] =	wrdreg $0x0  }
0xa8: {  	s4 =	sshll.u32 s28, $0x1;
	[dreg:$0x2] =	wrdreg s2  }
0xa9: {  	[dreg:$0x3] =	wrdreg s4  }
0xaa: {  	[dreg:$0x4] =	wrdreg $0xC0  }
0xab: {  	_ =	task [dreg:s6], $0x5FFFF  }
0xac: {  	[dreg:$0x1] =	wrdreg $0xFFFFFFFF  }
0xad: {  	[dreg:$0x0] =	wrdreg $0x60  }
0xae: {  	[dreg:$0x2] =	wrdreg s24  }
0xaf: {  	[dreg:$0x3] =	wrdreg $0xB0000  }
0xb0: {  	[dreg:$0x4] =	wrdreg $0x9  }
0xb1: {  	_ =	task.clear_ibuf [dreg:s6], $0x5FFFF;
	_ =	strace $0x90000046  }
0xb2: {  	s29 =	simm.s32 $0x9;
	_ =	strace $0x80000048  }
0xb3: {  	_ =	swait.ge [sflag:s29], $0x1  }
0xb4: {  	[sflag:s29] =	ssyncadd.s32 $0xFFFFFFFF  }
0xb5: {  	_ =	strace $0x90000048  }
0xb6: {  	_ =	sfence  }
0xb7: {  	s30 =	sld [smem:$0x0];
	_ =	sdelay $0x2  }
0xb8: {  	s31 =	sshll.u32 s1, $0xD;
	s1 =	sshrl.u32 s1, $0x2  }
0xb9: {  	s3 =	sand.u32 $0x4000, s31;
	s1 =	sadd.s32 s1, s30  }
0xba: {  	s0 =	sor.u32 s3, s0;
	s1 =	sshll.u32 s1, $0x11  }
0xbb: {  	s0 =	sor.u32 s1, s0  }
0xbc: {  	s0 =	sadd.s32 $0x8F2B, s0  }
0xbd: {  	[sflag:s0] =	ssyncadd.remote.s32 $0x1  }
0xbe: {  	_ =	sfence.sel $0xFFFF  }
0xbf: {  	[dreg:$0x0] =	wrdreg $0xFFFFFFFF;
	(pc) =	sbr.abs _section_cstart, $3  }
0xc0: {  	[dreg:$0x1] =	wrdreg $0xFFFFFFFF  }
0xc1: {  	_ =	task.clear_ibuf [dreg:s6], $0x2FFFF;
	_ =	strace $0x9FFFFFFF  }
0xc2: {  	(tm) =	ssettm $0x7FFFFFFF  }
0xc3: {  	_ =	shalt  }
tec
execute0_lowered:
.L_overlay_start_1:
0x0: {  	(tag) =	ssettag $0x1  }
0x1: {  	s3 =	rddreg [dreg:$0x0]  }
0x2: {  	s1 =	rddreg [dreg:$0x1];
	s2 =	simm.s32 $0x0  }
0x3: {  	s0 =	srdreg.scid;
	s14 =	stileid.u32;
	s21 =	simm.s32 $0x100  }
0x4: {  	s23 =	simm.s32 $0x180;
	s24 =	simm.s32 $0x500;
	s25 =	simm.s32 $0x200  }
0x5: {  	s28 =	simm.s32 $0x0;
	[smem:$0x7FF] =	sst s2;
	s9 =	sand.u32 $0x1, s0  }
0x6: {  	s6 =	smul.u32 $0x280, s14;
	s7 =	sshrl.u32 s14, $0x3;
	s4 =	sadd.s32 $0xC200, s3  }
0x7: {  	s5 =	sshll.u32 s14, $0x7;
	s10 =	sadd.s32 $0x2400, s3;
	s26 =	smul.u32 $0x50000, s14  }
0x8: {  	s0 =	smul.u32 $0x2800, s9;
	_ =	strace $0x80000047;
	[dreg:$0x4] =	wrdreg s21  }
0x9: {  	p1 =	sgt.u32 s14, $0xB;
	s7 =	smul.u32 $0x14000, s7;
	[dreg:$0x5] =	wrdreg s23  }
0xa: {  	s8 =	sand.u32 $0x380, s5;
	s30 =	ssub.s32 $0x2, s9;
	[dreg:$0x6] =	wrdreg s24  }
0xb: {  	s19 =	sadd.s32 s5, s10;
	p0 =	sne.s32 s9, $0x0;
	[dreg:$0x7] =	wrdreg s25  }
0xc: {  	s21 =	simm.s32 $0x80;
	s23 =	simm.s32 $0x1;
	p3 =	sne.s32 @!p1 s9, $0x0  }
0xd: {  	s31 =	sshrl.u32 s30, $0x1;
	[dreg:$0x3] =	wrdreg s19;
	s6 =	sadd.s32 s6, s0  }
0xe: {  	s7 =	sor.u32 s8, s7;
	s8 =	sshrl.u32 s26, $0x2;
	s13 =	ssub.s32 s30, s31  }
0xf: {  	s26 =	simm.s32 $0x280;
	s30 =	simm.s32 $0x300;
	s31 =	simm.s32 $0x380  }
0x10: {  	s6 =	sshll.u32 s6, $0x4;
	s29 =	sshrl.u32 s7, $0x3;
	[dreg:$0x8] =	wrdreg s26  }
0x11: {  	s7 =	sor.u32 $0x4800, s5;
	s16 =	smax.u32 s13, $0x1;
	[dreg:$0xa] =	wrdreg s30  }
0x12: {  	[dreg:$0xb] =	wrdreg s31;
	s11 =	sadd.s32 s6, s3;
	s12 =	sadd.s32 s29, s3  }
0x13: {  	s6 =	sadd.s32 s8, s1;
	s15 =	sadd.s32 s10, s7;
	[dreg:$0x10] =	wrdreg s16  }
0x14: {  	s8 =	sadd.s32 $0x7280, s3;
	s3 =	sadd.s32 $0x7200, s3;
	[dreg:$0xc] =	wrdreg s15  }
0x15: {  	s24 =	simm.s32 $0x3;
	s29 =	simm.s32 $0x600;
	[dreg:$0xd] =	wrdreg s3  }
0x16: {  	p4 =	sne.s32 @!p1 s14, $0x0;
	s11 =	sadd.s32 $0x61200, s11;
	[dreg:$0x9] =	wrdreg s29  }
0x17: {  	s25 =	simm.s32 $0x4;
	s15 =	sadd.s32 $0x5C200, s12;
	[dreg:$0xe] =	wrdreg s11  }
0x18: {  	s19 =	simm.s32 $0x5;
	s17 =	sadd.s32 $0x4000, s6;
	[dreg:$0xf] =	wrdreg s15  }
.Ltmp0:
0x19: {  	s18 =	sadd.s32 $0x8000, s6;
	[dreg:$0x11] =	wrdreg s17;
	(pc) =	sbr.rel .LBB2_1-.Ltmp0, $4  }
0x1a: {  	p2 =	por !p3, p1;
	s20 =	sadd.s32 $0xC000, s6;
	[dreg:$0x12] =	wrdreg s18  }
0x1b: {  	p3 =	por p3, p1;
	s22 =	sadd.s32 $0x10000, s6;
	[dreg:$0x13] =	wrdreg s20  }
0x1c: {  	p4 =	por p1, p4;
	s26 =	simm.s32 $0x700;
	[dreg:$0x14] =	wrdreg s22  }
0x1d: {  	v1 =	vimm.f32 $0.0e+00;
	v0 =	vmov s0;
	s18 =	simm.s32 $0x800;
	s20 =	simm.s32 $0x400;
	s22 =	simm.s32 $0x4800  }
.LBB2_9:
0x1e: {  	s0 =	stileid.u32  }
0x1f: {  	[bflag:$0x0] =	sbarrier.arrive $0xFFFF;
	s0 =	sshll.u32 s0, $0x6  }
0x20: {  	s3 =	sshrl.u32 s6, $0x3;
	s9 =	rddreg [dreg:$0xe];
	s0 =	sor.u32 $0x1C05, s0  }
0x21: {  	[hbm:s9], [sflag:s0] =	dma.local [spmem:s3], $0x2800  }
0x22: {  	_ =	swait.ge [sflag:s19], $0x2800  }
0x23: {  	s0 =	simm.s32 @!p0 $0x80;
	s3 =	simm.s32 @!p0 $0x400;
	[sflag:s19] =	ssyncset.done $0x0  }
0x24: {  	s9 =	simm.s32 @!p0 $0x8800;
	s10 =	rddreg [dreg:$0xf];
	[sflag:s19] =	ssyncadd.s32 $0xFFFFD800  }
0x25: {  	[hbm4b:s10+s0] =	stream.strided.scatter @!p0 [tilespmem:s9], [sflag:$0x5], $0x2800, s3, s0, $0x38;
	[tilespmem:$0x1F000] =	vst v63  }
0x26: {  	s0 =	simm.s32 @!p0 $0x5  }
0x27: {  	_ =	swait.ge @!p0 [sflag:s0], $0x2800  }
0x28: {  	s28 =	sadd.s32 $0x1, s28;
	s31 =	rddreg [dreg:$0x10]  }
0x29: {  	p5 =	sne.s32 s28, s31  }
.Ltmp1:
0x2a: {  	_ = 	snop;
	(pc) =	sbr.rel @!p5 .LBB2_10-.Ltmp1, $3  }
0x2b: {  	_ =	sdelay $0x1  }
0x2c: {  	[sflag:s0] =	ssyncset.done @!p0 $0x0  }
0x2d: {  	[sflag:s0] =	ssyncadd.s32 @!p0 $0xFFFFD800  }
.LBB2_1:
0x2e: {  	s0 =	simm.s32 $0x0;
	s3 =	simm.s32 $0x200  }
.LBB2_2:
0x2f: {  	p5 =	sne.s32 s3, $0xFE00;
	[tilespmem:s0+$0x870] =	vst v1  }
0x30: {  	[tilespmem:s0+$0x800] =	vst v1  }
0x31: {  	[tilespmem:s0+$0x810] =	vst v1  }
.Ltmp2:
0x32: {  	[tilespmem:s0+$0x820] =	vst v1;
	(pc) =	sbr.rel @p5 .LBB2_2-.Ltmp2, $4  }
0x33: {  	[tilespmem:s0+$0x830] =	vst v1  }
0x34: {  	[tilespmem:s0+$0x840] =	vst v1  }
0x35: {  	[tilespmem:s0+$0x850] =	vst v1  }
0x36: {  	[tilespmem:s0+$0x860] =	vst v1;
	s0 =	sshra.s32 s3, $0x2;
	s3 =	sadd.s32 $0x200, s3  }
0x37: {  	[tilespmem:s0+$0x870] =	vst v1  }
0x38: {  	[tilespmem:s0+$0x800] =	vst v1  }
0x39: {  	[tilespmem:s0+$0x810] =	vst v1  }
0x3a: {  	[tilespmem:s0+$0x820] =	vst v1  }
0x3b: {  	[tilespmem:s0+$0x830] =	vst v1  }
0x3c: {  	[tilespmem:s0+$0x840] =	vst v1  }
0x3d: {  	[tilespmem:s0+$0x850] =	vst v1  }
0x3e: {  	[tilespmem:s0+$0x860] =	vst v1;
	s0 =	simm.s32 $0x40;
	s3 =	simm.s32 $0x0  }
.LBB2_4:
0x3f: {  	p5 =	sne.s32 s0, $0x9FC0;
	[tilespmem:s3+$0x8800] =	vst v1;
	s3 =	smov.u32 s0;
	s0 =	sadd.s32 $0x40, s0  }
.Ltmp3:
0x40: {  	(pc) =	sbr.rel @p5 .LBB2_4-.Ltmp3, $2  }
0x41: {  	_ =	sdelay $0x2  }
0x42: {  	s3 =	sshra.s32 s3, $0x2  }
0x43: {  	[tilespmem:s3+$0x8800] =	vst v1  }
0x44: {  	[spmem:s6] =	stream.linear.scatter [tilespmem:s18], [sflag:$0x5], $0x4000, $0x38;
	[tilespmem:$0x1F000] =	vst v63  }
0x45: {  	_ =	swait.ge [sflag:s19], $0x4000  }
0x46: {  	[sflag:s19] =	ssyncset.done $0x0  }
0x47: {  	s0 =	rddreg [dreg:$0x11];
	[sflag:s19] =	ssyncadd.s32 $0xFFFFC000  }
0x48: {  	[spmem:s0] =	stream.linear.scatter [tilespmem:s18], [sflag:$0x5], $0x4000, $0x38;
	[tilespmem:$0x1F000] =	vst v63  }
0x49: {  	_ =	swait.ge [sflag:s19], $0x4000  }
0x4a: {  	[sflag:s19] =	ssyncset.done $0x0  }
0x4b: {  	s17 =	rddreg [dreg:$0x12];
	[sflag:s19] =	ssyncadd.s32 $0xFFFFC000  }
0x4c: {  	[spmem:s17] =	stream.linear.scatter [tilespmem:s18], [sflag:$0x5], $0x4000, $0x38;
	[tilespmem:$0x1F000] =	vst v63  }
0x4d: {  	_ =	swait.ge [sflag:s19], $0x4000  }
0x4e: {  	[sflag:s19] =	ssyncset.done $0x0  }
0x4f: {  	s30 =	rddreg [dreg:$0x13];
	[sflag:s19] =	ssyncadd.s32 $0xFFFFC000  }
0x50: {  	[spmem:s30] =	stream.linear.scatter [tilespmem:s18], [sflag:$0x5], $0x4000, $0x38;
	[tilespmem:$0x1F000] =	vst v63  }
0x51: {  	_ =	swait.ge [sflag:s19], $0x4000  }
0x52: {  	[sflag:s19] =	ssyncset.done $0x0  }
0x53: {  	s31 =	rddreg [dreg:$0x14];
	[sflag:s19] =	ssyncadd.s32 $0xFFFFC000  }
0x54: {  	[spmem:s31] =	stream.linear.scatter [tilespmem:s18], [sflag:$0x5], $0x4000, $0x38;
	[tilespmem:$0x1F000] =	vst v63  }
0x55: {  	_ =	swait.ge [sflag:s19], $0x4000  }
0x56: {  	[sflag:s19] =	ssyncset.done $0x0  }
0x57: {  	[sflag:s19] =	ssyncadd.s32 $0xFFFFC000  }
0x58: {  	s29 =	simm.s32 $0x0;
	[bflag:$0x0] =	sbarrier.arrive $0xFFFF  }
.LBB2_6:
0x59: {  	s0 =	rddreg [dreg:$0x3]  }
0x5a: {  	s0 =	sadd.s32 s29, s0  }
0x5b: {  	[tilespmem:s2], [sflag:$0x5] =	stream.linear.gather [hbm4b:s0+s2], $0x400, $0x38;
	[tilespmem:$0x1F000] =	vst v63  }
0x5c: {  	_ =	swait.ge [sflag:s19], $0x400  }
0x5d: {  	s16 =	sadd.s32 s8, s5;
	[sflag:s19] =	ssyncset.done $0x0  }
0x5e: {  	s0 =	sadd.s32 s29, s16;
	[sflag:s19] =	ssyncadd.s32 $0xFFFFFC00  }
0x5f: {  	[tilespmem:s20], [sflag:$0x5] =	stream.linear.gather [hbm4b:s0+s2], $0x400, $0x38;
	[tilespmem:$0x1F000] =	vst v63  }
0x60: {  	_ =	swait.ge [sflag:s19], $0x400  }
0x61: {  	[sflag:s19] =	ssyncset.done $0x0  }
0x62: {  	[sflag:s19] =	ssyncadd.s32 $0xFFFFFC00  }
0x63: {  	v2 =	vld [tilespmem:$0x0]  }
0x64: {  	v3 =	vld [tilespmem:$0x10]  }
0x65: {  	v4 =	vld [tilespmem:$0x20]  }
0x66: {  	v5 =	vld [tilespmem:$0x30]  }
0x67: {  	v6 =	vld [tilespmem:$0x40]  }
0x68: {  	v7 =	vld [tilespmem:$0x50];
	v2 =	vadd.s32 v0, v2  }
0x69: {  	[tilespmem:$0x0] =	vst v2;
	v2 =	vadd.s32 v0, v3;
	v3 =	vld [tilespmem:$0x60]  }
0x6a: {  	v18 =	vld [tilespmem:$0x70];
	[tilespmem:$0x10] =	vst v2;
	v2 =	vadd.s32 v0, v4  }
0x6b: {  	v19 =	vld [tilespmem:$0x80];
	[tilespmem:$0x20] =	vst v2;
	v2 =	vadd.s32 v0, v5  }
0x6c: {  	v20 =	vld [tilespmem:$0x90];
	[tilespmem:$0x30] =	vst v2;
	v2 =	vadd.s32 v0, v6  }
0x6d: {  	v21 =	vld [tilespmem:$0xA0];
	[tilespmem:$0x40] =	vst v2;
	v2 =	vadd.s32 v0, v7  }
0x6e: {  	[tilespmem:$0x50] =	vst v2;
	v2 =	vadd.s32 v0, v3;
	v3 =	vld [tilespmem:$0xB0]  }
0x6f: {  	v22 =	vld [tilespmem:$0xC0];
	[tilespmem:$0x60] =	vst v2;
	v2 =	vadd.s32 v0, v18  }
0x70: {  	v23 =	vld [tilespmem:$0xD0];
	[tilespmem:$0x70] =	vst v2;
	v2 =	vadd.s32 v0, v19  }
0x71: {  	v24 =	vld [tilespmem:$0xE0];
	[tilespmem:$0x80] =	vst v2;
	v2 =	vadd.s32 v0, v20  }
0x72: {  	v25 =	vld [tilespmem:$0xF0];
	[tilespmem:$0x90] =	vst v2;
	v2 =	vadd.s32 v0, v21  }
0x73: {  	[tilespmem:$0xA0] =	vst v2;
	v2 =	vadd.s32 v0, v3;
	v3 =	vld [tilespmem:$0x100]  }
0x74: {  	v26 =	vld [tilespmem:$0x110];
	[tilespmem:$0xB0] =	vst v2;
	v2 =	vadd.s32 v0, v22  }
0x75: {  	v27 =	vld [tilespmem:$0x120];
	[tilespmem:$0xC0] =	vst v2;
	v2 =	vadd.s32 v0, v23  }
0x76: {  	v28 =	vld [tilespmem:$0x130];
	[tilespmem:$0xD0] =	vst v2;
	v2 =	vadd.s32 v0, v24  }
0x77: {  	v29 =	vld [tilespmem:$0x140];
	[tilespmem:$0xE0] =	vst v2;
	v2 =	vadd.s32 v0, v25  }
0x78: {  	[tilespmem:$0xF0] =	vst v2;
	v2 =	vadd.s32 v0, v3;
	v3 =	vld [tilespmem:$0x150]  }
0x79: {  	v30 =	vld [tilespmem:$0x160];
	[tilespmem:$0x100] =	vst v2;
	v2 =	vadd.s32 v0, v26  }
0x7a: {  	v31 =	vld [tilespmem:$0x170];
	[tilespmem:$0x110] =	vst v2;
	v2 =	vadd.s32 v0, v27  }
0x7b: {  	v32 =	vld [tilespmem:$0x180];
	[tilespmem:$0x120] =	vst v2;
	v2 =	vadd.s32 v0, v28  }
0x7c: {  	v33 =	vld [tilespmem:$0x190];
	[tilespmem:$0x130] =	vst v2;
	v2 =	vadd.s32 v0, v29  }
0x7d: {  	[tilespmem:$0x140] =	vst v2;
	v2 =	vadd.s32 v0, v3;
	v3 =	vld [tilespmem:$0x1A0]  }
0x7e: {  	v34 =	vld [tilespmem:$0x1B0];
	[tilespmem:$0x150] =	vst v2;
	v2 =	vadd.s32 v0, v30  }
0x7f: {  	v35 =	vld [tilespmem:$0x1C0];
	[tilespmem:$0x160] =	vst v2;
	v2 =	vadd.s32 v0, v31  }
0x80: {  	v36 =	vld [tilespmem:$0x1D0];
	[tilespmem:$0x170] =	vst v2;
	v2 =	vadd.s32 v0, v32  }
0x81: {  	v37 =	vld [tilespmem:$0x1E0];
	[tilespmem:$0x180] =	vst v2;
	v2 =	vadd.s32 v0, v33  }
0x82: {  	[tilespmem:$0x190] =	vst v2;
	v2 =	vadd.s32 v0, v3;
	v3 =	vld [tilespmem:$0x1F0]  }
0x83: {  	v38 =	vld [tilespmem:$0x200];
	[tilespmem:$0x1A0] =	vst v2;
	v2 =	vadd.s32 v0, v34  }
0x84: {  	v39 =	vld [tilespmem:$0x210];
	[tilespmem:$0x1B0] =	vst v2;
	v2 =	vadd.s32 v0, v35  }
0x85: {  	v40 =	vld [tilespmem:$0x220];
	[tilespmem:$0x1C0] =	vst v2;
	v2 =	vadd.s32 v0, v36  }
0x86: {  	v41 =	vld [tilespmem:$0x230];
	[tilespmem:$0x1D0] =	vst v2;
	v2 =	vadd.s32 v0, v37  }
0x87: {  	[tilespmem:$0x1E0] =	vst v2;
	v2 =	vadd.s32 v0, v3;
	v3 =	vld [tilespmem:$0x240]  }
0x88: {  	v42 =	vld [tilespmem:$0x250];
	[tilespmem:$0x1F0] =	vst v2;
	v2 =	vadd.s32 v0, v38  }
0x89: {  	v43 =	vld [tilespmem:$0x260];
	[tilespmem:$0x200] =	vst v2;
	v2 =	vadd.s32 v0, v39  }
0x8a: {  	v44 =	vld [tilespmem:$0x270];
	[tilespmem:$0x210] =	vst v2;
	v2 =	vadd.s32 v0, v40  }
0x8b: {  	v45 =	vld [tilespmem:$0x280];
	[tilespmem:$0x220] =	vst v2;
	v2 =	vadd.s32 v0, v41  }
0x8c: {  	[tilespmem:$0x230] =	vst v2;
	v2 =	vadd.s32 v0, v3;
	v3 =	vld [tilespmem:$0x290]  }
0x8d: {  	v46 =	vld [tilespmem:$0x2A0];
	[tilespmem:$0x240] =	vst v2;
	v2 =	vadd.s32 v0, v42  }
0x8e: {  	v47 =	vld [tilespmem:$0x2B0];
	[tilespmem:$0x250] =	vst v2;
	v2 =	vadd.s32 v0, v43  }
0x8f: {  	v48 =	vld [tilespmem:$0x2C0];
	[tilespmem:$0x260] =	vst v2;
	v2 =	vadd.s32 v0, v44  }
0x90: {  	v49 =	vld [tilespmem:$0x2D0];
	[tilespmem:$0x270] =	vst v2;
	v2 =	vadd.s32 v0, v45  }
0x91: {  	[tilespmem:$0x280] =	vst v2;
	v2 =	vadd.s32 v0, v3;
	v3 =	vld [tilespmem:$0x2E0]  }
0x92: {  	v50 =	vld [tilespmem:$0x2F0];
	[tilespmem:$0x290] =	vst v2;
	v2 =	vadd.s32 v0, v46  }
0x93: {  	v51 =	vld [tilespmem:$0x300];
	[tilespmem:$0x2A0] =	vst v2;
	v2 =	vadd.s32 v0, v47  }
0x94: {  	v52 =	vld [tilespmem:$0x310];
	[tilespmem:$0x2B0] =	vst v2;
	v2 =	vadd.s32 v0, v48  }
0x95: {  	v53 =	vld [tilespmem:$0x320];
	[tilespmem:$0x2C0] =	vst v2;
	v2 =	vadd.s32 v0, v49  }
0x96: {  	[tilespmem:$0x2D0] =	vst v2;
	v2 =	vadd.s32 v0, v3;
	v3 =	vld [tilespmem:$0x330]  }
0x97: {  	v54 =	vld [tilespmem:$0x340];
	[tilespmem:$0x2E0] =	vst v2;
	v2 =	vadd.s32 v0, v50  }
0x98: {  	v55 =	vld [tilespmem:$0x350];
	[tilespmem:$0x2F0] =	vst v2;
	v2 =	vadd.s32 v0, v51  }
0x99: {  	v56 =	vld [tilespmem:$0x360];
	[tilespmem:$0x300] =	vst v2;
	v2 =	vadd.s32 v0, v52  }
0x9a: {  	v57 =	vld [tilespmem:$0x370];
	[tilespmem:$0x310] =	vst v2;
	v2 =	vadd.s32 v0, v53  }
0x9b: {  	[tilespmem:$0x320] =	vst v2;
	v2 =	vadd.s32 v0, v3;
	v3 =	vld [tilespmem:$0x380]  }
0x9c: {  	v58 =	vld [tilespmem:$0x390];
	[tilespmem:$0x330] =	vst v2;
	v2 =	vadd.s32 v0, v54  }
0x9d: {  	v59 =	vld [tilespmem:$0x3A0];
	[tilespmem:$0x340] =	vst v2;
	v2 =	vadd.s32 v0, v55  }
0x9e: {  	v60 =	vld [tilespmem:$0x3B0];
	[tilespmem:$0x350] =	vst v2;
	v2 =	vadd.s32 v0, v56  }
0x9f: {  	v61 =	vld [tilespmem:$0x3C0];
	[tilespmem:$0x360] =	vst v2;
	v2 =	vadd.s32 v0, v57  }
0xa0: {  	[tilespmem:$0x370] =	vst v2;
	v2 =	vadd.s32 v0, v3;
	v3 =	vld [tilespmem:$0x3D0]  }
0xa1: {  	v62 =	vld [tilespmem:$0x3E0];
	[tilespmem:$0x380] =	vst v2;
	v2 =	vadd.s32 v0, v58  }
0xa2: {  	v63 =	vld [tilespmem:$0x3F0];
	[tilespmem:$0x390] =	vst v2;
	v2 =	vadd.s32 v0, v59  }
0xa3: {  	[tilespmem:$0x3A0] =	vst v2;
	v2 =	vadd.s32 v0, v60  }
0xa4: {  	[tilespmem:$0x3B0] =	vst v2;
	v2 =	vadd.s32 v0, v61  }
0xa5: {  	[tilespmem:$0x3C0] =	vst v2;
	v2 =	vadd.s32 v0, v3  }
0xa6: {  	[tilespmem:$0x3D0] =	vst v2;
	v2 =	vadd.s32 v0, v62  }
0xa7: {  	[tilespmem:$0x3E0] =	vst v2;
	v2 =	vadd.s32 v0, v63  }
0xa8: {  	[tilespmem:$0x3F0] =	vst v2  }
0xa9: {  	[tilespmem:s18], [sflag:$0x1] =	stream.indirect.gather [hbm4b:s4+s21], $0x80, s2, s21, $0xb8;
	[tilespmem:$0x1F000] =	vst v63  }
0xaa: {  	_ = 	snop  }
0xab: {  	[tilespmem:s22], [sflag:$0x2] =	stream.indirect.gather [hbm4b:s4+s21], $0x80, s21, s21, $0xb8;
	[tilespmem:$0x1F000] =	vst v63  }
0xac: {  	_ =	swait.ge [sflag:s23], $0x4000  }
0xad: {  	[sflag:s23] =	ssyncset.done $0x0  }
0xae: {  	s0 =	simm.s32 @p0 $0x2;
	[sflag:s23] =	ssyncadd.s32 $0xFFFFC000  }
0xaf: {  	[spmem:s1] =	stream.indirect.scatter.add.f32 [tilespmem:s18], [sflag:$0x3], $0x80, s20, s21, $0xb8;
	[tilespmem:$0x1F000] =	vst v63  }
0xb0: {  	_ =	swait.ge @p0 [sflag:s0], $0x4000  }
0xb1: {  	s3 =	simm.s32 @p0 $0x80;
	[sflag:s0] =	ssyncset.done @p0 $0x0  }
0xb2: {  	s10 =	simm.s32 @p0 $0x480;
	s9 =	simm.s32 @p0 $0x4800;
	[sflag:s0] =	ssyncadd.s32 @p0 $0xFFFFC000  }
0xb3: {  	[spmem:s1] =	stream.indirect.scatter.add.f32 @p0 [tilespmem:s9], [sflag:$0x4], $0x80, s10, s3, $0xb8;
	[tilespmem:$0x1F000] =	vst v63  }
0xb4: {  	v3 =	vld @!p0 [tilespmem:$0x400];
	_ =	sdelay $0x6  }
0xb5: {  	s30 =	simm.s32 @!p0 $0x8800;
	v2 =	vimm.f32 @!p0 $1.000000000e+00  }
0xb6: {  	[tilespmem:v3+s30+$0x0] =	vst.idx.add.f32.msk @!p0 $0xffff, v2  }
0xb7: {  	v3 =	vld @!p0 [tilespmem:$0x410];
	_ =	sdelay $0x7  }
0xb8: {  	[tilespmem:v3+s30+$0x0] =	vst.idx.add.f32.msk @!p0 $0xffff, v2  }
0xb9: {  	v3 =	vld @!p0 [tilespmem:$0x420];
	_ =	sdelay $0x7  }
0xba: {  	[tilespmem:v3+s30+$0x0] =	vst.idx.add.f32.msk @!p0 $0xffff, v2  }
0xbb: {  	v3 =	vld @!p0 [tilespmem:$0x430];
	_ =	sdelay $0x7  }
0xbc: {  	[tilespmem:v3+s30+$0x0] =	vst.idx.add.f32.msk @!p0 $0xffff, v2  }
0xbd: {  	v3 =	vld @!p0 [tilespmem:$0x440];
	_ =	sdelay $0x7  }
0xbe: {  	[tilespmem:v3+s30+$0x0] =	vst.idx.add.f32.msk @!p0 $0xffff, v2  }
0xbf: {  	v3 =	vld @!p0 [tilespmem:$0x450];
	_ =	sdelay $0x7  }
0xc0: {  	[tilespmem:v3+s30+$0x0] =	vst.idx.add.f32.msk @!p0 $0xffff, v2  }
0xc1: {  	v3 =	vld @!p0 [tilespmem:$0x460];
	_ =	sdelay $0x7  }
0xc2: {  	[tilespmem:v3+s30+$0x0] =	vst.idx.add.f32.msk @!p0 $0xffff, v2  }
0xc3: {  	v3 =	vld @!p0 [tilespmem:$0x470];
	_ =	sdelay $0x7  }
0xc4: {  	s10 =	simm.s32 @!p0 $0x2;
	[tilespmem:v3+s30+$0x0] =	vst.idx.add.f32.msk @!p0 $0xffff, v2  }
0xc5: {  	_ =	swait.ge @!p0 [sflag:s10], $0x4000  }
0xc6: {  	s11 =	simm.s32 @!p0 $0x80;
	[sflag:s10] =	ssyncset.done @!p0 $0x0  }
0xc7: {  	s13 =	simm.s32 @!p0 $0x480;
	s12 =	simm.s32 @!p0 $0x4800;
	[sflag:s10] =	ssyncadd.s32 @!p0 $0xFFFFC000  }
0xc8: {  	[spmem:s1] =	stream.indirect.scatter.add.f32 @!p0 [tilespmem:s12], [sflag:$0x4], $0x80, s13, s11, $0xb8;
	[tilespmem:$0x1F000] =	vst v63  }
0xc9: {  	v3 =	vld @!p0 [tilespmem:$0x480];
	_ =	sdelay $0x7  }
0xca: {  	[tilespmem:v3+s30+$0x0] =	vst.idx.add.f32.msk @!p0 $0xffff, v2  }
0xcb: {  	v3 =	vld @!p0 [tilespmem:$0x490];
	_ =	sdelay $0x7  }
0xcc: {  	[tilespmem:v3+s30+$0x0] =	vst.idx.add.f32.msk @!p0 $0xffff, v2  }
0xcd: {  	v3 =	vld @!p0 [tilespmem:$0x4A0];
	_ =	sdelay $0x7  }
0xce: {  	[tilespmem:v3+s30+$0x0] =	vst.idx.add.f32.msk @!p0 $0xffff, v2  }
0xcf: {  	v3 =	vld @!p0 [tilespmem:$0x4B0];
	_ =	sdelay $0x7  }
0xd0: {  	[tilespmem:v3+s30+$0x0] =	vst.idx.add.f32.msk @!p0 $0xffff, v2  }
0xd1: {  	v3 =	vld @!p0 [tilespmem:$0x4C0];
	_ =	sdelay $0x7  }
0xd2: {  	[tilespmem:v3+s30+$0x0] =	vst.idx.add.f32.msk @!p0 $0xffff, v2  }
0xd3: {  	v3 =	vld @!p0 [tilespmem:$0x4D0];
	_ =	sdelay $0x7  }
0xd4: {  	[tilespmem:v3+s30+$0x0] =	vst.idx.add.f32.msk @!p0 $0xffff, v2  }
0xd5: {  	v3 =	vld @!p0 [tilespmem:$0x4E0];
	_ =	sdelay $0x7  }
0xd6: {  	[tilespmem:v3+s30+$0x0] =	vst.idx.add.f32.msk @!p0 $0xffff, v2  }
0xd7: {  	v3 =	vld @!p0 [tilespmem:$0x4F0];
	_ =	sdelay $0x7  }
0xd8: {  	[tilespmem:v3+s30+$0x0] =	vst.idx.add.f32.msk @!p0 $0xffff, v2  }
0xd9: {  	_ =	swait.ge [sflag:s24], $0x4000  }
0xda: {  	[sflag:s24] =	ssyncset.done $0x0  }
0xdb: {  	s17 =	rddreg [dreg:$0x4];
	[sflag:s24] =	ssyncadd.s32 $0xFFFFC000  }
0xdc: {  	[tilespmem:s18], [sflag:$0x1] =	stream.indirect.gather [hbm4b:s4+s21], $0x80, s17, s21, $0xb8;
	[tilespmem:$0x1F000] =	vst v63  }
0xdd: {  	_ =	swait.ge [sflag:s25], $0x4000  }
0xde: {  	[sflag:s25] =	ssyncset.done $0x0  }
0xdf: {  	s31 =	rddreg [dreg:$0x5];
	[sflag:s25] =	ssyncadd.s32 $0xFFFFC000  }
0xe0: {  	[tilespmem:s22], [sflag:$0x2] =	stream.indirect.gather [hbm4b:s4+s21], $0x80, s31, s21, $0xb8;
	[tilespmem:$0x1F000] =	vst v63  }
0xe1: {  	_ =	swait.ge [sflag:s23], $0x4000  }
0xe2: {  	[sflag:s23] =	ssyncset.done $0x0  }
0xe3: {  	s14 =	rddreg [dreg:$0x6];
	[sflag:s23] =	ssyncadd.s32 $0xFFFFC000  }
0xe4: {  	[spmem:s1] =	stream.indirect.scatter.add.f32 [tilespmem:s18], [sflag:$0x3], $0x80, s14, s21, $0xb8;
	[tilespmem:$0x1F000] =	vst v63  }
0xe5: {  	_ =	swait.ge @p0 [sflag:s0], $0x4000  }
0xe6: {  	[sflag:s0] =	ssyncset.done @p0 $0x0  }
0xe7: {  	s13 =	simm.s32 @p0 $0x580;
	[sflag:s0] =	ssyncadd.s32 @p0 $0xFFFFC000  }
0xe8: {  	[spmem:s1] =	stream.indirect.scatter.add.f32 @p0 [tilespmem:s9], [sflag:$0x4], $0x80, s13, s3, $0xb8;
	[tilespmem:$0x1F000] =	vst v63  }
0xe9: {  	v3 =	vld @!p0 [tilespmem:$0x500];
	_ =	sdelay $0x7  }
0xea: {  	[tilespmem:v3+s30+$0x0] =	vst.idx.add.f32.msk @!p0 $0xffff, v2  }
0xeb: {  	v3 =	vld @!p0 [tilespmem:$0x510];
	_ =	sdelay $0x7  }
0xec: {  	[tilespmem:v3+s30+$0x0] =	vst.idx.add.f32.msk @!p0 $0xffff, v2  }
0xed: {  	v3 =	vld @!p0 [tilespmem:$0x520];
	_ =	sdelay $0x7  }
0xee: {  	[tilespmem:v3+s30+$0x0] =	vst.idx.add.f32.msk @!p0 $0xffff, v2  }
0xef: {  	v3 =	vld @!p0 [tilespmem:$0x530];
	_ =	sdelay $0x7  }
0xf0: {  	[tilespmem:v3+s30+$0x0] =	vst.idx.add.f32.msk @!p0 $0xffff, v2  }
0xf1: {  	v3 =	vld @!p0 [tilespmem:$0x540];
	_ =	sdelay $0x7  }
0xf2: {  	[tilespmem:v3+s30+$0x0] =	vst.idx.add.f32.msk @!p0 $0xffff, v2  }
0xf3: {  	v3 =	vld @!p0 [tilespmem:$0x550];
	_ =	sdelay $0x7  }
0xf4: {  	[tilespmem:v3+s30+$0x0] =	vst.idx.add.f32.msk @!p0 $0xffff, v2  }
0xf5: {  	v3 =	vld @!p0 [tilespmem:$0x560];
	_ =	sdelay $0x7  }
0xf6: {  	[tilespmem:v3+s30+$0x0] =	vst.idx.add.f32.msk @!p0 $0xffff, v2  }
0xf7: {  	v3 =	vld @!p0 [tilespmem:$0x570];
	_ =	sdelay $0x7  }
0xf8: {  	[tilespmem:v3+s30+$0x0] =	vst.idx.add.f32.msk @!p0 $0xffff, v2  }
0xf9: {  	_ =	swait.ge @!p0 [sflag:s10], $0x4000  }
0xfa: {  	[sflag:s10] =	ssyncset.done @!p0 $0x0  }
0xfb: {  	s13 =	simm.s32 @!p0 $0x580;
	[sflag:s10] =	ssyncadd.s32 @!p0 $0xFFFFC000  }
0xfc: {  	[spmem:s1] =	stream.indirect.scatter.add.f32 @!p0 [tilespmem:s12], [sflag:$0x4], $0x80, s13, s11, $0xb8;
	[tilespmem:$0x1F000] =	vst v63  }
0xfd: {  	v3 =	vld @!p0 [tilespmem:$0x580];
	_ =	sdelay $0x7  }
0xfe: {  	[tilespmem:v3+s30+$0x0] =	vst.idx.add.f32.msk @!p0 $0xffff, v2  }
0xff: {  	v3 =	vld @!p0 [tilespmem:$0x590];
	_ =	sdelay $0x7  }
0x100: {  	[tilespmem:v3+s30+$0x0] =	vst.idx.add.f32.msk @!p0 $0xffff, v2  }
0x101: {  	v3 =	vld @!p0 [tilespmem:$0x5A0];
	_ =	sdelay $0x7  }
0x102: {  	[tilespmem:v3+s30+$0x0] =	vst.idx.add.f32.msk @!p0 $0xffff, v2  }
0x103: {  	v3 =	vld @!p0 [tilespmem:$0x5B0];
	_ =	sdelay $0x7  }
0x104: {  	[tilespmem:v3+s30+$0x0] =	vst.idx.add.f32.msk @!p0 $0xffff, v2  }
0x105: {  	v3 =	vld @!p0 [tilespmem:$0x5C0];
	_ =	sdelay $0x7  }
0x106: {  	[tilespmem:v3+s30+$0x0] =	vst.idx.add.f32.msk @!p0 $0xffff, v2  }
0x107: {  	v3 =	vld @!p0 [tilespmem:$0x5D0];
	_ =	sdelay $0x7  }
0x108: {  	[tilespmem:v3+s30+$0x0] =	vst.idx.add.f32.msk @!p0 $0xffff, v2  }
0x109: {  	v3 =	vld @!p0 [tilespmem:$0x5E0];
	_ =	sdelay $0x7  }
0x10a: {  	[tilespmem:v3+s30+$0x0] =	vst.idx.add.f32.msk @!p0 $0xffff, v2  }
0x10b: {  	v3 =	vld @!p0 [tilespmem:$0x5F0];
	_ =	sdelay $0x7  }
0x10c: {  	[tilespmem:v3+s30+$0x0] =	vst.idx.add.f32.msk @!p0 $0xffff, v2  }
0x10d: {  	_ =	swait.ge [sflag:s24], $0x4000  }
0x10e: {  	[sflag:s24] =	ssyncset.done $0x0  }
0x10f: {  	[sflag:s24] =	ssyncadd.s32 $0xFFFFC000  }
0x110: {  	_ =	swait.ge [sflag:s25], $0x4000  }
0x111: {  	[sflag:s25] =	ssyncset.done $0x0  }
0x112: {  	s15 =	rddreg [dreg:$0x7];
	[sflag:s25] =	ssyncadd.s32 $0xFFFFC000  }
0x113: {  	[tilespmem:s18], [sflag:$0x1] =	stream.indirect.gather [hbm4b:s4+s21], $0x80, s15, s21, $0xb8;
	[tilespmem:$0x1F000] =	vst v63  }
0x114: {  	s14 =	rddreg [dreg:$0x8]  }
0x115: {  	[tilespmem:s22], [sflag:$0x2] =	stream.indirect.gather [hbm4b:s4+s21], $0x80, s14, s21, $0xb8;
	[tilespmem:$0x1F000] =	vst v63  }
0x116: {  	_ =	swait.ge [sflag:s23], $0x4000  }
0x117: {  	[sflag:s23] =	ssyncset.done $0x0  }
0x118: {  	s16 =	rddreg [dreg:$0x9];
	[sflag:s23] =	ssyncadd.s32 $0xFFFFC000  }
0x119: {  	[spmem:s1] =	stream.indirect.scatter.add.f32 [tilespmem:s18], [sflag:$0x3], $0x80, s16, s21, $0xb8;
	[tilespmem:$0x1F000] =	vst v63  }
0x11a: {  	_ =	swait.ge @p0 [sflag:s0], $0x4000  }
0x11b: {  	[sflag:s0] =	ssyncset.done @p0 $0x0  }
0x11c: {  	s13 =	simm.s32 @p0 $0x680;
	[sflag:s0] =	ssyncadd.s32 @p0 $0xFFFFC000  }
0x11d: {  	[spmem:s1] =	stream.indirect.scatter.add.f32 @p0 [tilespmem:s9], [sflag:$0x4], $0x80, s13, s3, $0xb8;
	[tilespmem:$0x1F000] =	vst v63  }
0x11e: {  	v3 =	vld @!p0 [tilespmem:$0x600];
	_ =	sdelay $0x7  }
0x11f: {  	[tilespmem:v3+s30+$0x0] =	vst.idx.add.f32.msk @!p0 $0xffff, v2  }
0x120: {  	v3 =	vld @!p0 [tilespmem:$0x610];
	_ =	sdelay $0x7  }
0x121: {  	[tilespmem:v3+s30+$0x0] =	vst.idx.add.f32.msk @!p0 $0xffff, v2  }
0x122: {  	v3 =	vld @!p0 [tilespmem:$0x620];
	_ =	sdelay $0x7  }
0x123: {  	[tilespmem:v3+s30+$0x0] =	vst.idx.add.f32.msk @!p0 $0xffff, v2  }
0x124: {  	v3 =	vld @!p0 [tilespmem:$0x630];
	_ =	sdelay $0x7  }
0x125: {  	[tilespmem:v3+s30+$0x0] =	vst.idx.add.f32.msk @!p0 $0xffff, v2  }
0x126: {  	v3 =	vld @!p0 [tilespmem:$0x640];
	_ =	sdelay $0x7  }
0x127: {  	[tilespmem:v3+s30+$0x0] =	vst.idx.add.f32.msk @!p0 $0xffff, v2  }
0x128: {  	v3 =	vld @!p0 [tilespmem:$0x650];
	_ =	sdelay $0x7  }
0x129: {  	[tilespmem:v3+s30+$0x0] =	vst.idx.add.f32.msk @!p0 $0xffff, v2  }
0x12a: {  	v3 =	vld @!p0 [tilespmem:$0x660];
	_ =	sdelay $0x7  }
0x12b: {  	[tilespmem:v3+s30+$0x0] =	vst.idx.add.f32.msk @!p0 $0xffff, v2  }
0x12c: {  	v3 =	vld @!p0 [tilespmem:$0x670];
	_ =	sdelay $0x7  }
0x12d: {  	[tilespmem:v3+s30+$0x0] =	vst.idx.add.f32.msk @!p0 $0xffff, v2  }
0x12e: {  	_ =	swait.ge @!p0 [sflag:s10], $0x4000  }
0x12f: {  	[sflag:s10] =	ssyncset.done @!p0 $0x0  }
0x130: {  	s13 =	simm.s32 @!p0 $0x680;
	[sflag:s10] =	ssyncadd.s32 @!p0 $0xFFFFC000  }
0x131: {  	[spmem:s1] =	stream.indirect.scatter.add.f32 @!p0 [tilespmem:s12], [sflag:$0x4], $0x80, s13, s11, $0xb8;
	[tilespmem:$0x1F000] =	vst v63  }
0x132: {  	v3 =	vld @!p0 [tilespmem:$0x680];
	_ =	sdelay $0x7  }
0x133: {  	[tilespmem:v3+s30+$0x0] =	vst.idx.add.f32.msk @!p0 $0xffff, v2  }
0x134: {  	v3 =	vld @!p0 [tilespmem:$0x690];
	_ =	sdelay $0x7  }
0x135: {  	[tilespmem:v3+s30+$0x0] =	vst.idx.add.f32.msk @!p0 $0xffff, v2  }
0x136: {  	v3 =	vld @!p0 [tilespmem:$0x6A0];
	_ =	sdelay $0x7  }
0x137: {  	[tilespmem:v3+s30+$0x0] =	vst.idx.add.f32.msk @!p0 $0xffff, v2  }
0x138: {  	v3 =	vld @!p0 [tilespmem:$0x6B0];
	_ =	sdelay $0x7  }
0x139: {  	[tilespmem:v3+s30+$0x0] =	vst.idx.add.f32.msk @!p0 $0xffff, v2  }
0x13a: {  	v3 =	vld @!p0 [tilespmem:$0x6C0];
	_ =	sdelay $0x7  }
0x13b: {  	[tilespmem:v3+s30+$0x0] =	vst.idx.add.f32.msk @!p0 $0xffff, v2  }
0x13c: {  	v3 =	vld @!p0 [tilespmem:$0x6D0];
	_ =	sdelay $0x7  }
0x13d: {  	[tilespmem:v3+s30+$0x0] =	vst.idx.add.f32.msk @!p0 $0xffff, v2  }
0x13e: {  	v3 =	vld @!p0 [tilespmem:$0x6E0];
	_ =	sdelay $0x7  }
0x13f: {  	[tilespmem:v3+s30+$0x0] =	vst.idx.add.f32.msk @!p0 $0xffff, v2  }
0x140: {  	v3 =	vld @!p0 [tilespmem:$0x6F0];
	_ =	sdelay $0x7  }
0x141: {  	[tilespmem:v3+s30+$0x0] =	vst.idx.add.f32.msk @!p0 $0xffff, v2  }
0x142: {  	_ =	swait.ge [sflag:s24], $0x4000  }
0x143: {  	[sflag:s24] =	ssyncset.done $0x0  }
0x144: {  	s17 =	rddreg [dreg:$0xa];
	[sflag:s24] =	ssyncadd.s32 $0xFFFFC000  }
0x145: {  	[tilespmem:s18], [sflag:$0x1] =	stream.indirect.gather [hbm4b:s4+s21], $0x80, s17, s21, $0xb8;
	[tilespmem:$0x1F000] =	vst v63  }
0x146: {  	_ =	swait.ge [sflag:s25], $0x4000  }
0x147: {  	[sflag:s25] =	ssyncset.done $0x0  }
0x148: {  	s31 =	rddreg [dreg:$0xb];
	[sflag:s25] =	ssyncadd.s32 $0xFFFFC000  }
0x149: {  	[tilespmem:s22], [sflag:$0x2] =	stream.indirect.gather [hbm4b:s4+s21], $0x80, s31, s21, $0xb8;
	[tilespmem:$0x1F000] =	vst v63  }
0x14a: {  	_ =	swait.ge [sflag:s23], $0x4000  }
0x14b: {  	[sflag:s23] =	ssyncset.done $0x0  }
0x14c: {  	[sflag:s23] =	ssyncadd.s32 $0xFFFFC000  }
0x14d: {  	[spmem:s1] =	stream.indirect.scatter.add.f32 [tilespmem:s18], [sflag:$0x3], $0x80, s26, s21, $0xb8;
	[tilespmem:$0x1F000] =	vst v63  }
0x14e: {  	_ =	swait.ge @p0 [sflag:s0], $0x4000  }
0x14f: {  	[sflag:s0] =	ssyncset.done @p0 $0x0  }
0x150: {  	[sflag:s0] =	ssyncadd.s32 @p0 $0xFFFFC000;
	s0 =	simm.s32 @p0 $0x780  }
0x151: {  	[spmem:s1] =	stream.indirect.scatter.add.f32 @p0 [tilespmem:s9], [sflag:$0x4], $0x80, s0, s3, $0xb8;
	[tilespmem:$0x1F000] =	vst v63  }
0x152: {  	v3 =	vld @!p0 [tilespmem:$0x700];
	_ =	sdelay $0x7  }
0x153: {  	[tilespmem:v3+s30+$0x0] =	vst.idx.add.f32.msk @!p0 $0xffff, v2  }
0x154: {  	v3 =	vld @!p0 [tilespmem:$0x710];
	_ =	sdelay $0x7  }
0x155: {  	[tilespmem:v3+s30+$0x0] =	vst.idx.add.f32.msk @!p0 $0xffff, v2  }
0x156: {  	v3 =	vld @!p0 [tilespmem:$0x720];
	_ =	sdelay $0x7  }
0x157: {  	[tilespmem:v3+s30+$0x0] =	vst.idx.add.f32.msk @!p0 $0xffff, v2  }
0x158: {  	v3 =	vld @!p0 [tilespmem:$0x730];
	_ =	sdelay $0x7  }
0x159: {  	[tilespmem:v3+s30+$0x0] =	vst.idx.add.f32.msk @!p0 $0xffff, v2  }
0x15a: {  	v3 =	vld @!p0 [tilespmem:$0x740];
	_ =	sdelay $0x7  }
0x15b: {  	[tilespmem:v3+s30+$0x0] =	vst.idx.add.f32.msk @!p0 $0xffff, v2  }
0x15c: {  	v3 =	vld @!p0 [tilespmem:$0x750];
	_ =	sdelay $0x7  }
0x15d: {  	[tilespmem:v3+s30+$0x0] =	vst.idx.add.f32.msk @!p0 $0xffff, v2  }
0x15e: {  	v3 =	vld @!p0 [tilespmem:$0x760];
	_ =	sdelay $0x7  }
0x15f: {  	[tilespmem:v3+s30+$0x0] =	vst.idx.add.f32.msk @!p0 $0xffff, v2  }
0x160: {  	v3 =	vld @!p0 [tilespmem:$0x770];
	_ =	sdelay $0x7  }
0x161: {  	[tilespmem:v3+s30+$0x0] =	vst.idx.add.f32.msk @!p0 $0xffff, v2  }
0x162: {  	_ =	swait.ge @!p0 [sflag:s10], $0x4000  }
0x163: {  	[sflag:s10] =	ssyncset.done @!p0 $0x0  }
0x164: {  	s0 =	simm.s32 @!p0 $0x780;
	[sflag:s10] =	ssyncadd.s32 @!p0 $0xFFFFC000  }
0x165: {  	[spmem:s1] =	stream.indirect.scatter.add.f32 @!p0 [tilespmem:s12], [sflag:$0x4], $0x80, s0, s11, $0xb8;
	[tilespmem:$0x1F000] =	vst v63  }
0x166: {  	v3 =	vld @!p0 [tilespmem:$0x780];
	_ =	sdelay $0x7  }
0x167: {  	[tilespmem:v3+s30+$0x0] =	vst.idx.add.f32.msk @!p0 $0xffff, v2  }
0x168: {  	v3 =	vld @!p0 [tilespmem:$0x790];
	_ =	sdelay $0x7  }
0x169: {  	[tilespmem:v3+s30+$0x0] =	vst.idx.add.f32.msk @!p0 $0xffff, v2  }
0x16a: {  	v3 =	vld @!p0 [tilespmem:$0x7A0];
	_ =	sdelay $0x7  }
0x16b: {  	[tilespmem:v3+s30+$0x0] =	vst.idx.add.f32.msk @!p0 $0xffff, v2  }
0x16c: {  	v3 =	vld @!p0 [tilespmem:$0x7B0];
	_ =	sdelay $0x7  }
0x16d: {  	[tilespmem:v3+s30+$0x0] =	vst.idx.add.f32.msk @!p0 $0xffff, v2  }
0x16e: {  	v3 =	vld @!p0 [tilespmem:$0x7C0];
	_ =	sdelay $0x7  }
0x16f: {  	[tilespmem:v3+s30+$0x0] =	vst.idx.add.f32.msk @!p0 $0xffff, v2  }
0x170: {  	v3 =	vld @!p0 [tilespmem:$0x7D0];
	_ =	sdelay $0x7  }
0x171: {  	[tilespmem:v3+s30+$0x0] =	vst.idx.add.f32.msk @!p0 $0xffff, v2  }
0x172: {  	v3 =	vld @!p0 [tilespmem:$0x7E0];
	_ =	sdelay $0x7  }
0x173: {  	[tilespmem:v3+s30+$0x0] =	vst.idx.add.f32.msk @!p0 $0xffff, v2  }
0x174: {  	v3 =	vld @!p0 [tilespmem:$0x7F0];
	_ =	sdelay $0x7  }
0x175: {  	s29 =	sadd.s32 $0x800, s29;
	[tilespmem:v3+s30+$0x0] =	vst.idx.add.f32.msk @!p0 $0xffff, v2  }
0x176: {  	p5 =	sne.s32 s29, $0x4800;
	_ =	swait.ge [sflag:s24], $0x4000  }
.Ltmp4:
0x177: {  	[sflag:s24] =	ssyncset.done $0x0;
	(pc) =	sbr.rel @p5 .LBB2_6-.Ltmp4, $4  }
0x178: {  	[sflag:s24] =	ssyncadd.s32 $0xFFFFC000  }
0x179: {  	_ =	swait.ge [sflag:s25], $0x4000  }
0x17a: {  	[sflag:s25] =	ssyncset.done $0x0  }
0x17b: {  	[sflag:s25] =	ssyncadd.s32 $0xFFFFC000  }
0x17c: {  	s29 =	simm.s32 @!p1 $0x0;
	s0 =	rddreg [dreg:$0xc]  }
0x17d: {  	[tilespmem:s29], [sflag:$0x5] =	stream.linear.gather @!p1 [hbm4b:s0+s29], $0x400, $0x38;
	[tilespmem:$0x1F000] =	vst v63  }
0x17e: {  	s0 =	simm.s32 @!p1 $0x5  }
0x17f: {  	_ =	swait.ge @!p1 [sflag:s0], $0x400  }
0x180: {  	[sflag:s0] =	ssyncset.done @!p1 $0x0  }
0x181: {  	s3 =	sadd.s32 @!p1 s7, s8;
	s30 =	simm.s32 @!p1 $0x400;
	[sflag:s0] =	ssyncadd.s32 @!p1 $0xFFFFFC00  }
0x182: {  	[tilespmem:s30], [sflag:$0x5] =	stream.linear.gather @!p1 [hbm4b:s3+s29], $0x400, $0x38;
	[tilespmem:$0x1F000] =	vst v63  }
0x183: {  	_ =	swait.ge @!p1 [sflag:s0], $0x400  }
0x184: {  	[sflag:s0] =	ssyncset.done @!p1 $0x0  }
0x185: {  	[sflag:s0] =	ssyncadd.s32 @!p1 $0xFFFFFC00  }
0x186: {  	v2 =	vld @!p1 [tilespmem:$0x0]  }
0x187: {  	v3 =	vld @!p1 [tilespmem:$0x10]  }
0x188: {  	v4 =	vld @!p1 [tilespmem:$0x20]  }
0x189: {  	v5 =	vld @!p1 [tilespmem:$0x30]  }
0x18a: {  	v6 =	vld @!p1 [tilespmem:$0x40]  }
0x18b: {  	v7 =	vld @!p1 [tilespmem:$0x50];
	v2 =	vadd.s32 @!p1 v0, v2  }
0x18c: {  	[tilespmem:$0x0] =	vst @!p1 v2;
	v2 =	vadd.s32 @!p1 v0, v3;
	v3 =	vld @!p1 [tilespmem:$0x60]  }
0x18d: {  	[tilespmem:$0x10] =	vst @!p1 v2;
	v2 =	vadd.s32 @!p1 v0, v4;
	v4 =	vld @!p1 [tilespmem:$0x70]  }
0x18e: {  	[tilespmem:$0x20] =	vst @!p1 v2;
	v2 =	vadd.s32 @!p1 v0, v5;
	v5 =	vld @!p1 [tilespmem:$0x80]  }
0x18f: {  	[tilespmem:$0x30] =	vst @!p1 v2;
	v2 =	vadd.s32 @!p1 v0, v6;
	v6 =	vld @!p1 [tilespmem:$0x90]  }
0x190: {  	[tilespmem:$0x40] =	vst @!p1 v2;
	v2 =	vadd.s32 @!p1 v0, v7;
	v7 =	vld @!p1 [tilespmem:$0xA0]  }
0x191: {  	[tilespmem:$0x50] =	vst @!p1 v2;
	v2 =	vadd.s32 @!p1 v0, v3;
	v3 =	vld @!p1 [tilespmem:$0xB0]  }
0x192: {  	[tilespmem:$0x60] =	vst @!p1 v2;
	v2 =	vadd.s32 @!p1 v0, v4;
	v4 =	vld @!p1 [tilespmem:$0xC0]  }
0x193: {  	[tilespmem:$0x70] =	vst @!p1 v2;
	v2 =	vadd.s32 @!p1 v0, v5;
	v5 =	vld @!p1 [tilespmem:$0xD0]  }
0x194: {  	[tilespmem:$0x80] =	vst @!p1 v2;
	v2 =	vadd.s32 @!p1 v0, v6;
	v6 =	vld @!p1 [tilespmem:$0xE0]  }
0x195: {  	[tilespmem:$0x90] =	vst @!p1 v2;
	v2 =	vadd.s32 @!p1 v0, v7;
	v7 =	vld @!p1 [tilespmem:$0xF0]  }
0x196: {  	[tilespmem:$0xA0] =	vst @!p1 v2;
	v2 =	vadd.s32 @!p1 v0, v3;
	v3 =	vld @!p1 [tilespmem:$0x100]  }
0x197: {  	[tilespmem:$0xB0] =	vst @!p1 v2;
	v2 =	vadd.s32 @!p1 v0, v4;
	v4 =	vld @!p1 [tilespmem:$0x110]  }
0x198: {  	[tilespmem:$0xC0] =	vst @!p1 v2;
	v2 =	vadd.s32 @!p1 v0, v5;
	v5 =	vld @!p1 [tilespmem:$0x120]  }
0x199: {  	[tilespmem:$0xD0] =	vst @!p1 v2;
	v2 =	vadd.s32 @!p1 v0, v6;
	v6 =	vld @!p1 [tilespmem:$0x130]  }
0x19a: {  	[tilespmem:$0xE0] =	vst @!p1 v2;
	v2 =	vadd.s32 @!p1 v0, v7;
	v7 =	vld @!p1 [tilespmem:$0x140]  }
0x19b: {  	[tilespmem:$0xF0] =	vst @!p1 v2;
	v2 =	vadd.s32 @!p1 v0, v3;
	v3 =	vld @!p1 [tilespmem:$0x150]  }
0x19c: {  	[tilespmem:$0x100] =	vst @!p1 v2;
	v2 =	vadd.s32 @!p1 v0, v4;
	v4 =	vld @!p1 [tilespmem:$0x160]  }
0x19d: {  	[tilespmem:$0x110] =	vst @!p1 v2;
	v2 =	vadd.s32 @!p1 v0, v5;
	v5 =	vld @!p1 [tilespmem:$0x170]  }
0x19e: {  	[tilespmem:$0x120] =	vst @!p1 v2;
	v2 =	vadd.s32 @!p1 v0, v6;
	v6 =	vld @!p1 [tilespmem:$0x180]  }
0x19f: {  	[tilespmem:$0x130] =	vst @!p1 v2;
	v2 =	vadd.s32 @!p1 v0, v7;
	v7 =	vld @!p1 [tilespmem:$0x190]  }
0x1a0: {  	[tilespmem:$0x140] =	vst @!p1 v2;
	v2 =	vadd.s32 @!p1 v0, v3;
	v3 =	vld @!p1 [tilespmem:$0x1A0]  }
0x1a1: {  	[tilespmem:$0x150] =	vst @!p1 v2;
	v2 =	vadd.s32 @!p1 v0, v4;
	v4 =	vld @!p1 [tilespmem:$0x1B0]  }
0x1a2: {  	[tilespmem:$0x160] =	vst @!p1 v2;
	v2 =	vadd.s32 @!p1 v0, v5;
	v5 =	vld @!p1 [tilespmem:$0x1C0]  }
0x1a3: {  	[tilespmem:$0x170] =	vst @!p1 v2;
	v2 =	vadd.s32 @!p1 v0, v6;
	v6 =	vld @!p1 [tilespmem:$0x1D0]  }
0x1a4: {  	[tilespmem:$0x180] =	vst @!p1 v2;
	v2 =	vadd.s32 @!p1 v0, v7;
	v7 =	vld @!p1 [tilespmem:$0x1E0]  }
0x1a5: {  	[tilespmem:$0x190] =	vst @!p1 v2;
	v2 =	vadd.s32 @!p1 v0, v3;
	v3 =	vld @!p1 [tilespmem:$0x1F0]  }
0x1a6: {  	[tilespmem:$0x1A0] =	vst @!p1 v2;
	v2 =	vadd.s32 @!p1 v0, v4;
	v4 =	vld @!p1 [tilespmem:$0x200]  }
0x1a7: {  	[tilespmem:$0x1B0] =	vst @!p1 v2;
	v2 =	vadd.s32 @!p1 v0, v5;
	v5 =	vld @!p1 [tilespmem:$0x210]  }
0x1a8: {  	[tilespmem:$0x1C0] =	vst @!p1 v2;
	v2 =	vadd.s32 @!p1 v0, v6;
	v6 =	vld @!p1 [tilespmem:$0x220]  }
0x1a9: {  	[tilespmem:$0x1D0] =	vst @!p1 v2;
	v2 =	vadd.s32 @!p1 v0, v7;
	v7 =	vld @!p1 [tilespmem:$0x230]  }
0x1aa: {  	[tilespmem:$0x1E0] =	vst @!p1 v2;
	v2 =	vadd.s32 @!p1 v0, v3;
	v3 =	vld @!p1 [tilespmem:$0x240]  }
0x1ab: {  	[tilespmem:$0x1F0] =	vst @!p1 v2;
	v2 =	vadd.s32 @!p1 v0, v4;
	v4 =	vld @!p1 [tilespmem:$0x250]  }
0x1ac: {  	[tilespmem:$0x200] =	vst @!p1 v2;
	v2 =	vadd.s32 @!p1 v0, v5;
	v5 =	vld @!p1 [tilespmem:$0x260]  }
0x1ad: {  	[tilespmem:$0x210] =	vst @!p1 v2;
	v2 =	vadd.s32 @!p1 v0, v6;
	v6 =	vld @!p1 [tilespmem:$0x270]  }
0x1ae: {  	[tilespmem:$0x220] =	vst @!p1 v2;
	v2 =	vadd.s32 @!p1 v0, v7;
	v7 =	vld @!p1 [tilespmem:$0x280]  }
0x1af: {  	[tilespmem:$0x230] =	vst @!p1 v2;
	v2 =	vadd.s32 @!p1 v0, v3;
	v3 =	vld @!p1 [tilespmem:$0x290]  }
0x1b0: {  	[tilespmem:$0x240] =	vst @!p1 v2;
	v2 =	vadd.s32 @!p1 v0, v4;
	v4 =	vld @!p1 [tilespmem:$0x2A0]  }
0x1b1: {  	[tilespmem:$0x250] =	vst @!p1 v2;
	v2 =	vadd.s32 @!p1 v0, v5;
	v5 =	vld @!p1 [tilespmem:$0x2B0]  }
0x1b2: {  	[tilespmem:$0x260] =	vst @!p1 v2;
	v2 =	vadd.s32 @!p1 v0, v6;
	v6 =	vld @!p1 [tilespmem:$0x2C0]  }
0x1b3: {  	[tilespmem:$0x270] =	vst @!p1 v2;
	v2 =	vadd.s32 @!p1 v0, v7;
	v7 =	vld @!p1 [tilespmem:$0x2D0]  }
0x1b4: {  	[tilespmem:$0x280] =	vst @!p1 v2;
	v2 =	vadd.s32 @!p1 v0, v3;
	v3 =	vld @!p1 [tilespmem:$0x2E0]  }
0x1b5: {  	[tilespmem:$0x290] =	vst @!p1 v2;
	v2 =	vadd.s32 @!p1 v0, v4;
	v4 =	vld @!p1 [tilespmem:$0x2F0]  }
0x1b6: {  	[tilespmem:$0x2A0] =	vst @!p1 v2;
	v2 =	vadd.s32 @!p1 v0, v5;
	v5 =	vld @!p1 [tilespmem:$0x300]  }
0x1b7: {  	[tilespmem:$0x2B0] =	vst @!p1 v2;
	v2 =	vadd.s32 @!p1 v0, v6;
	v6 =	vld @!p1 [tilespmem:$0x310]  }
0x1b8: {  	[tilespmem:$0x2C0] =	vst @!p1 v2;
	v2 =	vadd.s32 @!p1 v0, v7;
	v7 =	vld @!p1 [tilespmem:$0x320]  }
0x1b9: {  	[tilespmem:$0x2D0] =	vst @!p1 v2;
	v2 =	vadd.s32 @!p1 v0, v3;
	v3 =	vld @!p1 [tilespmem:$0x330]  }
0x1ba: {  	[tilespmem:$0x2E0] =	vst @!p1 v2;
	v2 =	vadd.s32 @!p1 v0, v4;
	v4 =	vld @!p1 [tilespmem:$0x340]  }
0x1bb: {  	[tilespmem:$0x2F0] =	vst @!p1 v2;
	v2 =	vadd.s32 @!p1 v0, v5;
	v5 =	vld @!p1 [tilespmem:$0x350]  }
0x1bc: {  	[tilespmem:$0x300] =	vst @!p1 v2;
	v2 =	vadd.s32 @!p1 v0, v6;
	v6 =	vld @!p1 [tilespmem:$0x360]  }
0x1bd: {  	[tilespmem:$0x310] =	vst @!p1 v2;
	v2 =	vadd.s32 @!p1 v0, v7;
	v7 =	vld @!p1 [tilespmem:$0x370]  }
0x1be: {  	[tilespmem:$0x320] =	vst @!p1 v2;
	v2 =	vadd.s32 @!p1 v0, v3;
	v3 =	vld @!p1 [tilespmem:$0x380]  }
0x1bf: {  	[tilespmem:$0x330] =	vst @!p1 v2;
	v2 =	vadd.s32 @!p1 v0, v4;
	v4 =	vld @!p1 [tilespmem:$0x390]  }
0x1c0: {  	[tilespmem:$0x340] =	vst @!p1 v2;
	v2 =	vadd.s32 @!p1 v0, v5;
	v5 =	vld @!p1 [tilespmem:$0x3A0]  }
0x1c1: {  	[tilespmem:$0x350] =	vst @!p1 v2;
	v2 =	vadd.s32 @!p1 v0, v6;
	v6 =	vld @!p1 [tilespmem:$0x3B0]  }
0x1c2: {  	[tilespmem:$0x360] =	vst @!p1 v2;
	v2 =	vadd.s32 @!p1 v0, v7;
	v7 =	vld @!p1 [tilespmem:$0x3C0]  }
0x1c3: {  	[tilespmem:$0x370] =	vst @!p1 v2;
	v2 =	vadd.s32 @!p1 v0, v3;
	v3 =	vld @!p1 [tilespmem:$0x3D0]  }
0x1c4: {  	[tilespmem:$0x380] =	vst @!p1 v2;
	v2 =	vadd.s32 @!p1 v0, v4;
	v4 =	vld @!p1 [tilespmem:$0x3E0]  }
0x1c5: {  	[tilespmem:$0x390] =	vst @!p1 v2;
	v2 =	vadd.s32 @!p1 v0, v5;
	v5 =	vld @!p1 [tilespmem:$0x3F0]  }
0x1c6: {  	[tilespmem:$0x3A0] =	vst @!p1 v2;
	v2 =	vadd.s32 @!p1 v0, v6  }
0x1c7: {  	[tilespmem:$0x3B0] =	vst @!p1 v2;
	v2 =	vadd.s32 @!p1 v0, v7  }
0x1c8: {  	[tilespmem:$0x3C0] =	vst @!p1 v2;
	v2 =	vadd.s32 @!p1 v0, v3  }
0x1c9: {  	[tilespmem:$0x3D0] =	vst @!p1 v2;
	v2 =	vadd.s32 @!p1 v0, v4  }
0x1ca: {  	[tilespmem:$0x3E0] =	vst @!p1 v2;
	v2 =	vadd.s32 @!p1 v0, v5  }
0x1cb: {  	s31 =	simm.s32 @!p1 $0x80;
	s0 =	simm.s32 @!p1 $0x800;
	[tilespmem:$0x3F0] =	vst @!p1 v2  }
0x1cc: {  	[tilespmem:s0], [sflag:$0x1] =	stream.indirect.gather @!p1 [hbm4b:s4+s31], $0x80, s29, s31, $0xb8;
	[tilespmem:$0x1F000] =	vst v63  }
0x1cd: {  	s10 =	simm.s32 @!p1 $0x1;
	s3 =	simm.s32 @!p1 $0x4800  }
0x1ce: {  	[tilespmem:s3], [sflag:$0x2] =	stream.indirect.gather @!p1 [hbm4b:s4+s31], $0x80, s31, s31, $0xb8;
	[tilespmem:$0x1F000] =	vst v63  }
0x1cf: {  	_ =	swait.ge @!p1 [sflag:s10], $0x4000  }
0x1d0: {  	[sflag:s10] =	ssyncset.done @!p1 $0x0  }
0x1d1: {  	[sflag:s10] =	ssyncadd.s32 @!p1 $0xFFFFC000  }
0x1d2: {  	[spmem:s1] =	stream.indirect.scatter.add.f32 @!p1 [tilespmem:s0], [sflag:$0x3], $0x80, s30, s31, $0xb8;
	[tilespmem:$0x1F000] =	vst v63  }
0x1d3: {  	s30 =	simm.s32 @!p2 $0x2  }
0x1d4: {  	_ =	swait.ge @!p2 [sflag:s30], $0x4000  }
0x1d5: {  	s9 =	simm.s32 @!p2 $0x80;
	[sflag:s30] =	ssyncset.done @!p2 $0x0  }
0x1d6: {  	s12 =	simm.s32 @!p2 $0x480;
	s11 =	simm.s32 @!p2 $0x4800;
	[sflag:s30] =	ssyncadd.s32 @!p2 $0xFFFFC000  }
0x1d7: {  	[spmem:s1] =	stream.indirect.scatter.add.f32 @!p2 [tilespmem:s11], [sflag:$0x4], $0x80, s12, s9, $0xb8;
	[tilespmem:$0x1F000] =	vst v63  }
0x1d8: {  	v3 =	vld @!p3 [tilespmem:$0x400];
	_ =	sdelay $0x6  }
0x1d9: {  	v2 =	vimm.f32 @!p3 $1.000000000e+00;
	s29 =	simm.s32 @!p3 $0x8800  }
0x1da: {  	[tilespmem:v3+s29+$0x0] =	vst.idx.add.f32.msk @!p3 $0xffff, v2  }
0x1db: {  	v3 =	vld @!p3 [tilespmem:$0x410];
	_ =	sdelay $0x7  }
0x1dc: {  	[tilespmem:v3+s29+$0x0] =	vst.idx.add.f32.msk @!p3 $0xffff, v2  }
0x1dd: {  	v3 =	vld @!p3 [tilespmem:$0x420];
	_ =	sdelay $0x7  }
0x1de: {  	[tilespmem:v3+s29+$0x0] =	vst.idx.add.f32.msk @!p3 $0xffff, v2  }
0x1df: {  	v3 =	vld @!p3 [tilespmem:$0x430];
	_ =	sdelay $0x7  }
0x1e0: {  	[tilespmem:v3+s29+$0x0] =	vst.idx.add.f32.msk @!p3 $0xffff, v2  }
0x1e1: {  	v3 =	vld @!p3 [tilespmem:$0x440];
	_ =	sdelay $0x7  }
0x1e2: {  	[tilespmem:v3+s29+$0x0] =	vst.idx.add.f32.msk @!p3 $0xffff, v2  }
0x1e3: {  	v3 =	vld @!p3 [tilespmem:$0x450];
	_ =	sdelay $0x7  }
0x1e4: {  	[tilespmem:v3+s29+$0x0] =	vst.idx.add.f32.msk @!p3 $0xffff, v2  }
0x1e5: {  	v3 =	vld @!p3 [tilespmem:$0x460];
	_ =	sdelay $0x7  }
0x1e6: {  	[tilespmem:v3+s29+$0x0] =	vst.idx.add.f32.msk @!p3 $0xffff, v2  }
0x1e7: {  	v3 =	vld @!p3 [tilespmem:$0x470];
	_ =	sdelay $0x7  }
0x1e8: {  	s12 =	simm.s32 @!p3 $0x2;
	[tilespmem:v3+s29+$0x0] =	vst.idx.add.f32.msk @!p3 $0xffff, v2  }
0x1e9: {  	_ =	swait.ge @!p3 [sflag:s12], $0x4000  }
0x1ea: {  	s13 =	simm.s32 @!p3 $0x80;
	[sflag:s12] =	ssyncset.done @!p3 $0x0  }
0x1eb: {  	s14 =	simm.s32 @!p3 $0x480;
	s15 =	simm.s32 @!p3 $0x4800;
	[sflag:s12] =	ssyncadd.s32 @!p3 $0xFFFFC000  }
0x1ec: {  	[spmem:s1] =	stream.indirect.scatter.add.f32 @!p3 [tilespmem:s15], [sflag:$0x4], $0x80, s14, s13, $0xb8;
	[tilespmem:$0x1F000] =	vst v63  }
0x1ed: {  	v3 =	vld @!p3 [tilespmem:$0x480];
	_ =	sdelay $0x7  }
0x1ee: {  	[tilespmem:v3+s29+$0x0] =	vst.idx.add.f32.msk @!p3 $0xffff, v2  }
0x1ef: {  	v3 =	vld @!p3 [tilespmem:$0x490];
	_ =	sdelay $0x7  }
0x1f0: {  	[tilespmem:v3+s29+$0x0] =	vst.idx.add.f32.msk @!p3 $0xffff, v2  }
0x1f1: {  	v3 =	vld @!p3 [tilespmem:$0x4A0];
	_ =	sdelay $0x7  }
0x1f2: {  	[tilespmem:v3+s29+$0x0] =	vst.idx.add.f32.msk @!p3 $0xffff, v2  }
0x1f3: {  	v3 =	vld @!p3 [tilespmem:$0x4B0];
	_ =	sdelay $0x7  }
0x1f4: {  	[tilespmem:v3+s29+$0x0] =	vst.idx.add.f32.msk @!p3 $0xffff, v2  }
0x1f5: {  	v3 =	vld @!p3 [tilespmem:$0x4C0];
	_ =	sdelay $0x7  }
0x1f6: {  	[tilespmem:v3+s29+$0x0] =	vst.idx.add.f32.msk @!p3 $0xffff, v2  }
0x1f7: {  	v3 =	vld @!p3 [tilespmem:$0x4D0];
	_ =	sdelay $0x7  }
0x1f8: {  	[tilespmem:v3+s29+$0x0] =	vst.idx.add.f32.msk @!p3 $0xffff, v2  }
0x1f9: {  	v3 =	vld @!p3 [tilespmem:$0x4E0];
	_ =	sdelay $0x7  }
0x1fa: {  	[tilespmem:v3+s29+$0x0] =	vst.idx.add.f32.msk @!p3 $0xffff, v2  }
0x1fb: {  	v3 =	vld @!p3 [tilespmem:$0x4F0];
	_ =	sdelay $0x7  }
0x1fc: {  	s14 =	simm.s32 @!p1 $0x3;
	[tilespmem:v3+s29+$0x0] =	vst.idx.add.f32.msk @!p3 $0xffff, v2  }
0x1fd: {  	_ =	swait.ge @!p1 [sflag:s14], $0x4000  }
0x1fe: {  	[sflag:s14] =	ssyncset.done @!p1 $0x0  }
0x1ff: {  	s16 =	simm.s32 @!p1 $0x100;
	[sflag:s14] =	ssyncadd.s32 @!p1 $0xFFFFC000  }
0x200: {  	[tilespmem:s0], [sflag:$0x1] =	stream.indirect.gather @!p1 [hbm4b:s4+s31], $0x80, s16, s31, $0xb8;
	[tilespmem:$0x1F000] =	vst v63  }
0x201: {  	s16 =	simm.s32 @!p1 $0x4  }
0x202: {  	_ =	swait.ge @!p1 [sflag:s16], $0x4000  }
0x203: {  	[sflag:s16] =	ssyncset.done @!p1 $0x0  }
0x204: {  	s17 =	simm.s32 @!p1 $0x180;
	[sflag:s16] =	ssyncadd.s32 @!p1 $0xFFFFC000  }
0x205: {  	[tilespmem:s3], [sflag:$0x2] =	stream.indirect.gather @!p1 [hbm4b:s4+s31], $0x80, s17, s31, $0xb8;
	[tilespmem:$0x1F000] =	vst v63  }
0x206: {  	_ =	swait.ge @!p1 [sflag:s10], $0x4000  }
0x207: {  	[sflag:s10] =	ssyncset.done @!p1 $0x0  }
0x208: {  	s17 =	simm.s32 @!p1 $0x500;
	[sflag:s10] =	ssyncadd.s32 @!p1 $0xFFFFC000  }
0x209: {  	[spmem:s1] =	stream.indirect.scatter.add.f32 @!p1 [tilespmem:s0], [sflag:$0x3], $0x80, s17, s31, $0xb8;
	[tilespmem:$0x1F000] =	vst v63  }
0x20a: {  	_ =	swait.ge @!p2 [sflag:s30], $0x4000  }
0x20b: {  	[sflag:s30] =	ssyncset.done @!p2 $0x0  }
0x20c: {  	s17 =	simm.s32 @!p2 $0x580;
	[sflag:s30] =	ssyncadd.s32 @!p2 $0xFFFFC000  }
0x20d: {  	[spmem:s1] =	stream.indirect.scatter.add.f32 @!p2 [tilespmem:s11], [sflag:$0x4], $0x80, s17, s9, $0xb8;
	[tilespmem:$0x1F000] =	vst v63  }
0x20e: {  	v3 =	vld @!p3 [tilespmem:$0x500];
	_ =	sdelay $0x7  }
0x20f: {  	[tilespmem:v3+s29+$0x0] =	vst.idx.add.f32.msk @!p3 $0xffff, v2  }
0x210: {  	v3 =	vld @!p3 [tilespmem:$0x510];
	_ =	sdelay $0x7  }
0x211: {  	[tilespmem:v3+s29+$0x0] =	vst.idx.add.f32.msk @!p3 $0xffff, v2  }
0x212: {  	v3 =	vld @!p3 [tilespmem:$0x520];
	_ =	sdelay $0x7  }
0x213: {  	[tilespmem:v3+s29+$0x0] =	vst.idx.add.f32.msk @!p3 $0xffff, v2  }
0x214: {  	v3 =	vld @!p3 [tilespmem:$0x530];
	_ =	sdelay $0x7  }
0x215: {  	[tilespmem:v3+s29+$0x0] =	vst.idx.add.f32.msk @!p3 $0xffff, v2  }
0x216: {  	v3 =	vld @!p3 [tilespmem:$0x540];
	_ =	sdelay $0x7  }
0x217: {  	[tilespmem:v3+s29+$0x0] =	vst.idx.add.f32.msk @!p3 $0xffff, v2  }
0x218: {  	v3 =	vld @!p3 [tilespmem:$0x550];
	_ =	sdelay $0x7  }
0x219: {  	[tilespmem:v3+s29+$0x0] =	vst.idx.add.f32.msk @!p3 $0xffff, v2  }
0x21a: {  	v3 =	vld @!p3 [tilespmem:$0x560];
	_ =	sdelay $0x7  }
0x21b: {  	[tilespmem:v3+s29+$0x0] =	vst.idx.add.f32.msk @!p3 $0xffff, v2  }
0x21c: {  	v3 =	vld @!p3 [tilespmem:$0x570];
	_ =	sdelay $0x7  }
0x21d: {  	[tilespmem:v3+s29+$0x0] =	vst.idx.add.f32.msk @!p3 $0xffff, v2  }
0x21e: {  	_ =	swait.ge @!p3 [sflag:s12], $0x4000  }
0x21f: {  	[sflag:s12] =	ssyncset.done @!p3 $0x0  }
0x220: {  	s17 =	simm.s32 @!p3 $0x580;
	[sflag:s12] =	ssyncadd.s32 @!p3 $0xFFFFC000  }
0x221: {  	[spmem:s1] =	stream.indirect.scatter.add.f32 @!p3 [tilespmem:s15], [sflag:$0x4], $0x80, s17, s13, $0xb8;
	[tilespmem:$0x1F000] =	vst v63  }
0x222: {  	v3 =	vld @!p3 [tilespmem:$0x580];
	_ =	sdelay $0x7  }
0x223: {  	[tilespmem:v3+s29+$0x0] =	vst.idx.add.f32.msk @!p3 $0xffff, v2  }
0x224: {  	v3 =	vld @!p3 [tilespmem:$0x590];
	_ =	sdelay $0x7  }
0x225: {  	[tilespmem:v3+s29+$0x0] =	vst.idx.add.f32.msk @!p3 $0xffff, v2  }
0x226: {  	v3 =	vld @!p3 [tilespmem:$0x5A0];
	_ =	sdelay $0x7  }
0x227: {  	[tilespmem:v3+s29+$0x0] =	vst.idx.add.f32.msk @!p3 $0xffff, v2  }
0x228: {  	v3 =	vld @!p3 [tilespmem:$0x5B0];
	_ =	sdelay $0x7  }
0x229: {  	[tilespmem:v3+s29+$0x0] =	vst.idx.add.f32.msk @!p3 $0xffff, v2  }
0x22a: {  	v3 =	vld @!p3 [tilespmem:$0x5C0];
	_ =	sdelay $0x7  }
0x22b: {  	[tilespmem:v3+s29+$0x0] =	vst.idx.add.f32.msk @!p3 $0xffff, v2  }
0x22c: {  	v3 =	vld @!p3 [tilespmem:$0x5D0];
	_ =	sdelay $0x7  }
0x22d: {  	[tilespmem:v3+s29+$0x0] =	vst.idx.add.f32.msk @!p3 $0xffff, v2  }
0x22e: {  	v3 =	vld @!p3 [tilespmem:$0x5E0];
	_ =	sdelay $0x7  }
0x22f: {  	[tilespmem:v3+s29+$0x0] =	vst.idx.add.f32.msk @!p3 $0xffff, v2  }
0x230: {  	v3 =	vld @!p3 [tilespmem:$0x5F0];
	_ =	sdelay $0x7  }
0x231: {  	[tilespmem:v3+s29+$0x0] =	vst.idx.add.f32.msk @!p3 $0xffff, v2  }
0x232: {  	_ =	swait.ge @!p1 [sflag:s14], $0x4000  }
0x233: {  	[sflag:s14] =	ssyncset.done @!p1 $0x0  }
0x234: {  	[sflag:s14] =	ssyncadd.s32 @!p1 $0xFFFFC000  }
0x235: {  	_ =	swait.ge @!p1 [sflag:s16], $0x4000  }
0x236: {  	[sflag:s16] =	ssyncset.done @!p1 $0x0  }
0x237: {  	s17 =	simm.s32 @!p1 $0x200;
	[sflag:s16] =	ssyncadd.s32 @!p1 $0xFFFFC000  }
0x238: {  	[tilespmem:s0], [sflag:$0x1] =	stream.indirect.gather @!p1 [hbm4b:s4+s31], $0x80, s17, s31, $0xb8;
	[tilespmem:$0x1F000] =	vst v63  }
0x239: {  	s17 =	simm.s32 @!p1 $0x280  }
0x23a: {  	[tilespmem:s3], [sflag:$0x2] =	stream.indirect.gather @!p1 [hbm4b:s4+s31], $0x80, s17, s31, $0xb8;
	[tilespmem:$0x1F000] =	vst v63  }
0x23b: {  	_ =	swait.ge @!p1 [sflag:s10], $0x4000  }
0x23c: {  	[sflag:s10] =	ssyncset.done @!p1 $0x0  }
0x23d: {  	s17 =	simm.s32 @!p1 $0x600;
	[sflag:s10] =	ssyncadd.s32 @!p1 $0xFFFFC000  }
0x23e: {  	[spmem:s1] =	stream.indirect.scatter.add.f32 @!p1 [tilespmem:s0], [sflag:$0x3], $0x80, s17, s31, $0xb8;
	[tilespmem:$0x1F000] =	vst v63  }
0x23f: {  	_ =	swait.ge @!p2 [sflag:s30], $0x4000  }
0x240: {  	[sflag:s30] =	ssyncset.done @!p2 $0x0  }
0x241: {  	s17 =	simm.s32 @!p2 $0x680;
	[sflag:s30] =	ssyncadd.s32 @!p2 $0xFFFFC000  }
0x242: {  	[spmem:s1] =	stream.indirect.scatter.add.f32 @!p2 [tilespmem:s11], [sflag:$0x4], $0x80, s17, s9, $0xb8;
	[tilespmem:$0x1F000] =	vst v63  }
0x243: {  	v3 =	vld @!p3 [tilespmem:$0x600];
	_ =	sdelay $0x7  }
0x244: {  	[tilespmem:v3+s29+$0x0] =	vst.idx.add.f32.msk @!p3 $0xffff, v2  }
0x245: {  	v3 =	vld @!p3 [tilespmem:$0x610];
	_ =	sdelay $0x7  }
0x246: {  	[tilespmem:v3+s29+$0x0] =	vst.idx.add.f32.msk @!p3 $0xffff, v2  }
0x247: {  	v3 =	vld @!p3 [tilespmem:$0x620];
	_ =	sdelay $0x7  }
0x248: {  	[tilespmem:v3+s29+$0x0] =	vst.idx.add.f32.msk @!p3 $0xffff, v2  }
0x249: {  	v3 =	vld @!p3 [tilespmem:$0x630];
	_ =	sdelay $0x7  }
0x24a: {  	[tilespmem:v3+s29+$0x0] =	vst.idx.add.f32.msk @!p3 $0xffff, v2  }
0x24b: {  	v3 =	vld @!p3 [tilespmem:$0x640];
	_ =	sdelay $0x7  }
0x24c: {  	[tilespmem:v3+s29+$0x0] =	vst.idx.add.f32.msk @!p3 $0xffff, v2  }
0x24d: {  	v3 =	vld @!p3 [tilespmem:$0x650];
	_ =	sdelay $0x7  }
0x24e: {  	[tilespmem:v3+s29+$0x0] =	vst.idx.add.f32.msk @!p3 $0xffff, v2  }
0x24f: {  	v3 =	vld @!p3 [tilespmem:$0x660];
	_ =	sdelay $0x7  }
0x250: {  	[tilespmem:v3+s29+$0x0] =	vst.idx.add.f32.msk @!p3 $0xffff, v2  }
0x251: {  	v3 =	vld @!p3 [tilespmem:$0x670];
	_ =	sdelay $0x7  }
0x252: {  	[tilespmem:v3+s29+$0x0] =	vst.idx.add.f32.msk @!p3 $0xffff, v2  }
0x253: {  	_ =	swait.ge @!p3 [sflag:s12], $0x4000  }
0x254: {  	[sflag:s12] =	ssyncset.done @!p3 $0x0  }
0x255: {  	s17 =	simm.s32 @!p3 $0x680;
	[sflag:s12] =	ssyncadd.s32 @!p3 $0xFFFFC000  }
0x256: {  	[spmem:s1] =	stream.indirect.scatter.add.f32 @!p3 [tilespmem:s15], [sflag:$0x4], $0x80, s17, s13, $0xb8;
	[tilespmem:$0x1F000] =	vst v63  }
0x257: {  	v3 =	vld @!p3 [tilespmem:$0x680];
	_ =	sdelay $0x7  }
0x258: {  	[tilespmem:v3+s29+$0x0] =	vst.idx.add.f32.msk @!p3 $0xffff, v2  }
0x259: {  	v3 =	vld @!p3 [tilespmem:$0x690];
	_ =	sdelay $0x7  }
0x25a: {  	[tilespmem:v3+s29+$0x0] =	vst.idx.add.f32.msk @!p3 $0xffff, v2  }
0x25b: {  	v3 =	vld @!p3 [tilespmem:$0x6A0];
	_ =	sdelay $0x7  }
0x25c: {  	[tilespmem:v3+s29+$0x0] =	vst.idx.add.f32.msk @!p3 $0xffff, v2  }
0x25d: {  	v3 =	vld @!p3 [tilespmem:$0x6B0];
	_ =	sdelay $0x7  }
0x25e: {  	[tilespmem:v3+s29+$0x0] =	vst.idx.add.f32.msk @!p3 $0xffff, v2  }
0x25f: {  	v3 =	vld @!p3 [tilespmem:$0x6C0];
	_ =	sdelay $0x7  }
0x260: {  	[tilespmem:v3+s29+$0x0] =	vst.idx.add.f32.msk @!p3 $0xffff, v2  }
0x261: {  	v3 =	vld @!p3 [tilespmem:$0x6D0];
	_ =	sdelay $0x7  }
0x262: {  	[tilespmem:v3+s29+$0x0] =	vst.idx.add.f32.msk @!p3 $0xffff, v2  }
0x263: {  	v3 =	vld @!p3 [tilespmem:$0x6E0];
	_ =	sdelay $0x7  }
0x264: {  	[tilespmem:v3+s29+$0x0] =	vst.idx.add.f32.msk @!p3 $0xffff, v2  }
0x265: {  	v3 =	vld @!p3 [tilespmem:$0x6F0];
	_ =	sdelay $0x7  }
0x266: {  	[tilespmem:v3+s29+$0x0] =	vst.idx.add.f32.msk @!p3 $0xffff, v2  }
0x267: {  	_ =	swait.ge @!p1 [sflag:s14], $0x4000  }
0x268: {  	[sflag:s14] =	ssyncset.done @!p1 $0x0  }
0x269: {  	s17 =	simm.s32 @!p1 $0x300;
	[sflag:s14] =	ssyncadd.s32 @!p1 $0xFFFFC000  }
0x26a: {  	[tilespmem:s0], [sflag:$0x1] =	stream.indirect.gather @!p1 [hbm4b:s4+s31], $0x80, s17, s31, $0xb8;
	[tilespmem:$0x1F000] =	vst v63  }
0x26b: {  	_ =	swait.ge @!p1 [sflag:s16], $0x4000  }
0x26c: {  	[sflag:s16] =	ssyncset.done @!p1 $0x0  }
0x26d: {  	s17 =	simm.s32 @!p1 $0x380;
	[sflag:s16] =	ssyncadd.s32 @!p1 $0xFFFFC000  }
0x26e: {  	[tilespmem:s3], [sflag:$0x2] =	stream.indirect.gather @!p1 [hbm4b:s4+s31], $0x80, s17, s31, $0xb8;
	[tilespmem:$0x1F000] =	vst v63  }
0x26f: {  	_ =	swait.ge @!p1 [sflag:s10], $0x4000  }
0x270: {  	[sflag:s10] =	ssyncset.done @!p1 $0x0  }
0x271: {  	s3 =	simm.s32 @!p1 $0x700;
	[sflag:s10] =	ssyncadd.s32 @!p1 $0xFFFFC000  }
0x272: {  	[spmem:s1] =	stream.indirect.scatter.add.f32 @!p1 [tilespmem:s0], [sflag:$0x3], $0x80, s3, s31, $0xb8;
	[tilespmem:$0x1F000] =	vst v63  }
0x273: {  	_ =	swait.ge @!p2 [sflag:s30], $0x4000  }
0x274: {  	[sflag:s30] =	ssyncset.done @!p2 $0x0  }
0x275: {  	s0 =	simm.s32 @!p2 $0x780;
	[sflag:s30] =	ssyncadd.s32 @!p2 $0xFFFFC000  }
0x276: {  	[spmem:s1] =	stream.indirect.scatter.add.f32 @!p2 [tilespmem:s11], [sflag:$0x4], $0x80, s0, s9, $0xb8;
	[tilespmem:$0x1F000] =	vst v63  }
0x277: {  	v3 =	vld @!p3 [tilespmem:$0x700];
	_ =	sdelay $0x7  }
0x278: {  	[tilespmem:v3+s29+$0x0] =	vst.idx.add.f32.msk @!p3 $0xffff, v2  }
0x279: {  	v3 =	vld @!p3 [tilespmem:$0x710];
	_ =	sdelay $0x7  }
0x27a: {  	[tilespmem:v3+s29+$0x0] =	vst.idx.add.f32.msk @!p3 $0xffff, v2  }
0x27b: {  	v3 =	vld @!p3 [tilespmem:$0x720];
	_ =	sdelay $0x7  }
0x27c: {  	[tilespmem:v3+s29+$0x0] =	vst.idx.add.f32.msk @!p3 $0xffff, v2  }
0x27d: {  	v3 =	vld @!p3 [tilespmem:$0x730];
	_ =	sdelay $0x7  }
0x27e: {  	[tilespmem:v3+s29+$0x0] =	vst.idx.add.f32.msk @!p3 $0xffff, v2  }
0x27f: {  	v3 =	vld @!p3 [tilespmem:$0x740];
	_ =	sdelay $0x7  }
0x280: {  	[tilespmem:v3+s29+$0x0] =	vst.idx.add.f32.msk @!p3 $0xffff, v2  }
0x281: {  	v3 =	vld @!p3 [tilespmem:$0x750];
	_ =	sdelay $0x7  }
0x282: {  	[tilespmem:v3+s29+$0x0] =	vst.idx.add.f32.msk @!p3 $0xffff, v2  }
0x283: {  	v3 =	vld @!p3 [tilespmem:$0x760];
	_ =	sdelay $0x7  }
0x284: {  	[tilespmem:v3+s29+$0x0] =	vst.idx.add.f32.msk @!p3 $0xffff, v2  }
0x285: {  	v3 =	vld @!p3 [tilespmem:$0x770];
	_ =	sdelay $0x7  }
0x286: {  	[tilespmem:v3+s29+$0x0] =	vst.idx.add.f32.msk @!p3 $0xffff, v2  }
0x287: {  	_ =	swait.ge @!p3 [sflag:s12], $0x4000  }
0x288: {  	[sflag:s12] =	ssyncset.done @!p3 $0x0  }
0x289: {  	s0 =	simm.s32 @!p3 $0x780;
	[sflag:s12] =	ssyncadd.s32 @!p3 $0xFFFFC000  }
0x28a: {  	[spmem:s1] =	stream.indirect.scatter.add.f32 @!p3 [tilespmem:s15], [sflag:$0x4], $0x80, s0, s13, $0xb8;
	[tilespmem:$0x1F000] =	vst v63  }
0x28b: {  	v3 =	vld @!p3 [tilespmem:$0x780];
	_ =	sdelay $0x7  }
0x28c: {  	[tilespmem:v3+s29+$0x0] =	vst.idx.add.f32.msk @!p3 $0xffff, v2  }
0x28d: {  	v3 =	vld @!p3 [tilespmem:$0x790];
	_ =	sdelay $0x7  }
0x28e: {  	[tilespmem:v3+s29+$0x0] =	vst.idx.add.f32.msk @!p3 $0xffff, v2  }
0x28f: {  	v3 =	vld @!p3 [tilespmem:$0x7A0];
	_ =	sdelay $0x7  }
0x290: {  	[tilespmem:v3+s29+$0x0] =	vst.idx.add.f32.msk @!p3 $0xffff, v2  }
0x291: {  	v3 =	vld @!p3 [tilespmem:$0x7B0];
	_ =	sdelay $0x7  }
0x292: {  	[tilespmem:v3+s29+$0x0] =	vst.idx.add.f32.msk @!p3 $0xffff, v2  }
0x293: {  	v3 =	vld @!p3 [tilespmem:$0x7C0];
	_ =	sdelay $0x7  }
0x294: {  	[tilespmem:v3+s29+$0x0] =	vst.idx.add.f32.msk @!p3 $0xffff, v2  }
0x295: {  	v3 =	vld @!p3 [tilespmem:$0x7D0];
	_ =	sdelay $0x7  }
0x296: {  	[tilespmem:v3+s29+$0x0] =	vst.idx.add.f32.msk @!p3 $0xffff, v2  }
0x297: {  	v3 =	vld @!p3 [tilespmem:$0x7E0];
	_ =	sdelay $0x7  }
0x298: {  	[tilespmem:v3+s29+$0x0] =	vst.idx.add.f32.msk @!p3 $0xffff, v2  }
0x299: {  	v3 =	vld @!p3 [tilespmem:$0x7F0];
	_ =	sdelay $0x7  }
0x29a: {  	[tilespmem:v3+s29+$0x0] =	vst.idx.add.f32.msk @!p3 $0xffff, v2  }
0x29b: {  	_ =	swait.ge @!p1 [sflag:s14], $0x4000  }
.Ltmp5:
0x29c: {  	[sflag:s14] =	ssyncset.done @!p1 $0x0;
	(pc) =	sbr.rel @p4 .LBB2_9-.Ltmp5, $4  }
0x29d: {  	[sflag:s14] =	ssyncadd.s32 @!p1 $0xFFFFC000  }
0x29e: {  	_ =	swait.ge @!p1 [sflag:s16], $0x4000  }
0x29f: {  	[sflag:s16] =	ssyncset.done @!p1 $0x0  }
0x2a0: {  	[sflag:s16] =	ssyncadd.s32 @!p1 $0xFFFFC000  }
0x2a1: {  	s0 =	rddreg [dreg:$0xd]  }
0x2a2: {  	[tilespmem:s2], [sflag:$0x5] =	stream.linear.gather [hbm4b:s0+s2], $0x100, $0x38;
	[tilespmem:$0x1F000] =	vst v63  }
0x2a3: {  	_ =	swait.ge [sflag:s19], $0x100  }
0x2a4: {  	[sflag:s19] =	ssyncset.done $0x0  }
0x2a5: {  	s31 =	sadd.s32 $0x4E00, s8;
	[sflag:s19] =	ssyncadd.s32 $0xFFFFFF00  }
0x2a6: {  	[tilespmem:s20], [sflag:$0x5] =	stream.linear.gather [hbm4b:s31+s2], $0x100, $0x38;
	[tilespmem:$0x1F000] =	vst v63  }
0x2a7: {  	_ =	swait.ge [sflag:s19], $0x100  }
0x2a8: {  	[sflag:s19] =	ssyncset.done $0x0  }
0x2a9: {  	[sflag:s19] =	ssyncadd.s32 $0xFFFFFF00  }
0x2aa: {  	v2 =	vld [tilespmem:$0x0]  }
0x2ab: {  	v3 =	vld [tilespmem:$0x10]  }
0x2ac: {  	v4 =	vld [tilespmem:$0x20]  }
0x2ad: {  	v5 =	vld [tilespmem:$0x30]  }
0x2ae: {  	v6 =	vld [tilespmem:$0x40]  }
0x2af: {  	v7 =	vld [tilespmem:$0x50];
	v2 =	vadd.s32 v0, v2  }
0x2b0: {  	[tilespmem:$0x0] =	vst v2;
	v2 =	vadd.s32 v0, v3;
	v3 =	vld [tilespmem:$0x60]  }
0x2b1: {  	v56 =	vld [tilespmem:$0x70];
	[tilespmem:$0x10] =	vst v2;
	v2 =	vadd.s32 v0, v4  }
0x2b2: {  	v57 =	vld [tilespmem:$0x80];
	[tilespmem:$0x20] =	vst v2;
	v2 =	vadd.s32 v0, v5  }
0x2b3: {  	v58 =	vld [tilespmem:$0x90];
	[tilespmem:$0x30] =	vst v2;
	v2 =	vadd.s32 v0, v6  }
0x2b4: {  	v59 =	vld [tilespmem:$0xA0];
	[tilespmem:$0x40] =	vst v2;
	v2 =	vadd.s32 v0, v7  }
0x2b5: {  	[tilespmem:$0x50] =	vst v2;
	v2 =	vadd.s32 v0, v3;
	v3 =	vld [tilespmem:$0xB0]  }
0x2b6: {  	v60 =	vld [tilespmem:$0xC0];
	[tilespmem:$0x60] =	vst v2;
	v2 =	vadd.s32 v0, v56  }
0x2b7: {  	v61 =	vld [tilespmem:$0xD0];
	[tilespmem:$0x70] =	vst v2;
	v2 =	vadd.s32 v0, v57  }
0x2b8: {  	v62 =	vld [tilespmem:$0xE0];
	[tilespmem:$0x80] =	vst v2;
	v2 =	vadd.s32 v0, v58  }
0x2b9: {  	v63 =	vld [tilespmem:$0xF0];
	[tilespmem:$0x90] =	vst v2;
	v2 =	vadd.s32 v0, v59  }
0x2ba: {  	[tilespmem:$0xA0] =	vst v2;
	v2 =	vadd.s32 v0, v3  }
0x2bb: {  	[tilespmem:$0xB0] =	vst v2;
	v2 =	vadd.s32 v0, v60  }
0x2bc: {  	[tilespmem:$0xC0] =	vst v2;
	v2 =	vadd.s32 v0, v61  }
0x2bd: {  	[tilespmem:$0xD0] =	vst v2;
	v2 =	vadd.s32 v0, v62  }
0x2be: {  	[tilespmem:$0xE0] =	vst v2;
	v2 =	vadd.s32 v0, v63  }
0x2bf: {  	[tilespmem:$0xF0] =	vst v2  }
0x2c0: {  	[tilespmem:s18], [sflag:$0x1] =	stream.indirect.gather [hbm4b:s4+s21], $0x80, s2, s21, $0xb8;
	[tilespmem:$0x1F000] =	vst v63  }
0x2c1: {  	_ = 	snop  }
0x2c2: {  	[tilespmem:s22], [sflag:$0x2] =	stream.indirect.gather [hbm4b:s4+s21], $0x80, s21, s21, $0xb8;
	[tilespmem:$0x1F000] =	vst v63  }
0x2c3: {  	_ =	swait.ge [sflag:s23], $0x4000  }
0x2c4: {  	[sflag:s23] =	ssyncset.done $0x0  }
0x2c5: {  	s0 =	simm.s32 @p0 $0x2;
	[sflag:s23] =	ssyncadd.s32 $0xFFFFC000  }
0x2c6: {  	[spmem:s1] =	stream.indirect.scatter.add.f32 [tilespmem:s18], [sflag:$0x3], $0x80, s20, s21, $0xb8;
	[tilespmem:$0x1F000] =	vst v63  }
0x2c7: {  	_ =	swait.ge @p0 [sflag:s0], $0x4000  }
0x2c8: {  	s3 =	simm.s32 @p0 $0x480;
	[sflag:s0] =	ssyncset.done @p0 $0x0  }
0x2c9: {  	s9 =	simm.s32 @p0 $0x4800;
	[sflag:s0] =	ssyncadd.s32 @p0 $0xFFFFC000;
	s0 =	simm.s32 @p0 $0x80  }
0x2ca: {  	[spmem:s1] =	stream.indirect.scatter.add.f32 @p0 [tilespmem:s9], [sflag:$0x4], $0x80, s3, s0, $0xb8;
	[tilespmem:$0x1F000] =	vst v63  }
0x2cb: {  	v2 =	vld @!p0 [tilespmem:$0x400];
	_ =	sdelay $0x6  }
0x2cc: {  	v3 =	vimm.f32 @!p0 $1.000000000e+00;
	s0 =	simm.s32 @!p0 $0x8800  }
0x2cd: {  	[tilespmem:v2+s0+$0x0] =	vst.idx.add.f32.msk @!p0 $0xffff, v3  }
0x2ce: {  	v2 =	vld @!p0 [tilespmem:$0x410];
	_ =	sdelay $0x7  }
0x2cf: {  	[tilespmem:v2+s0+$0x0] =	vst.idx.add.f32.msk @!p0 $0xffff, v3  }
0x2d0: {  	v2 =	vld @!p0 [tilespmem:$0x420];
	_ =	sdelay $0x7  }
0x2d1: {  	[tilespmem:v2+s0+$0x0] =	vst.idx.add.f32.msk @!p0 $0xffff, v3  }
0x2d2: {  	v2 =	vld @!p0 [tilespmem:$0x430];
	_ =	sdelay $0x7  }
0x2d3: {  	[tilespmem:v2+s0+$0x0] =	vst.idx.add.f32.msk @!p0 $0xffff, v3  }
0x2d4: {  	v2 =	vld @!p0 [tilespmem:$0x440];
	_ =	sdelay $0x7  }
0x2d5: {  	[tilespmem:v2+s0+$0x0] =	vst.idx.add.f32.msk @!p0 $0xffff, v3  }
0x2d6: {  	v2 =	vld @!p0 [tilespmem:$0x450];
	_ =	sdelay $0x7  }
0x2d7: {  	[tilespmem:v2+s0+$0x0] =	vst.idx.add.f32.msk @!p0 $0xffff, v3  }
0x2d8: {  	v2 =	vld @!p0 [tilespmem:$0x460];
	_ =	sdelay $0x7  }
0x2d9: {  	[tilespmem:v2+s0+$0x0] =	vst.idx.add.f32.msk @!p0 $0xffff, v3  }
0x2da: {  	v2 =	vld @!p0 [tilespmem:$0x470];
	_ =	sdelay $0x7  }
0x2db: {  	s3 =	simm.s32 @!p0 $0x2;
	[tilespmem:v2+s0+$0x0] =	vst.idx.add.f32.msk @!p0 $0xffff, v3  }
0x2dc: {  	_ =	swait.ge @!p0 [sflag:s3], $0x4000  }
0x2dd: {  	s10 =	simm.s32 @!p0 $0x4800;
	[sflag:s3] =	ssyncset.done @!p0 $0x0  }
0x2de: {  	s9 =	simm.s32 @!p0 $0x480;
	[sflag:s3] =	ssyncadd.s32 @!p0 $0xFFFFC000;
	s3 =	simm.s32 @!p0 $0x80  }
0x2df: {  	[spmem:s1] =	stream.indirect.scatter.add.f32 @!p0 [tilespmem:s10], [sflag:$0x4], $0x80, s9, s3, $0xb8;
	[tilespmem:$0x1F000] =	vst v63  }
0x2e0: {  	v2 =	vld @!p0 [tilespmem:$0x480];
	_ =	sdelay $0x7  }
0x2e1: {  	[tilespmem:v2+s0+$0x0] =	vst.idx.add.f32.msk @!p0 $0xffff, v3  }
0x2e2: {  	v2 =	vld @!p0 [tilespmem:$0x490];
	_ =	sdelay $0x7  }
0x2e3: {  	[tilespmem:v2+s0+$0x0] =	vst.idx.add.f32.msk @!p0 $0xffff, v3  }
0x2e4: {  	v2 =	vld @!p0 [tilespmem:$0x4A0];
	_ =	sdelay $0x7  }
0x2e5: {  	[tilespmem:v2+s0+$0x0] =	vst.idx.add.f32.msk @!p0 $0xffff, v3  }
0x2e6: {  	v2 =	vld @!p0 [tilespmem:$0x4B0];
	_ =	sdelay $0x7  }
0x2e7: {  	[tilespmem:v2+s0+$0x0] =	vst.idx.add.f32.msk @!p0 $0xffff, v3  }
0x2e8: {  	v2 =	vld @!p0 [tilespmem:$0x4C0];
	_ =	sdelay $0x7  }
0x2e9: {  	[tilespmem:v2+s0+$0x0] =	vst.idx.add.f32.msk @!p0 $0xffff, v3  }
0x2ea: {  	v2 =	vld @!p0 [tilespmem:$0x4D0];
	_ =	sdelay $0x7  }
0x2eb: {  	[tilespmem:v2+s0+$0x0] =	vst.idx.add.f32.msk @!p0 $0xffff, v3  }
0x2ec: {  	v2 =	vld @!p0 [tilespmem:$0x4E0];
	_ =	sdelay $0x7  }
0x2ed: {  	[tilespmem:v2+s0+$0x0] =	vst.idx.add.f32.msk @!p0 $0xffff, v3  }
0x2ee: {  	v2 =	vld @!p0 [tilespmem:$0x4F0];
	_ =	sdelay $0x7  }
0x2ef: {  	[tilespmem:v2+s0+$0x0] =	vst.idx.add.f32.msk @!p0 $0xffff, v3  }
0x2f0: {  	_ =	swait.ge [sflag:s24], $0x4000  }
.Ltmp6:
0x2f1: {  	[sflag:s24] =	ssyncset.done $0x0;
	(pc) =	sbr.rel .LBB2_9-.Ltmp6, $4  }
0x2f2: {  	[sflag:s24] =	ssyncadd.s32 $0xFFFFC000  }
0x2f3: {  	_ =	swait.ge [sflag:s25], $0x4000  }
0x2f4: {  	[sflag:s25] =	ssyncset.done $0x0  }
0x2f5: {  	[sflag:s25] =	ssyncadd.s32 $0xFFFFC000  }
.LBB2_10:
0x2f6: {  	_ =	sfence.sel $0x180000  }
0x2f7: {  	[bflag:$0x0] =	sbarrier.arrive $0xFFFF  }
0x2f8: {  	_ =	strace $0x90000047  }
0x2f9: {  	s0 =	stileid.u32;
	[bflag:$0x2] =	sbarrier.arrive $0xFFFF  }
0x2fa: {  	p0 =	sne.s32 s0, $0x0;
	s0 =	rddreg [dreg:$0x2]  }
0x2fb: {  	s0 =	sadd.s32 @!p0 $0x100000, s0  }
0x2fc: {  	[sflag:s0] =	ssyncadd.tile.s32 @!p0 $0x1;
	_ =	shalt  }
.Lfunc_end2:
_tile_overlayer_lowered:
.L_overlay_start_2:
0x2fd: {  	(tag) =	ssettag $0x2  }
0x2fe: {  	s0 =	rddreg [dreg:$0x0];
	s2 =	stileid.u32  }
0x2ff: {  	s1 =	rddreg [dreg:$0x1];
	p0 =	sne.s32 s2, $0x0  }
0x300: {  	s3 =	rddreg [dreg:$0x2];
	[bflag:$0x3] =	sbarrier.arrive $0xFFFF;
	s2 =	simm.s32 @!p0 $0x1C05  }
0x301: {  	[timem:s3], [sflag:s2] =	dma.local @!p0 [hbm:s0], s1  }
0x302: {  	s0 =	simm.s32 @!p0 $0x5  }
0x303: {  	_ =	swait.ge @!p0 [sflag:s0], s1  }
0x304: {  	s1 =	ssub.s32 @!p0 $0x0, s1;
	[sflag:s0] =	ssyncset.done @!p0 $0x0  }
0x305: {  	[sflag:s0] =	ssyncadd.s32 @!p0 s1  }
0x306: {  	[bflag:$0x3] =	sbarrier.arrive $0xFFFF  }
0x307: {  	_ =	shalt  }

</sc_bundles>
